<compile_context>
chip_gen: v7x
topology: tpu7x:2x2x1
jax: 0.10.2.dev20260603
libtpu: 0.0.44.dev20260713+nightly
codegen_flags: <defaults>
</compile_context>

<pallas_src>
import functools

import jax
import jax.numpy as jnp
from jax import lax
from jax.experimental import pallas as pl
from jax.experimental.pallas import tpu as pltpu
from jax.experimental.pallas import tpu_sc as plsc

NC = 2
NS = 16
NW = NC * NS
NBUF = 4
BB = 128
SUB = 8


@functools.lru_cache(maxsize=None)
def _build(B, L, V, D):
    assert B == NW * BB, (B, NW * BB)
    assert D % 16 == 0
    DT = D // SUB
    NQ = D // 16
    assert L % NBUF == 0
    ngrp = L // NBUF

    mesh = plsc.VectorSubcoreMesh(
        core_axis_name="c", subcore_axis_name="s",
        num_cores=NC, num_subcores=NS)

    scratch_types = (
        [pltpu.VMEM((L, D), jnp.float32),
         pltpu.VMEM((L, BB), jnp.int32)]
        + [pltpu.VMEM((BB, D), jnp.float32) for _ in range(NBUF)]
        + [pltpu.VMEM((DT, SUB, BB), jnp.float32) for _ in range(NBUF)]
        + [pltpu.SemaphoreType.DMA for _ in range(2 * NBUF)]
    )

    def body(idxt_hbm, table_hbm, pos_hbm, out_hbm, *scr):
        pos_v = scr[0]
        idxw_v = scr[1]
        g_v = scr[2:2 + NBUF]
        o_v = scr[2 + NBUF:2 + 2 * NBUF]
        s_g = scr[2 + 2 * NBUF:2 + 3 * NBUF]
        s_o = scr[2 + 3 * NBUF:2 + 4 * NBUF]

        wid = lax.axis_index("s") * NC + lax.axis_index("c")

        pltpu.sync_copy(pos_hbm, pos_v)
        pltpu.sync_copy(idxt_hbm.at[:, pl.ds(wid * BB, BB)], idxw_v)

        def start_gather(b, c):
            pltpu.async_copy(table_hbm.at[idxw_v.at[c]], g_v[b], s_g[b])

        def wait_gather(b):
            pltpu.make_async_copy(table_hbm.at[idxw_v.at[0]], g_v[b],
                                  s_g[b]).wait()

        def start_out(b, c):
            pltpu.async_copy(o_v[b], out_hbm.at[c, :, wid], s_o[b])

        def wait_out(b):
            pltpu.make_async_copy(o_v[b], out_hbm.at[0, :, 0], s_o[b]).wait()

        def compute(b, c):
            g = g_v[b]
            o = o_v[b]
            iot = lax.iota(jnp.int32, 16)
            dt_idx = [(q * 16 + iot) // SUB for q in range(NQ)]
            dd_idx = [(q * 16 + iot) % SUB for q in range(NQ)]
            pos_q = [pos_v[c, pl.ds(q * 16, 16)] for q in range(NQ)]

            @plsc.parallel_loop(0, BB, 1, unroll=8)
            def rbody(r):
                bbs = jnp.full((16,), r, jnp.int32)
                for q in range(NQ):
                    x = g[r, pl.ds(q * 16, 16)] + pos_q[q]
                    plsc.store_scatter(o, [dt_idx[q], dd_idx[q], bbs], x)

        for b in range(NBUF):
            start_gather(b, b)

        def group(g, carry):
            for b in range(NBUF):
                c = g * NBUF + b
                wait_gather(b)

                @pl.when(g > 0)
                def _():
                    wait_out(b)

                compute(b, c)
                start_out(b, c)

                @pl.when(g < ngrp - 1)
                def _():
                    start_gather(b, c + NBUF)
            return carry

        lax.fori_loop(0, ngrp, group, 0)

        for b in range(NBUF):
            wait_out(b)

    return pl.kernel(
        body,
        out_type=jax.ShapeDtypeStruct((L, DT, B // BB, SUB, BB), jnp.float32),
        mesh=mesh,
        scratch_types=scratch_types,
        compiler_params=pltpu.CompilerParams(use_tc_tiling_on_sc=False,
                                             needs_layout_passes=False),
    )


def kernel(inputs, token_table, pos_table):
    B, L = inputs.shape
    V, D = token_table.shape
    idxt = inputs.T.astype(jnp.int32)
    a = _build(B, L, V, D)(idxt, token_table, pos_table)
    return a.transpose(2, 4, 0, 1, 3).reshape(B, L, D)

# --- scband reference (transcript-rebuilt; emitter-appended) ---
"""Pipeline reference for scband-positional-embedding-73667279061017 (READ-ONLY COPY).

The authoritative reference and input builder live on the scoring server;
editing this copy changes nothing except your own understanding.
"""

import jax, jax.numpy as jnp
import numpy as np

SEQ_LEN = 200
VOCAB = 100000
DIM = 64
BATCH = 4096

def setup_inputs(seed: int = 0) -> dict:
    key = jax.random.key(seed)
    k1, k2, k3 = jax.random.split(key, 3)
    inputs = jax.random.randint(k1, (BATCH, SEQ_LEN), 0, VOCAB, dtype=jnp.int64 if jax.config.jax_enable_x64 else jnp.int32)
    token_table = jax.random.normal(k2, (VOCAB, DIM), dtype=jnp.float32) * 0.05
    pos_table = jax.random.normal(k3, (SEQ_LEN, DIM), dtype=jnp.float32) * 0.05
    return {"inputs": inputs, "token_table": token_table, "pos_table": pos_table}

def reference(inputs, token_table, pos_table):
    # token embedding lookup: gather rows of token_table
    embedded_tokens = jnp.take(token_table, inputs, axis=0)  # [B, L, D]
    # positional embedding: positions 0..L-1
    length = inputs.shape[-1]
    positions = jnp.arange(length)
    embedded_positions = jnp.take(pos_table, positions, axis=0)  # [L, D]
    return embedded_tokens + embedded_positions[None, :, :]

if __name__ == "__main__":
    import jax
    _d = setup_inputs()
    print(jax.jit(kernel)(*tuple(_d.values())))

</pallas_src>

<mosaic_0001>
#map = affine_map<(d0, d1) -> (0, 0)>
#map1 = affine_map<(d0, d1) -> (0, 0, 0, 0, 0)>
module attributes {stable_mosaic.version = 14 : i64} {
  func.func @body(%arg0: i32, %arg1: i32, %arg2: memref<200x4096xi32, #tpu.memory_space<hbm>>, %arg3: memref<100000x64xf32, #tpu.memory_space<hbm>>, %arg4: memref<200x64xf32, #tpu.memory_space<hbm>>, %arg5: memref<200x8x32x8x128xf32, #tpu.memory_space<hbm>>, %arg6: memref<200x64xf32, #tpu.memory_space<vmem>>, %arg7: memref<200x128xi32, #tpu.memory_space<vmem>>, %arg8: memref<128x64xf32, #tpu.memory_space<vmem>>, %arg9: memref<128x64xf32, #tpu.memory_space<vmem>>, %arg10: memref<128x64xf32, #tpu.memory_space<vmem>>, %arg11: memref<128x64xf32, #tpu.memory_space<vmem>>, %arg12: memref<8x8x128xf32, #tpu.memory_space<vmem>>, %arg13: memref<8x8x128xf32, #tpu.memory_space<vmem>>, %arg14: memref<8x8x128xf32, #tpu.memory_space<vmem>>, %arg15: memref<8x8x128xf32, #tpu.memory_space<vmem>>, %arg16: memref<!tpu.dma_semaphore, #tpu.memory_space<semaphore_mem>>, %arg17: memref<!tpu.dma_semaphore, #tpu.memory_space<semaphore_mem>>, %arg18: memref<!tpu.dma_semaphore, #tpu.memory_space<semaphore_mem>>, %arg19: memref<!tpu.dma_semaphore, #tpu.memory_space<semaphore_mem>>, %arg20: memref<!tpu.dma_semaphore, #tpu.memory_space<semaphore_mem>>, %arg21: memref<!tpu.dma_semaphore, #tpu.memory_space<semaphore_mem>>, %arg22: memref<!tpu.dma_semaphore, #tpu.memory_space<semaphore_mem>>, %arg23: memref<!tpu.dma_semaphore, #tpu.memory_space<semaphore_mem>>) attributes {dimension_semantics = [#tpu.dimension_semantics<core_parallel>, #tpu.dimension_semantics<subcore_parallel>], iteration_bounds = array<i64: 2, 16>, scalar_prefetch = 0 : i64, scratch_operands = 18 : i64, tpu.core_type = #tpu.core_type<sc_vector_subcore>, window_params = [{transform_indices = #map}, {transform_indices = #map}, {transform_indices = #map}, {transform_indices = #map1}]} {
    %mul3A = arith.constant 2 : i32
    %mul3A_0 = arith.muli %arg1, %mul3A : i32
    %add3A = arith.addi %mul3A_0, %arg0 : i32
    "tpu.region"() ({
      %run_scoped3A = tpu.sem_alloc : memref<!tpu.dma_semaphore, #tpu.memory_space<semaphore_mem>>
      tpu.enqueue_dma source(%arg4 : memref<200x64xf32, #tpu.memory_space<hbm>>) target(%arg6 : memref<200x64xf32, #tpu.memory_space<vmem>>) target_semaphore(%run_scoped3A : memref<!tpu.dma_semaphore, #tpu.memory_space<semaphore_mem>>)
      tpu.wait_dma2 semaphore(%run_scoped3A : memref<!tpu.dma_semaphore, #tpu.memory_space<semaphore_mem>>) src(%arg4 : memref<200x64xf32, #tpu.memory_space<hbm>>) dst(%arg6 : memref<200x64xf32, #tpu.memory_space<vmem>>)
      tpu.yield
    }) : () -> ()
    %mul3A_1 = arith.constant 128 : i32
    %mul3A_2 = arith.muli %add3A, %mul3A_1 : i32
    "tpu.region"() ({
      %run_scoped3A = tpu.sem_alloc : memref<!tpu.dma_semaphore, #tpu.memory_space<semaphore_mem>>
      %dma_start3A_82 = arith.constant 0 : i32
      %dma_start3A_83 = tpu.memref_slice %arg2[%dma_start3A_82, %mul3A_2] : memref<200x4096xi32, #tpu.memory_space<hbm>> -> memref<200x128xi32, #tpu.memory_space<hbm>>
      %dma_start3A_84 = arith.constant 0 : i32
      %dma_start3A_85 = tpu.memref_slice %arg2[%dma_start3A_84, %mul3A_2] : memref<200x4096xi32, #tpu.memory_space<hbm>> -> memref<200x128xi32, #tpu.memory_space<hbm>>
      tpu.enqueue_dma source(%dma_start3A_85 : memref<200x128xi32, #tpu.memory_space<hbm>>) target(%arg7 : memref<200x128xi32, #tpu.memory_space<vmem>>) target_semaphore(%run_scoped3A : memref<!tpu.dma_semaphore, #tpu.memory_space<semaphore_mem>>)
      %dma_wait3A_86 = arith.constant 0 : i32
      %dma_wait3A_87 = tpu.memref_slice %arg2[%dma_wait3A_86, %mul3A_2] : memref<200x4096xi32, #tpu.memory_space<hbm>> -> memref<200x128xi32, #tpu.memory_space<hbm>>
      %dma_wait3A_88 = arith.constant 0 : i32
      %dma_wait3A_89 = tpu.memref_slice %arg2[%dma_wait3A_88, %mul3A_2] : memref<200x4096xi32, #tpu.memory_space<hbm>> -> memref<200x128xi32, #tpu.memory_space<hbm>>
      tpu.wait_dma2 semaphore(%run_scoped3A : memref<!tpu.dma_semaphore, #tpu.memory_space<semaphore_mem>>) src(%dma_wait3A_89 : memref<200x128xi32, #tpu.memory_space<hbm>>) dst(%arg7 : memref<200x128xi32, #tpu.memory_space<vmem>>)
      tpu.yield
    }) : () -> ()
    %dma_start3A = arith.constant 0 : i32
    %dma_start3A_3 = arith.constant 0 : i32
    %dma_start3A_4 = tpu.memref_slice %arg7[%dma_start3A, %dma_start3A_3] : memref<200x128xi32, #tpu.memory_space<vmem>> -> memref<1x128xi32, #tpu.memory_space<vmem>>
    %dma_start3A_5 = tpu.memref_squeeze %dma_start3A_4 : memref<1x128xi32, #tpu.memory_space<vmem>> -> memref<128xi32, #tpu.memory_space<vmem>>
    %dma_start3A_6 = arith.constant 0 : i32
    %dma_start3A_7 = arith.constant 0 : i32
    %dma_start3A_8 = tpu.memref_slice %arg3[%dma_start3A_6, %dma_start3A_7] : memref<100000x64xf32, #tpu.memory_space<hbm>> -> memref<100000x64xf32, #tpu.memory_space<hbm>>
    tpu.enqueue_indirect_dma source(%dma_start3A_8 : memref<100000x64xf32, #tpu.memory_space<hbm>>) target(%arg8 : memref<128x64xf32, #tpu.memory_space<vmem>>) offsets(%dma_start3A_5 : memref<128xi32, #tpu.memory_space<vmem>>) semaphore(%arg16 : memref<!tpu.dma_semaphore, #tpu.memory_space<semaphore_mem>>)
    %dma_start3A_9 = arith.constant 1 : i32
    %dma_start3A_10 = arith.constant 0 : i32
    %dma_start3A_11 = tpu.memref_slice %arg7[%dma_start3A_9, %dma_start3A_10] : memref<200x128xi32, #tpu.memory_space<vmem>> -> memref<1x128xi32, #tpu.memory_space<vmem>>
    %dma_start3A_12 = tpu.memref_squeeze %dma_start3A_11 : memref<1x128xi32, #tpu.memory_space<vmem>> -> memref<128xi32, #tpu.memory_space<vmem>>
    %dma_start3A_13 = arith.constant 0 : i32
    %dma_start3A_14 = arith.constant 0 : i32
    %dma_start3A_15 = tpu.memref_slice %arg3[%dma_start3A_13, %dma_start3A_14] : memref<100000x64xf32, #tpu.memory_space<hbm>> -> memref<100000x64xf32, #tpu.memory_space<hbm>>
    tpu.enqueue_indirect_dma source(%dma_start3A_15 : memref<100000x64xf32, #tpu.memory_space<hbm>>) target(%arg9 : memref<128x64xf32, #tpu.memory_space<vmem>>) offsets(%dma_start3A_12 : memref<128xi32, #tpu.memory_space<vmem>>) semaphore(%arg17 : memref<!tpu.dma_semaphore, #tpu.memory_space<semaphore_mem>>)
    %dma_start3A_16 = arith.constant 2 : i32
    %dma_start3A_17 = arith.constant 0 : i32
    %dma_start3A_18 = tpu.memref_slice %arg7[%dma_start3A_16, %dma_start3A_17] : memref<200x128xi32, #tpu.memory_space<vmem>> -> memref<1x128xi32, #tpu.memory_space<vmem>>
    %dma_start3A_19 = tpu.memref_squeeze %dma_start3A_18 : memref<1x128xi32, #tpu.memory_space<vmem>> -> memref<128xi32, #tpu.memory_space<vmem>>
    %dma_start3A_20 = arith.constant 0 : i32
    %dma_start3A_21 = arith.constant 0 : i32
    %dma_start3A_22 = tpu.memref_slice %arg3[%dma_start3A_20, %dma_start3A_21] : memref<100000x64xf32, #tpu.memory_space<hbm>> -> memref<100000x64xf32, #tpu.memory_space<hbm>>
    tpu.enqueue_indirect_dma source(%dma_start3A_22 : memref<100000x64xf32, #tpu.memory_space<hbm>>) target(%arg10 : memref<128x64xf32, #tpu.memory_space<vmem>>) offsets(%dma_start3A_19 : memref<128xi32, #tpu.memory_space<vmem>>) semaphore(%arg18 : memref<!tpu.dma_semaphore, #tpu.memory_space<semaphore_mem>>)
    %dma_start3A_23 = arith.constant 3 : i32
    %dma_start3A_24 = arith.constant 0 : i32
    %dma_start3A_25 = tpu.memref_slice %arg7[%dma_start3A_23, %dma_start3A_24] : memref<200x128xi32, #tpu.memory_space<vmem>> -> memref<1x128xi32, #tpu.memory_space<vmem>>
    %dma_start3A_26 = tpu.memref_squeeze %dma_start3A_25 : memref<1x128xi32, #tpu.memory_space<vmem>> -> memref<128xi32, #tpu.memory_space<vmem>>
    %dma_start3A_27 = arith.constant 0 : i32
    %dma_start3A_28 = arith.constant 0 : i32
    %dma_start3A_29 = tpu.memref_slice %arg3[%dma_start3A_27, %dma_start3A_28] : memref<100000x64xf32, #tpu.memory_space<hbm>> -> memref<100000x64xf32, #tpu.memory_space<hbm>>
    tpu.enqueue_indirect_dma source(%dma_start3A_29 : memref<100000x64xf32, #tpu.memory_space<hbm>>) target(%arg11 : memref<128x64xf32, #tpu.memory_space<vmem>>) offsets(%dma_start3A_26 : memref<128xi32, #tpu.memory_space<vmem>>) semaphore(%arg19 : memref<!tpu.dma_semaphore, #tpu.memory_space<semaphore_mem>>)
    %scan3A = arith.constant 0 : i32
    %scan3A_30 = arith.constant 0 : i32
    %scan3A_31 = arith.constant 50 : i32
    %scan3A_32 = arith.addi %scan3A_30, %scan3A_31 : i32
    %scan3A_33 = arith.constant 1 : i32
    scf.for %scan3A_82 = %scan3A_30 to %scan3A_32 step %scan3A_33  : i32 {
      %mul3A_83 = arith.constant 4 : i32
      %mul3A_84 = arith.muli %scan3A_82, %mul3A_83 : i32
      %add3A_85 = arith.constant 0 : i32
      %add3A_86 = arith.addi %mul3A_84, %add3A_85 : i32
      %dma_wait3A_87 = arith.constant 0 : i32
      %dma_wait3A_88 = arith.constant 0 : i32
      %dma_wait3A_89 = tpu.memref_slice %arg7[%dma_wait3A_87, %dma_wait3A_88] : memref<200x128xi32, #tpu.memory_space<vmem>> -> memref<1x128xi32, #tpu.memory_space<vmem>>
      %dma_wait3A_90 = tpu.memref_squeeze %dma_wait3A_89 : memref<1x128xi32, #tpu.memory_space<vmem>> -> memref<128xi32, #tpu.memory_space<vmem>>
      %dma_wait3A_91 = arith.constant 0 : i32
      %dma_wait3A_92 = arith.constant 0 : i32
      %dma_wait3A_93 = tpu.memref_slice %arg3[%dma_wait3A_91, %dma_wait3A_92] : memref<100000x64xf32, #tpu.memory_space<hbm>> -> memref<100000x64xf32, #tpu.memory_space<hbm>>
      tpu.wait_indirect_dma semaphore(%arg16 : memref<!tpu.dma_semaphore, #tpu.memory_space<semaphore_mem>>) src(%dma_wait3A_93 : memref<100000x64xf32, #tpu.memory_space<hbm>>) dst(%arg8 : memref<128x64xf32, #tpu.memory_space<vmem>>)
      %gt3A = arith.constant 0 : i32
      %gt3A_94 = arith.cmpi sgt, %scan3A_82, %gt3A : i32
      %convert_element_type3A = arith.extui %gt3A_94 : i1 to i32
      %cond3A = arith.constant 0 : i32
      %cond3A_95 = arith.cmpi ne, %convert_element_type3A, %cond3A : i32
      scf.if %cond3A_95 {
        %dma_wait3A_1199 = arith.constant 0 : i32
        %dma_wait3A_1200 = arith.constant 0 : i32
        %dma_wait3A_1201 = arith.constant 0 : i32
        %dma_wait3A_1202 = arith.constant 0 : i32
        %dma_wait3A_1203 = arith.constant 0 : i32
        %dma_wait3A_1204 = tpu.memref_slice %arg5[%dma_wait3A_1199, %dma_wait3A_1201, %dma_wait3A_1200, %dma_wait3A_1202, %dma_wait3A_1203] : memref<200x8x32x8x128xf32, #tpu.memory_space<hbm>> -> memref<1x8x1x8x128xf32, #tpu.memory_space<hbm>>
        %dma_wait3A_1205 = tpu.memref_squeeze %dma_wait3A_1204 : memref<1x8x1x8x128xf32, #tpu.memory_space<hbm>> -> memref<8x8x128xf32, #tpu.memory_space<hbm>>
        %dma_wait3A_1206 = arith.constant 0 : i32
        %dma_wait3A_1207 = arith.constant 0 : i32
        %dma_wait3A_1208 = arith.constant 0 : i32
        %dma_wait3A_1209 = tpu.memref_slice %arg5[%dma_wait3A_1199, %dma_wait3A_1206, %dma_wait3A_1200, %dma_wait3A_1207, %dma_wait3A_1208] : memref<200x8x32x8x128xf32, #tpu.memory_space<hbm>> -> memref<1x8x1x8x128xf32, #tpu.memory_space<hbm>>
        %dma_wait3A_1210 = tpu.memref_squeeze %dma_wait3A_1209 : memref<1x8x1x8x128xf32, #tpu.memory_space<hbm>> -> memref<8x8x128xf32, #tpu.memory_space<hbm>>
        tpu.wait_dma2 semaphore(%arg20 : memref<!tpu.dma_semaphore, #tpu.memory_space<semaphore_mem>>) src(%arg12 : memref<8x8x128xf32, #tpu.memory_space<vmem>>) dst(%dma_wait3A_1210 : memref<8x8x128xf32, #tpu.memory_space<hbm>>)
      } else {
      }
      %iota3A = tpu.iota {dimensions = array<i32: 0>} : vector<16xi32>
      %add3A_96 = arith.constant 0 : i32
      %add3A_97 = vector.broadcast %add3A_96 : i32 to vector<16xi32>
      %add3A_98 = arith.addi %add3A_97, %iota3A : vector<16xi32>
      %jit3A = arith.constant 8 : i32
      %div3A = vector.broadcast %jit3A : i32 to vector<16xi32>
      %div3A_99 = arith.divsi %add3A_98, %div3A : vector<16xi32>
      %sign3A = arith.constant 0 : i32
      %sign3A_100 = vector.broadcast %sign3A : i32 to vector<16xi32>
      %sign3A_101 = arith.cmpi sgt, %add3A_98, %sign3A_100 : vector<16xi32>
      %sign3A_102 = arith.extui %sign3A_101 : vector<16xi1> to vector<16xi32>
      %sign3A_103 = arith.constant 0 : i32
      %sign3A_104 = vector.broadcast %sign3A_103 : i32 to vector<16xi32>
      %sign3A_105 = arith.cmpi slt, %add3A_98, %sign3A_104 : vector<16xi32>
      %sign3A_106 = arith.extui %sign3A_105 : vector<16xi1> to vector<16xi32>
      %sign3A_107 = arith.subi %sign3A_102, %sign3A_106 : vector<16xi32>
      %sign3A_108 = arith.constant 0 : i32
      %sign3A_109 = arith.cmpi sgt, %jit3A, %sign3A_108 : i32
      %sign3A_110 = arith.extui %sign3A_109 : i1 to i32
      %sign3A_111 = arith.constant 0 : i32
      %sign3A_112 = arith.cmpi slt, %jit3A, %sign3A_111 : i32
      %sign3A_113 = arith.extui %sign3A_112 : i1 to i32
      %sign3A_114 = arith.subi %sign3A_110, %sign3A_113 : i32
      %ne3A = vector.broadcast %sign3A_114 : i32 to vector<16xi32>
      %ne3A_115 = arith.cmpi ne, %sign3A_107, %ne3A : vector<16xi32>
      %rem3A = vector.broadcast %jit3A : i32 to vector<16xi32>
      %rem3A_116 = arith.remsi %add3A_98, %rem3A : vector<16xi32>
      %ne3A_117 = arith.constant 0 : i32
      %ne3A_118 = vector.broadcast %ne3A_117 : i32 to vector<16xi32>
      %ne3A_119 = arith.cmpi ne, %rem3A_116, %ne3A_118 : vector<16xi32>
      %and3A = arith.andi %ne3A_115, %ne3A_119 : vector<16xi1>
      %sub3A = arith.constant 1 : i32
      %sub3A_120 = vector.broadcast %sub3A : i32 to vector<16xi32>
      %sub3A_121 = arith.subi %div3A_99, %sub3A_120 : vector<16xi32>
      %select_n3A = arith.select %and3A, %sub3A_121, %div3A_99 : vector<16xi1>, vector<16xi32>
      %add3A_122 = arith.constant 16 : i32
      %add3A_123 = vector.broadcast %add3A_122 : i32 to vector<16xi32>
      %add3A_124 = arith.addi %add3A_123, %iota3A : vector<16xi32>
      %jit3A_125 = arith.constant 8 : i32
      %div3A_126 = vector.broadcast %jit3A_125 : i32 to vector<16xi32>
      %div3A_127 = arith.divsi %add3A_124, %div3A_126 : vector<16xi32>
      %sign3A_128 = arith.constant 0 : i32
      %sign3A_129 = vector.broadcast %sign3A_128 : i32 to vector<16xi32>
      %sign3A_130 = arith.cmpi sgt, %add3A_124, %sign3A_129 : vector<16xi32>
      %sign3A_131 = arith.extui %sign3A_130 : vector<16xi1> to vector<16xi32>
      %sign3A_132 = arith.constant 0 : i32
      %sign3A_133 = vector.broadcast %sign3A_132 : i32 to vector<16xi32>
      %sign3A_134 = arith.cmpi slt, %add3A_124, %sign3A_133 : vector<16xi32>
      %sign3A_135 = arith.extui %sign3A_134 : vector<16xi1> to vector<16xi32>
      %sign3A_136 = arith.subi %sign3A_131, %sign3A_135 : vector<16xi32>
      %sign3A_137 = arith.constant 0 : i32
      %sign3A_138 = arith.cmpi sgt, %jit3A_125, %sign3A_137 : i32
      %sign3A_139 = arith.extui %sign3A_138 : i1 to i32
      %sign3A_140 = arith.constant 0 : i32
      %sign3A_141 = arith.cmpi slt, %jit3A_125, %sign3A_140 : i32
      %sign3A_142 = arith.extui %sign3A_141 : i1 to i32
      %sign3A_143 = arith.subi %sign3A_139, %sign3A_142 : i32
      %ne3A_144 = vector.broadcast %sign3A_143 : i32 to vector<16xi32>
      %ne3A_145 = arith.cmpi ne, %sign3A_136, %ne3A_144 : vector<16xi32>
      %rem3A_146 = vector.broadcast %jit3A_125 : i32 to vector<16xi32>
      %rem3A_147 = arith.remsi %add3A_124, %rem3A_146 : vector<16xi32>
      %ne3A_148 = arith.constant 0 : i32
      %ne3A_149 = vector.broadcast %ne3A_148 : i32 to vector<16xi32>
      %ne3A_150 = arith.cmpi ne, %rem3A_147, %ne3A_149 : vector<16xi32>
      %and3A_151 = arith.andi %ne3A_145, %ne3A_150 : vector<16xi1>
      %sub3A_152 = arith.constant 1 : i32
      %sub3A_153 = vector.broadcast %sub3A_152 : i32 to vector<16xi32>
      %sub3A_154 = arith.subi %div3A_127, %sub3A_153 : vector<16xi32>
      %select_n3A_155 = arith.select %and3A_151, %sub3A_154, %div3A_127 : vector<16xi1>, vector<16xi32>
      %add3A_156 = arith.constant 32 : i32
      %add3A_157 = vector.broadcast %add3A_156 : i32 to vector<16xi32>
      %add3A_158 = arith.addi %add3A_157, %iota3A : vector<16xi32>
      %jit3A_159 = arith.constant 8 : i32
      %div3A_160 = vector.broadcast %jit3A_159 : i32 to vector<16xi32>
      %div3A_161 = arith.divsi %add3A_158, %div3A_160 : vector<16xi32>
      %sign3A_162 = arith.constant 0 : i32
      %sign3A_163 = vector.broadcast %sign3A_162 : i32 to vector<16xi32>
      %sign3A_164 = arith.cmpi sgt, %add3A_158, %sign3A_163 : vector<16xi32>
      %sign3A_165 = arith.extui %sign3A_164 : vector<16xi1> to vector<16xi32>
      %sign3A_166 = arith.constant 0 : i32
      %sign3A_167 = vector.broadcast %sign3A_166 : i32 to vector<16xi32>
      %sign3A_168 = arith.cmpi slt, %add3A_158, %sign3A_167 : vector<16xi32>
      %sign3A_169 = arith.extui %sign3A_168 : vector<16xi1> to vector<16xi32>
      %sign3A_170 = arith.subi %sign3A_165, %sign3A_169 : vector<16xi32>
      %sign3A_171 = arith.constant 0 : i32
      %sign3A_172 = arith.cmpi sgt, %jit3A_159, %sign3A_171 : i32
      %sign3A_173 = arith.extui %sign3A_172 : i1 to i32
      %sign3A_174 = arith.constant 0 : i32
      %sign3A_175 = arith.cmpi slt, %jit3A_159, %sign3A_174 : i32
      %sign3A_176 = arith.extui %sign3A_175 : i1 to i32
      %sign3A_177 = arith.subi %sign3A_173, %sign3A_176 : i32
      %ne3A_178 = vector.broadcast %sign3A_177 : i32 to vector<16xi32>
      %ne3A_179 = arith.cmpi ne, %sign3A_170, %ne3A_178 : vector<16xi32>
      %rem3A_180 = vector.broadcast %jit3A_159 : i32 to vector<16xi32>
      %rem3A_181 = arith.remsi %add3A_158, %rem3A_180 : vector<16xi32>
      %ne3A_182 = arith.constant 0 : i32
      %ne3A_183 = vector.broadcast %ne3A_182 : i32 to vector<16xi32>
      %ne3A_184 = arith.cmpi ne, %rem3A_181, %ne3A_183 : vector<16xi32>
      %and3A_185 = arith.andi %ne3A_179, %ne3A_184 : vector<16xi1>
      %sub3A_186 = arith.constant 1 : i32
      %sub3A_187 = vector.broadcast %sub3A_186 : i32 to vector<16xi32>
      %sub3A_188 = arith.subi %div3A_161, %sub3A_187 : vector<16xi32>
      %select_n3A_189 = arith.select %and3A_185, %sub3A_188, %div3A_161 : vector<16xi1>, vector<16xi32>
      %add3A_190 = arith.constant 48 : i32
      %add3A_191 = vector.broadcast %add3A_190 : i32 to vector<16xi32>
      %add3A_192 = arith.addi %add3A_191, %iota3A : vector<16xi32>
      %jit3A_193 = arith.constant 8 : i32
      %div3A_194 = vector.broadcast %jit3A_193 : i32 to vector<16xi32>
      %div3A_195 = arith.divsi %add3A_192, %div3A_194 : vector<16xi32>
      %sign3A_196 = arith.constant 0 : i32
      %sign3A_197 = vector.broadcast %sign3A_196 : i32 to vector<16xi32>
      %sign3A_198 = arith.cmpi sgt, %add3A_192, %sign3A_197 : vector<16xi32>
      %sign3A_199 = arith.extui %sign3A_198 : vector<16xi1> to vector<16xi32>
      %sign3A_200 = arith.constant 0 : i32
      %sign3A_201 = vector.broadcast %sign3A_200 : i32 to vector<16xi32>
      %sign3A_202 = arith.cmpi slt, %add3A_192, %sign3A_201 : vector<16xi32>
      %sign3A_203 = arith.extui %sign3A_202 : vector<16xi1> to vector<16xi32>
      %sign3A_204 = arith.subi %sign3A_199, %sign3A_203 : vector<16xi32>
      %sign3A_205 = arith.constant 0 : i32
      %sign3A_206 = arith.cmpi sgt, %jit3A_193, %sign3A_205 : i32
      %sign3A_207 = arith.extui %sign3A_206 : i1 to i32
      %sign3A_208 = arith.constant 0 : i32
      %sign3A_209 = arith.cmpi slt, %jit3A_193, %sign3A_208 : i32
      %sign3A_210 = arith.extui %sign3A_209 : i1 to i32
      %sign3A_211 = arith.subi %sign3A_207, %sign3A_210 : i32
      %ne3A_212 = vector.broadcast %sign3A_211 : i32 to vector<16xi32>
      %ne3A_213 = arith.cmpi ne, %sign3A_204, %ne3A_212 : vector<16xi32>
      %rem3A_214 = vector.broadcast %jit3A_193 : i32 to vector<16xi32>
      %rem3A_215 = arith.remsi %add3A_192, %rem3A_214 : vector<16xi32>
      %ne3A_216 = arith.constant 0 : i32
      %ne3A_217 = vector.broadcast %ne3A_216 : i32 to vector<16xi32>
      %ne3A_218 = arith.cmpi ne, %rem3A_215, %ne3A_217 : vector<16xi32>
      %and3A_219 = arith.andi %ne3A_213, %ne3A_218 : vector<16xi1>
      %sub3A_220 = arith.constant 1 : i32
      %sub3A_221 = vector.broadcast %sub3A_220 : i32 to vector<16xi32>
      %sub3A_222 = arith.subi %div3A_195, %sub3A_221 : vector<16xi32>
      %select_n3A_223 = arith.select %and3A_219, %sub3A_222, %div3A_195 : vector<16xi1>, vector<16xi32>
      %add3A_224 = arith.constant 0 : i32
      %add3A_225 = vector.broadcast %add3A_224 : i32 to vector<16xi32>
      %add3A_226 = arith.addi %add3A_225, %iota3A : vector<16xi32>
      %jit3A_227 = arith.constant 8 : i32
      %eq3A = arith.constant 0 : i32
      %eq3A_228 = arith.cmpi eq, %jit3A_227, %eq3A : i32
      %jit3A_229 = arith.constant 1 : i32
      %select_n3A_230 = arith.select %eq3A_228, %jit3A_229, %jit3A_227 : i32
      %rem3A_231 = vector.broadcast %select_n3A_230 : i32 to vector<16xi32>
      %rem3A_232 = arith.remsi %add3A_226, %rem3A_231 : vector<16xi32>
      %ne3A_233 = arith.constant 0 : i32
      %ne3A_234 = vector.broadcast %ne3A_233 : i32 to vector<16xi32>
      %ne3A_235 = arith.cmpi ne, %rem3A_232, %ne3A_234 : vector<16xi32>
      %lt3A = arith.constant 0 : i32
      %lt3A_236 = vector.broadcast %lt3A : i32 to vector<16xi32>
      %lt3A_237 = arith.cmpi slt, %rem3A_232, %lt3A_236 : vector<16xi32>
      %lt3A_238 = arith.constant 0 : i32
      %lt3A_239 = arith.cmpi slt, %select_n3A_230, %lt3A_238 : i32
      %ne3A_240 = vector.broadcast %lt3A_239 : i1 to vector<16xi1>
      %ne3A_241 = vector.broadcast %ne3A_240 : vector<16xi1> to vector<16xi1>
      %ne3A_242 = arith.xori %lt3A_237, %ne3A_241 : vector<16xi1>
      %and3A_243 = arith.andi %ne3A_242, %ne3A_235 : vector<16xi1>
      %add3A_244 = vector.broadcast %select_n3A_230 : i32 to vector<16xi32>
      %add3A_245 = arith.addi %rem3A_232, %add3A_244 : vector<16xi32>
      %select_n3A_246 = arith.select %and3A_243, %add3A_245, %rem3A_232 : vector<16xi1>, vector<16xi32>
      %add3A_247 = arith.constant 16 : i32
      %add3A_248 = vector.broadcast %add3A_247 : i32 to vector<16xi32>
      %add3A_249 = arith.addi %add3A_248, %iota3A : vector<16xi32>
      %jit3A_250 = arith.constant 8 : i32
      %eq3A_251 = arith.constant 0 : i32
      %eq3A_252 = arith.cmpi eq, %jit3A_250, %eq3A_251 : i32
      %jit3A_253 = arith.constant 1 : i32
      %select_n3A_254 = arith.select %eq3A_252, %jit3A_253, %jit3A_250 : i32
      %rem3A_255 = vector.broadcast %select_n3A_254 : i32 to vector<16xi32>
      %rem3A_256 = arith.remsi %add3A_249, %rem3A_255 : vector<16xi32>
      %ne3A_257 = arith.constant 0 : i32
      %ne3A_258 = vector.broadcast %ne3A_257 : i32 to vector<16xi32>
      %ne3A_259 = arith.cmpi ne, %rem3A_256, %ne3A_258 : vector<16xi32>
      %lt3A_260 = arith.constant 0 : i32
      %lt3A_261 = vector.broadcast %lt3A_260 : i32 to vector<16xi32>
      %lt3A_262 = arith.cmpi slt, %rem3A_256, %lt3A_261 : vector<16xi32>
      %lt3A_263 = arith.constant 0 : i32
      %lt3A_264 = arith.cmpi slt, %select_n3A_254, %lt3A_263 : i32
      %ne3A_265 = vector.broadcast %lt3A_264 : i1 to vector<16xi1>
      %ne3A_266 = vector.broadcast %ne3A_265 : vector<16xi1> to vector<16xi1>
      %ne3A_267 = arith.xori %lt3A_262, %ne3A_266 : vector<16xi1>
      %and3A_268 = arith.andi %ne3A_267, %ne3A_259 : vector<16xi1>
      %add3A_269 = vector.broadcast %select_n3A_254 : i32 to vector<16xi32>
      %add3A_270 = arith.addi %rem3A_256, %add3A_269 : vector<16xi32>
      %select_n3A_271 = arith.select %and3A_268, %add3A_270, %rem3A_256 : vector<16xi1>, vector<16xi32>
      %add3A_272 = arith.constant 32 : i32
      %add3A_273 = vector.broadcast %add3A_272 : i32 to vector<16xi32>
      %add3A_274 = arith.addi %add3A_273, %iota3A : vector<16xi32>
      %jit3A_275 = arith.constant 8 : i32
      %eq3A_276 = arith.constant 0 : i32
      %eq3A_277 = arith.cmpi eq, %jit3A_275, %eq3A_276 : i32
      %jit3A_278 = arith.constant 1 : i32
      %select_n3A_279 = arith.select %eq3A_277, %jit3A_278, %jit3A_275 : i32
      %rem3A_280 = vector.broadcast %select_n3A_279 : i32 to vector<16xi32>
      %rem3A_281 = arith.remsi %add3A_274, %rem3A_280 : vector<16xi32>
      %ne3A_282 = arith.constant 0 : i32
      %ne3A_283 = vector.broadcast %ne3A_282 : i32 to vector<16xi32>
      %ne3A_284 = arith.cmpi ne, %rem3A_281, %ne3A_283 : vector<16xi32>
      %lt3A_285 = arith.constant 0 : i32
      %lt3A_286 = vector.broadcast %lt3A_285 : i32 to vector<16xi32>
      %lt3A_287 = arith.cmpi slt, %rem3A_281, %lt3A_286 : vector<16xi32>
      %lt3A_288 = arith.constant 0 : i32
      %lt3A_289 = arith.cmpi slt, %select_n3A_279, %lt3A_288 : i32
      %ne3A_290 = vector.broadcast %lt3A_289 : i1 to vector<16xi1>
      %ne3A_291 = vector.broadcast %ne3A_290 : vector<16xi1> to vector<16xi1>
      %ne3A_292 = arith.xori %lt3A_287, %ne3A_291 : vector<16xi1>
      %and3A_293 = arith.andi %ne3A_292, %ne3A_284 : vector<16xi1>
      %add3A_294 = vector.broadcast %select_n3A_279 : i32 to vector<16xi32>
      %add3A_295 = arith.addi %rem3A_281, %add3A_294 : vector<16xi32>
      %select_n3A_296 = arith.select %and3A_293, %add3A_295, %rem3A_281 : vector<16xi1>, vector<16xi32>
      %add3A_297 = arith.constant 48 : i32
      %add3A_298 = vector.broadcast %add3A_297 : i32 to vector<16xi32>
      %add3A_299 = arith.addi %add3A_298, %iota3A : vector<16xi32>
      %jit3A_300 = arith.constant 8 : i32
      %eq3A_301 = arith.constant 0 : i32
      %eq3A_302 = arith.cmpi eq, %jit3A_300, %eq3A_301 : i32
      %jit3A_303 = arith.constant 1 : i32
      %select_n3A_304 = arith.select %eq3A_302, %jit3A_303, %jit3A_300 : i32
      %rem3A_305 = vector.broadcast %select_n3A_304 : i32 to vector<16xi32>
      %rem3A_306 = arith.remsi %add3A_299, %rem3A_305 : vector<16xi32>
      %ne3A_307 = arith.constant 0 : i32
      %ne3A_308 = vector.broadcast %ne3A_307 : i32 to vector<16xi32>
      %ne3A_309 = arith.cmpi ne, %rem3A_306, %ne3A_308 : vector<16xi32>
      %lt3A_310 = arith.constant 0 : i32
      %lt3A_311 = vector.broadcast %lt3A_310 : i32 to vector<16xi32>
      %lt3A_312 = arith.cmpi slt, %rem3A_306, %lt3A_311 : vector<16xi32>
      %lt3A_313 = arith.constant 0 : i32
      %lt3A_314 = arith.cmpi slt, %select_n3A_304, %lt3A_313 : i32
      %ne3A_315 = vector.broadcast %lt3A_314 : i1 to vector<16xi1>
      %ne3A_316 = vector.broadcast %ne3A_315 : vector<16xi1> to vector<16xi1>
      %ne3A_317 = arith.xori %lt3A_312, %ne3A_316 : vector<16xi1>
      %and3A_318 = arith.andi %ne3A_317, %ne3A_309 : vector<16xi1>
      %add3A_319 = vector.broadcast %select_n3A_304 : i32 to vector<16xi32>
      %add3A_320 = arith.addi %rem3A_306, %add3A_319 : vector<16xi32>
      %select_n3A_321 = arith.select %and3A_318, %add3A_320, %rem3A_306 : vector<16xi1>, vector<16xi32>
      %get3A = arith.index_cast %add3A_86 : i32 to index
      %get3A_322 = arith.constant 0 : index
      %get3A_323 = tpu.vector_load %arg6[%get3A, %get3A_322] {strides = array<i32>} : memref<200x64xf32, #tpu.memory_space<vmem>>, vector<16xf32>,
      %get3A_324 = arith.index_cast %add3A_86 : i32 to index
      %get3A_325 = arith.constant 16 : index
      %get3A_326 = tpu.vector_load %arg6[%get3A_324, %get3A_325] {strides = array<i32>} : memref<200x64xf32, #tpu.memory_space<vmem>>, vector<16xf32>,
      %get3A_327 = arith.index_cast %add3A_86 : i32 to index
      %get3A_328 = arith.constant 32 : index
      %get3A_329 = tpu.vector_load %arg6[%get3A_327, %get3A_328] {strides = array<i32>} : memref<200x64xf32, #tpu.memory_space<vmem>>, vector<16xf32>,
      %get3A_330 = arith.index_cast %add3A_86 : i32 to index
      %get3A_331 = arith.constant 48 : index
      %get3A_332 = tpu.vector_load %arg6[%get3A_330, %get3A_331] {strides = array<i32>} : memref<200x64xf32, #tpu.memory_space<vmem>>, vector<16xf32>,
      %parallel_loop3A = arith.constant 0 : i32
      %parallel_loop3A_333 = arith.constant 128 : i32
      %parallel_loop3A_334 = arith.constant 1 : i32
      scf.for %parallel_loop3A_1199 = %parallel_loop3A to %parallel_loop3A_333 step %parallel_loop3A_334  : i32 {
        %parallel_loop3A_1200 = vector.broadcast %parallel_loop3A_1199 : i32 to vector<16xi32>
        %parallel_loop3A_1201 = arith.index_cast %parallel_loop3A_1199 : i32 to index
        %parallel_loop3A_1202 = arith.constant 0 : index
        %parallel_loop3A_1203 = tpu.vector_load %arg8[%parallel_loop3A_1201, %parallel_loop3A_1202] {strides = array<i32>} : memref<128x64xf32, #tpu.memory_space<vmem>>, vector<16xf32>,
        %parallel_loop3A_1204 = arith.addf %parallel_loop3A_1203, %get3A_323 : vector<16xf32>
        tpu.vector_store_idx %arg12[%select_n3A, %select_n3A_246, %parallel_loop3A_1200], %parallel_loop3A_1204 : memref<8x8x128xf32, #tpu.memory_space<vmem>>[vector<16xi32>, vector<16xi32>, vector<16xi32>], vector<16xf32>,
        %parallel_loop3A_1205 = arith.index_cast %parallel_loop3A_1199 : i32 to index
        %parallel_loop3A_1206 = arith.constant 16 : index
        %parallel_loop3A_1207 = tpu.vector_load %arg8[%parallel_loop3A_1205, %parallel_loop3A_1206] {strides = array<i32>} : memref<128x64xf32, #tpu.memory_space<vmem>>, vector<16xf32>,
        %parallel_loop3A_1208 = arith.addf %parallel_loop3A_1207, %get3A_326 : vector<16xf32>
        tpu.vector_store_idx %arg12[%select_n3A_155, %select_n3A_271, %parallel_loop3A_1200], %parallel_loop3A_1208 : memref<8x8x128xf32, #tpu.memory_space<vmem>>[vector<16xi32>, vector<16xi32>, vector<16xi32>], vector<16xf32>,
        %parallel_loop3A_1209 = arith.index_cast %parallel_loop3A_1199 : i32 to index
        %parallel_loop3A_1210 = arith.constant 32 : index
        %parallel_loop3A_1211 = tpu.vector_load %arg8[%parallel_loop3A_1209, %parallel_loop3A_1210] {strides = array<i32>} : memref<128x64xf32, #tpu.memory_space<vmem>>, vector<16xf32>,
        %parallel_loop3A_1212 = arith.addf %parallel_loop3A_1211, %get3A_329 : vector<16xf32>
        tpu.vector_store_idx %arg12[%select_n3A_189, %select_n3A_296, %parallel_loop3A_1200], %parallel_loop3A_1212 : memref<8x8x128xf32, #tpu.memory_space<vmem>>[vector<16xi32>, vector<16xi32>, vector<16xi32>], vector<16xf32>,
        %parallel_loop3A_1213 = arith.index_cast %parallel_loop3A_1199 : i32 to index
        %parallel_loop3A_1214 = arith.constant 48 : index
        %parallel_loop3A_1215 = tpu.vector_load %arg8[%parallel_loop3A_1213, %parallel_loop3A_1214] {strides = array<i32>} : memref<128x64xf32, #tpu.memory_space<vmem>>, vector<16xf32>,
        %parallel_loop3A_1216 = arith.addf %parallel_loop3A_1215, %get3A_332 : vector<16xf32>
        tpu.vector_store_idx %arg12[%select_n3A_223, %select_n3A_321, %parallel_loop3A_1200], %parallel_loop3A_1216 : memref<8x8x128xf32, #tpu.memory_space<vmem>>[vector<16xi32>, vector<16xi32>, vector<16xi32>], vector<16xf32>,
      } {sc.loop_unroll_factor = 8 : i64, sc.parallel_access}
      %dma_start3A_335 = arith.constant 0 : i32
      %dma_start3A_336 = arith.constant 0 : i32
      %dma_start3A_337 = arith.constant 0 : i32
      %dma_start3A_338 = tpu.memref_slice %arg5[%add3A_86, %dma_start3A_335, %add3A, %dma_start3A_336, %dma_start3A_337] : memref<200x8x32x8x128xf32, #tpu.memory_space<hbm>> -> memref<1x8x1x8x128xf32, #tpu.memory_space<hbm>>
      %dma_start3A_339 = tpu.memref_squeeze %dma_start3A_338 : memref<1x8x1x8x128xf32, #tpu.memory_space<hbm>> -> memref<8x8x128xf32, #tpu.memory_space<hbm>>
      %dma_start3A_340 = arith.constant 0 : i32
      %dma_start3A_341 = arith.constant 0 : i32
      %dma_start3A_342 = arith.constant 0 : i32
      %dma_start3A_343 = tpu.memref_slice %arg5[%add3A_86, %dma_start3A_340, %add3A, %dma_start3A_341, %dma_start3A_342] : memref<200x8x32x8x128xf32, #tpu.memory_space<hbm>> -> memref<1x8x1x8x128xf32, #tpu.memory_space<hbm>>
      %dma_start3A_344 = tpu.memref_squeeze %dma_start3A_343 : memref<1x8x1x8x128xf32, #tpu.memory_space<hbm>> -> memref<8x8x128xf32, #tpu.memory_space<hbm>>
      tpu.enqueue_dma source(%arg12 : memref<8x8x128xf32, #tpu.memory_space<vmem>>) target(%dma_start3A_344 : memref<8x8x128xf32, #tpu.memory_space<hbm>>) target_semaphore(%arg20 : memref<!tpu.dma_semaphore, #tpu.memory_space<semaphore_mem>>)
      %lt3A_345 = arith.constant 49 : i32
      %lt3A_346 = arith.cmpi slt, %scan3A_82, %lt3A_345 : i32
      %convert_element_type3A_347 = arith.extui %lt3A_346 : i1 to i32
      %cond3A_348 = arith.constant 0 : i32
      %cond3A_349 = arith.cmpi ne, %convert_element_type3A_347, %cond3A_348 : i32
      scf.if %cond3A_349 {
        %add3A_1199 = arith.constant 4 : i32
        %add3A_1200 = arith.addi %add3A_86, %add3A_1199 : i32
        %dma_start3A_1201 = arith.constant 0 : i32
        %dma_start3A_1202 = tpu.memref_slice %arg7[%add3A_1200, %dma_start3A_1201] : memref<200x128xi32, #tpu.memory_space<vmem>> -> memref<1x128xi32, #tpu.memory_space<vmem>>
        %dma_start3A_1203 = tpu.memref_squeeze %dma_start3A_1202 : memref<1x128xi32, #tpu.memory_space<vmem>> -> memref<128xi32, #tpu.memory_space<vmem>>
        %dma_start3A_1204 = arith.constant 0 : i32
        %dma_start3A_1205 = arith.constant 0 : i32
        %dma_start3A_1206 = tpu.memref_slice %arg3[%dma_start3A_1204, %dma_start3A_1205] : memref<100000x64xf32, #tpu.memory_space<hbm>> -> memref<100000x64xf32, #tpu.memory_space<hbm>>
        tpu.enqueue_indirect_dma source(%dma_start3A_1206 : memref<100000x64xf32, #tpu.memory_space<hbm>>) target(%arg8 : memref<128x64xf32, #tpu.memory_space<vmem>>) offsets(%dma_start3A_1203 : memref<128xi32, #tpu.memory_space<vmem>>) semaphore(%arg16 : memref<!tpu.dma_semaphore, #tpu.memory_space<semaphore_mem>>)
      } else {
      }
      %mul3A_350 = arith.constant 4 : i32
      %mul3A_351 = arith.muli %scan3A_82, %mul3A_350 : i32
      %add3A_352 = arith.constant 1 : i32
      %add3A_353 = arith.addi %mul3A_351, %add3A_352 : i32
      %dma_wait3A_354 = arith.constant 0 : i32
      %dma_wait3A_355 = arith.constant 0 : i32
      %dma_wait3A_356 = tpu.memref_slice %arg7[%dma_wait3A_354, %dma_wait3A_355] : memref<200x128xi32, #tpu.memory_space<vmem>> -> memref<1x128xi32, #tpu.memory_space<vmem>>
      %dma_wait3A_357 = tpu.memref_squeeze %dma_wait3A_356 : memref<1x128xi32, #tpu.memory_space<vmem>> -> memref<128xi32, #tpu.memory_space<vmem>>
      %dma_wait3A_358 = arith.constant 0 : i32
      %dma_wait3A_359 = arith.constant 0 : i32
      %dma_wait3A_360 = tpu.memref_slice %arg3[%dma_wait3A_358, %dma_wait3A_359] : memref<100000x64xf32, #tpu.memory_space<hbm>> -> memref<100000x64xf32, #tpu.memory_space<hbm>>
      tpu.wait_indirect_dma semaphore(%arg17 : memref<!tpu.dma_semaphore, #tpu.memory_space<semaphore_mem>>) src(%dma_wait3A_360 : memref<100000x64xf32, #tpu.memory_space<hbm>>) dst(%arg9 : memref<128x64xf32, #tpu.memory_space<vmem>>)
      %gt3A_361 = arith.constant 0 : i32
      %gt3A_362 = arith.cmpi sgt, %scan3A_82, %gt3A_361 : i32
      %convert_element_type3A_363 = arith.extui %gt3A_362 : i1 to i32
      %cond3A_364 = arith.constant 0 : i32
      %cond3A_365 = arith.cmpi ne, %convert_element_type3A_363, %cond3A_364 : i32
      scf.if %cond3A_365 {
        %dma_wait3A_1199 = arith.constant 0 : i32
        %dma_wait3A_1200 = arith.constant 0 : i32
        %dma_wait3A_1201 = arith.constant 0 : i32
        %dma_wait3A_1202 = arith.constant 0 : i32
        %dma_wait3A_1203 = arith.constant 0 : i32
        %dma_wait3A_1204 = tpu.memref_slice %arg5[%dma_wait3A_1199, %dma_wait3A_1201, %dma_wait3A_1200, %dma_wait3A_1202, %dma_wait3A_1203] : memref<200x8x32x8x128xf32, #tpu.memory_space<hbm>> -> memref<1x8x1x8x128xf32, #tpu.memory_space<hbm>>
        %dma_wait3A_1205 = tpu.memref_squeeze %dma_wait3A_1204 : memref<1x8x1x8x128xf32, #tpu.memory_space<hbm>> -> memref<8x8x128xf32, #tpu.memory_space<hbm>>
        %dma_wait3A_1206 = arith.constant 0 : i32
        %dma_wait3A_1207 = arith.constant 0 : i32
        %dma_wait3A_1208 = arith.constant 0 : i32
        %dma_wait3A_1209 = tpu.memref_slice %arg5[%dma_wait3A_1199, %dma_wait3A_1206, %dma_wait3A_1200, %dma_wait3A_1207, %dma_wait3A_1208] : memref<200x8x32x8x128xf32, #tpu.memory_space<hbm>> -> memref<1x8x1x8x128xf32, #tpu.memory_space<hbm>>
        %dma_wait3A_1210 = tpu.memref_squeeze %dma_wait3A_1209 : memref<1x8x1x8x128xf32, #tpu.memory_space<hbm>> -> memref<8x8x128xf32, #tpu.memory_space<hbm>>
        tpu.wait_dma2 semaphore(%arg21 : memref<!tpu.dma_semaphore, #tpu.memory_space<semaphore_mem>>) src(%arg13 : memref<8x8x128xf32, #tpu.memory_space<vmem>>) dst(%dma_wait3A_1210 : memref<8x8x128xf32, #tpu.memory_space<hbm>>)
      } else {
      }
      %iota3A_366 = tpu.iota {dimensions = array<i32: 0>} : vector<16xi32>
      %add3A_367 = arith.constant 0 : i32
      %add3A_368 = vector.broadcast %add3A_367 : i32 to vector<16xi32>
      %add3A_369 = arith.addi %add3A_368, %iota3A_366 : vector<16xi32>
      %jit3A_370 = arith.constant 8 : i32
      %div3A_371 = vector.broadcast %jit3A_370 : i32 to vector<16xi32>
      %div3A_372 = arith.divsi %add3A_369, %div3A_371 : vector<16xi32>
      %sign3A_373 = arith.constant 0 : i32
      %sign3A_374 = vector.broadcast %sign3A_373 : i32 to vector<16xi32>
      %sign3A_375 = arith.cmpi sgt, %add3A_369, %sign3A_374 : vector<16xi32>
      %sign3A_376 = arith.extui %sign3A_375 : vector<16xi1> to vector<16xi32>
      %sign3A_377 = arith.constant 0 : i32
      %sign3A_378 = vector.broadcast %sign3A_377 : i32 to vector<16xi32>
      %sign3A_379 = arith.cmpi slt, %add3A_369, %sign3A_378 : vector<16xi32>
      %sign3A_380 = arith.extui %sign3A_379 : vector<16xi1> to vector<16xi32>
      %sign3A_381 = arith.subi %sign3A_376, %sign3A_380 : vector<16xi32>
      %sign3A_382 = arith.constant 0 : i32
      %sign3A_383 = arith.cmpi sgt, %jit3A_370, %sign3A_382 : i32
      %sign3A_384 = arith.extui %sign3A_383 : i1 to i32
      %sign3A_385 = arith.constant 0 : i32
      %sign3A_386 = arith.cmpi slt, %jit3A_370, %sign3A_385 : i32
      %sign3A_387 = arith.extui %sign3A_386 : i1 to i32
      %sign3A_388 = arith.subi %sign3A_384, %sign3A_387 : i32
      %ne3A_389 = vector.broadcast %sign3A_388 : i32 to vector<16xi32>
      %ne3A_390 = arith.cmpi ne, %sign3A_381, %ne3A_389 : vector<16xi32>
      %rem3A_391 = vector.broadcast %jit3A_370 : i32 to vector<16xi32>
      %rem3A_392 = arith.remsi %add3A_369, %rem3A_391 : vector<16xi32>
      %ne3A_393 = arith.constant 0 : i32
      %ne3A_394 = vector.broadcast %ne3A_393 : i32 to vector<16xi32>
      %ne3A_395 = arith.cmpi ne, %rem3A_392, %ne3A_394 : vector<16xi32>
      %and3A_396 = arith.andi %ne3A_390, %ne3A_395 : vector<16xi1>
      %sub3A_397 = arith.constant 1 : i32
      %sub3A_398 = vector.broadcast %sub3A_397 : i32 to vector<16xi32>
      %sub3A_399 = arith.subi %div3A_372, %sub3A_398 : vector<16xi32>
      %select_n3A_400 = arith.select %and3A_396, %sub3A_399, %div3A_372 : vector<16xi1>, vector<16xi32>
      %add3A_401 = arith.constant 16 : i32
      %add3A_402 = vector.broadcast %add3A_401 : i32 to vector<16xi32>
      %add3A_403 = arith.addi %add3A_402, %iota3A_366 : vector<16xi32>
      %jit3A_404 = arith.constant 8 : i32
      %div3A_405 = vector.broadcast %jit3A_404 : i32 to vector<16xi32>
      %div3A_406 = arith.divsi %add3A_403, %div3A_405 : vector<16xi32>
      %sign3A_407 = arith.constant 0 : i32
      %sign3A_408 = vector.broadcast %sign3A_407 : i32 to vector<16xi32>
      %sign3A_409 = arith.cmpi sgt, %add3A_403, %sign3A_408 : vector<16xi32>
      %sign3A_410 = arith.extui %sign3A_409 : vector<16xi1> to vector<16xi32>
      %sign3A_411 = arith.constant 0 : i32
      %sign3A_412 = vector.broadcast %sign3A_411 : i32 to vector<16xi32>
      %sign3A_413 = arith.cmpi slt, %add3A_403, %sign3A_412 : vector<16xi32>
      %sign3A_414 = arith.extui %sign3A_413 : vector<16xi1> to vector<16xi32>
      %sign3A_415 = arith.subi %sign3A_410, %sign3A_414 : vector<16xi32>
      %sign3A_416 = arith.constant 0 : i32
      %sign3A_417 = arith.cmpi sgt, %jit3A_404, %sign3A_416 : i32
      %sign3A_418 = arith.extui %sign3A_417 : i1 to i32
      %sign3A_419 = arith.constant 0 : i32
      %sign3A_420 = arith.cmpi slt, %jit3A_404, %sign3A_419 : i32
      %sign3A_421 = arith.extui %sign3A_420 : i1 to i32
      %sign3A_422 = arith.subi %sign3A_418, %sign3A_421 : i32
      %ne3A_423 = vector.broadcast %sign3A_422 : i32 to vector<16xi32>
      %ne3A_424 = arith.cmpi ne, %sign3A_415, %ne3A_423 : vector<16xi32>
      %rem3A_425 = vector.broadcast %jit3A_404 : i32 to vector<16xi32>
      %rem3A_426 = arith.remsi %add3A_403, %rem3A_425 : vector<16xi32>
      %ne3A_427 = arith.constant 0 : i32
      %ne3A_428 = vector.broadcast %ne3A_427 : i32 to vector<16xi32>
      %ne3A_429 = arith.cmpi ne, %rem3A_426, %ne3A_428 : vector<16xi32>
      %and3A_430 = arith.andi %ne3A_424, %ne3A_429 : vector<16xi1>
      %sub3A_431 = arith.constant 1 : i32
      %sub3A_432 = vector.broadcast %sub3A_431 : i32 to vector<16xi32>
      %sub3A_433 = arith.subi %div3A_406, %sub3A_432 : vector<16xi32>
      %select_n3A_434 = arith.select %and3A_430, %sub3A_433, %div3A_406 : vector<16xi1>, vector<16xi32>
      %add3A_435 = arith.constant 32 : i32
      %add3A_436 = vector.broadcast %add3A_435 : i32 to vector<16xi32>
      %add3A_437 = arith.addi %add3A_436, %iota3A_366 : vector<16xi32>
      %jit3A_438 = arith.constant 8 : i32
      %div3A_439 = vector.broadcast %jit3A_438 : i32 to vector<16xi32>
      %div3A_440 = arith.divsi %add3A_437, %div3A_439 : vector<16xi32>
      %sign3A_441 = arith.constant 0 : i32
      %sign3A_442 = vector.broadcast %sign3A_441 : i32 to vector<16xi32>
      %sign3A_443 = arith.cmpi sgt, %add3A_437, %sign3A_442 : vector<16xi32>
      %sign3A_444 = arith.extui %sign3A_443 : vector<16xi1> to vector<16xi32>
      %sign3A_445 = arith.constant 0 : i32
      %sign3A_446 = vector.broadcast %sign3A_445 : i32 to vector<16xi32>
      %sign3A_447 = arith.cmpi slt, %add3A_437, %sign3A_446 : vector<16xi32>
      %sign3A_448 = arith.extui %sign3A_447 : vector<16xi1> to vector<16xi32>
      %sign3A_449 = arith.subi %sign3A_444, %sign3A_448 : vector<16xi32>
      %sign3A_450 = arith.constant 0 : i32
      %sign3A_451 = arith.cmpi sgt, %jit3A_438, %sign3A_450 : i32
      %sign3A_452 = arith.extui %sign3A_451 : i1 to i32
      %sign3A_453 = arith.constant 0 : i32
      %sign3A_454 = arith.cmpi slt, %jit3A_438, %sign3A_453 : i32
      %sign3A_455 = arith.extui %sign3A_454 : i1 to i32
      %sign3A_456 = arith.subi %sign3A_452, %sign3A_455 : i32
      %ne3A_457 = vector.broadcast %sign3A_456 : i32 to vector<16xi32>
      %ne3A_458 = arith.cmpi ne, %sign3A_449, %ne3A_457 : vector<16xi32>
      %rem3A_459 = vector.broadcast %jit3A_438 : i32 to vector<16xi32>
      %rem3A_460 = arith.remsi %add3A_437, %rem3A_459 : vector<16xi32>
      %ne3A_461 = arith.constant 0 : i32
      %ne3A_462 = vector.broadcast %ne3A_461 : i32 to vector<16xi32>
      %ne3A_463 = arith.cmpi ne, %rem3A_460, %ne3A_462 : vector<16xi32>
      %and3A_464 = arith.andi %ne3A_458, %ne3A_463 : vector<16xi1>
      %sub3A_465 = arith.constant 1 : i32
      %sub3A_466 = vector.broadcast %sub3A_465 : i32 to vector<16xi32>
      %sub3A_467 = arith.subi %div3A_440, %sub3A_466 : vector<16xi32>
      %select_n3A_468 = arith.select %and3A_464, %sub3A_467, %div3A_440 : vector<16xi1>, vector<16xi32>
      %add3A_469 = arith.constant 48 : i32
      %add3A_470 = vector.broadcast %add3A_469 : i32 to vector<16xi32>
      %add3A_471 = arith.addi %add3A_470, %iota3A_366 : vector<16xi32>
      %jit3A_472 = arith.constant 8 : i32
      %div3A_473 = vector.broadcast %jit3A_472 : i32 to vector<16xi32>
      %div3A_474 = arith.divsi %add3A_471, %div3A_473 : vector<16xi32>
      %sign3A_475 = arith.constant 0 : i32
      %sign3A_476 = vector.broadcast %sign3A_475 : i32 to vector<16xi32>
      %sign3A_477 = arith.cmpi sgt, %add3A_471, %sign3A_476 : vector<16xi32>
      %sign3A_478 = arith.extui %sign3A_477 : vector<16xi1> to vector<16xi32>
      %sign3A_479 = arith.constant 0 : i32
      %sign3A_480 = vector.broadcast %sign3A_479 : i32 to vector<16xi32>
      %sign3A_481 = arith.cmpi slt, %add3A_471, %sign3A_480 : vector<16xi32>
      %sign3A_482 = arith.extui %sign3A_481 : vector<16xi1> to vector<16xi32>
      %sign3A_483 = arith.subi %sign3A_478, %sign3A_482 : vector<16xi32>
      %sign3A_484 = arith.constant 0 : i32
      %sign3A_485 = arith.cmpi sgt, %jit3A_472, %sign3A_484 : i32
      %sign3A_486 = arith.extui %sign3A_485 : i1 to i32
      %sign3A_487 = arith.constant 0 : i32
      %sign3A_488 = arith.cmpi slt, %jit3A_472, %sign3A_487 : i32
      %sign3A_489 = arith.extui %sign3A_488 : i1 to i32
      %sign3A_490 = arith.subi %sign3A_486, %sign3A_489 : i32
      %ne3A_491 = vector.broadcast %sign3A_490 : i32 to vector<16xi32>
      %ne3A_492 = arith.cmpi ne, %sign3A_483, %ne3A_491 : vector<16xi32>
      %rem3A_493 = vector.broadcast %jit3A_472 : i32 to vector<16xi32>
      %rem3A_494 = arith.remsi %add3A_471, %rem3A_493 : vector<16xi32>
      %ne3A_495 = arith.constant 0 : i32
      %ne3A_496 = vector.broadcast %ne3A_495 : i32 to vector<16xi32>
      %ne3A_497 = arith.cmpi ne, %rem3A_494, %ne3A_496 : vector<16xi32>
      %and3A_498 = arith.andi %ne3A_492, %ne3A_497 : vector<16xi1>
      %sub3A_499 = arith.constant 1 : i32
      %sub3A_500 = vector.broadcast %sub3A_499 : i32 to vector<16xi32>
      %sub3A_501 = arith.subi %div3A_474, %sub3A_500 : vector<16xi32>
      %select_n3A_502 = arith.select %and3A_498, %sub3A_501, %div3A_474 : vector<16xi1>, vector<16xi32>
      %add3A_503 = arith.constant 0 : i32
      %add3A_504 = vector.broadcast %add3A_503 : i32 to vector<16xi32>
      %add3A_505 = arith.addi %add3A_504, %iota3A_366 : vector<16xi32>
      %jit3A_506 = arith.constant 8 : i32
      %eq3A_507 = arith.constant 0 : i32
      %eq3A_508 = arith.cmpi eq, %jit3A_506, %eq3A_507 : i32
      %jit3A_509 = arith.constant 1 : i32
      %select_n3A_510 = arith.select %eq3A_508, %jit3A_509, %jit3A_506 : i32
      %rem3A_511 = vector.broadcast %select_n3A_510 : i32 to vector<16xi32>
      %rem3A_512 = arith.remsi %add3A_505, %rem3A_511 : vector<16xi32>
      %ne3A_513 = arith.constant 0 : i32
      %ne3A_514 = vector.broadcast %ne3A_513 : i32 to vector<16xi32>
      %ne3A_515 = arith.cmpi ne, %rem3A_512, %ne3A_514 : vector<16xi32>
      %lt3A_516 = arith.constant 0 : i32
      %lt3A_517 = vector.broadcast %lt3A_516 : i32 to vector<16xi32>
      %lt3A_518 = arith.cmpi slt, %rem3A_512, %lt3A_517 : vector<16xi32>
      %lt3A_519 = arith.constant 0 : i32
      %lt3A_520 = arith.cmpi slt, %select_n3A_510, %lt3A_519 : i32
      %ne3A_521 = vector.broadcast %lt3A_520 : i1 to vector<16xi1>
      %ne3A_522 = vector.broadcast %ne3A_521 : vector<16xi1> to vector<16xi1>
      %ne3A_523 = arith.xori %lt3A_518, %ne3A_522 : vector<16xi1>
      %and3A_524 = arith.andi %ne3A_523, %ne3A_515 : vector<16xi1>
      %add3A_525 = vector.broadcast %select_n3A_510 : i32 to vector<16xi32>
      %add3A_526 = arith.addi %rem3A_512, %add3A_525 : vector<16xi32>
      %select_n3A_527 = arith.select %and3A_524, %add3A_526, %rem3A_512 : vector<16xi1>, vector<16xi32>
      %add3A_528 = arith.constant 16 : i32
      %add3A_529 = vector.broadcast %add3A_528 : i32 to vector<16xi32>
      %add3A_530 = arith.addi %add3A_529, %iota3A_366 : vector<16xi32>
      %jit3A_531 = arith.constant 8 : i32
      %eq3A_532 = arith.constant 0 : i32
      %eq3A_533 = arith.cmpi eq, %jit3A_531, %eq3A_532 : i32
      %jit3A_534 = arith.constant 1 : i32
      %select_n3A_535 = arith.select %eq3A_533, %jit3A_534, %jit3A_531 : i32
      %rem3A_536 = vector.broadcast %select_n3A_535 : i32 to vector<16xi32>
      %rem3A_537 = arith.remsi %add3A_530, %rem3A_536 : vector<16xi32>
      %ne3A_538 = arith.constant 0 : i32
      %ne3A_539 = vector.broadcast %ne3A_538 : i32 to vector<16xi32>
      %ne3A_540 = arith.cmpi ne, %rem3A_537, %ne3A_539 : vector<16xi32>
      %lt3A_541 = arith.constant 0 : i32
      %lt3A_542 = vector.broadcast %lt3A_541 : i32 to vector<16xi32>
      %lt3A_543 = arith.cmpi slt, %rem3A_537, %lt3A_542 : vector<16xi32>
      %lt3A_544 = arith.constant 0 : i32
      %lt3A_545 = arith.cmpi slt, %select_n3A_535, %lt3A_544 : i32
      %ne3A_546 = vector.broadcast %lt3A_545 : i1 to vector<16xi1>
      %ne3A_547 = vector.broadcast %ne3A_546 : vector<16xi1> to vector<16xi1>
      %ne3A_548 = arith.xori %lt3A_543, %ne3A_547 : vector<16xi1>
      %and3A_549 = arith.andi %ne3A_548, %ne3A_540 : vector<16xi1>
      %add3A_550 = vector.broadcast %select_n3A_535 : i32 to vector<16xi32>
      %add3A_551 = arith.addi %rem3A_537, %add3A_550 : vector<16xi32>
      %select_n3A_552 = arith.select %and3A_549, %add3A_551, %rem3A_537 : vector<16xi1>, vector<16xi32>
      %add3A_553 = arith.constant 32 : i32
      %add3A_554 = vector.broadcast %add3A_553 : i32 to vector<16xi32>
      %add3A_555 = arith.addi %add3A_554, %iota3A_366 : vector<16xi32>
      %jit3A_556 = arith.constant 8 : i32
      %eq3A_557 = arith.constant 0 : i32
      %eq3A_558 = arith.cmpi eq, %jit3A_556, %eq3A_557 : i32
      %jit3A_559 = arith.constant 1 : i32
      %select_n3A_560 = arith.select %eq3A_558, %jit3A_559, %jit3A_556 : i32
      %rem3A_561 = vector.broadcast %select_n3A_560 : i32 to vector<16xi32>
      %rem3A_562 = arith.remsi %add3A_555, %rem3A_561 : vector<16xi32>
      %ne3A_563 = arith.constant 0 : i32
      %ne3A_564 = vector.broadcast %ne3A_563 : i32 to vector<16xi32>
      %ne3A_565 = arith.cmpi ne, %rem3A_562, %ne3A_564 : vector<16xi32>
      %lt3A_566 = arith.constant 0 : i32
      %lt3A_567 = vector.broadcast %lt3A_566 : i32 to vector<16xi32>
      %lt3A_568 = arith.cmpi slt, %rem3A_562, %lt3A_567 : vector<16xi32>
      %lt3A_569 = arith.constant 0 : i32
      %lt3A_570 = arith.cmpi slt, %select_n3A_560, %lt3A_569 : i32
      %ne3A_571 = vector.broadcast %lt3A_570 : i1 to vector<16xi1>
      %ne3A_572 = vector.broadcast %ne3A_571 : vector<16xi1> to vector<16xi1>
      %ne3A_573 = arith.xori %lt3A_568, %ne3A_572 : vector<16xi1>
      %and3A_574 = arith.andi %ne3A_573, %ne3A_565 : vector<16xi1>
      %add3A_575 = vector.broadcast %select_n3A_560 : i32 to vector<16xi32>
      %add3A_576 = arith.addi %rem3A_562, %add3A_575 : vector<16xi32>
      %select_n3A_577 = arith.select %and3A_574, %add3A_576, %rem3A_562 : vector<16xi1>, vector<16xi32>
      %add3A_578 = arith.constant 48 : i32
      %add3A_579 = vector.broadcast %add3A_578 : i32 to vector<16xi32>
      %add3A_580 = arith.addi %add3A_579, %iota3A_366 : vector<16xi32>
      %jit3A_581 = arith.constant 8 : i32
      %eq3A_582 = arith.constant 0 : i32
      %eq3A_583 = arith.cmpi eq, %jit3A_581, %eq3A_582 : i32
      %jit3A_584 = arith.constant 1 : i32
      %select_n3A_585 = arith.select %eq3A_583, %jit3A_584, %jit3A_581 : i32
      %rem3A_586 = vector.broadcast %select_n3A_585 : i32 to vector<16xi32>
      %rem3A_587 = arith.remsi %add3A_580, %rem3A_586 : vector<16xi32>
      %ne3A_588 = arith.constant 0 : i32
      %ne3A_589 = vector.broadcast %ne3A_588 : i32 to vector<16xi32>
      %ne3A_590 = arith.cmpi ne, %rem3A_587, %ne3A_589 : vector<16xi32>
      %lt3A_591 = arith.constant 0 : i32
      %lt3A_592 = vector.broadcast %lt3A_591 : i32 to vector<16xi32>
      %lt3A_593 = arith.cmpi slt, %rem3A_587, %lt3A_592 : vector<16xi32>
      %lt3A_594 = arith.constant 0 : i32
      %lt3A_595 = arith.cmpi slt, %select_n3A_585, %lt3A_594 : i32
      %ne3A_596 = vector.broadcast %lt3A_595 : i1 to vector<16xi1>
      %ne3A_597 = vector.broadcast %ne3A_596 : vector<16xi1> to vector<16xi1>
      %ne3A_598 = arith.xori %lt3A_593, %ne3A_597 : vector<16xi1>
      %and3A_599 = arith.andi %ne3A_598, %ne3A_590 : vector<16xi1>
      %add3A_600 = vector.broadcast %select_n3A_585 : i32 to vector<16xi32>
      %add3A_601 = arith.addi %rem3A_587, %add3A_600 : vector<16xi32>
      %select_n3A_602 = arith.select %and3A_599, %add3A_601, %rem3A_587 : vector<16xi1>, vector<16xi32>
      %get3A_603 = arith.index_cast %add3A_353 : i32 to index
      %get3A_604 = arith.constant 0 : index
      %get3A_605 = tpu.vector_load %arg6[%get3A_603, %get3A_604] {strides = array<i32>} : memref<200x64xf32, #tpu.memory_space<vmem>>, vector<16xf32>,
      %get3A_606 = arith.index_cast %add3A_353 : i32 to index
      %get3A_607 = arith.constant 16 : index
      %get3A_608 = tpu.vector_load %arg6[%get3A_606, %get3A_607] {strides = array<i32>} : memref<200x64xf32, #tpu.memory_space<vmem>>, vector<16xf32>,
      %get3A_609 = arith.index_cast %add3A_353 : i32 to index
      %get3A_610 = arith.constant 32 : index
      %get3A_611 = tpu.vector_load %arg6[%get3A_609, %get3A_610] {strides = array<i32>} : memref<200x64xf32, #tpu.memory_space<vmem>>, vector<16xf32>,
      %get3A_612 = arith.index_cast %add3A_353 : i32 to index
      %get3A_613 = arith.constant 48 : index
      %get3A_614 = tpu.vector_load %arg6[%get3A_612, %get3A_613] {strides = array<i32>} : memref<200x64xf32, #tpu.memory_space<vmem>>, vector<16xf32>,
      %parallel_loop3A_615 = arith.constant 0 : i32
      %parallel_loop3A_616 = arith.constant 128 : i32
      %parallel_loop3A_617 = arith.constant 1 : i32
      scf.for %parallel_loop3A_1199 = %parallel_loop3A_615 to %parallel_loop3A_616 step %parallel_loop3A_617  : i32 {
        %parallel_loop3A_1200 = vector.broadcast %parallel_loop3A_1199 : i32 to vector<16xi32>
        %parallel_loop3A_1201 = arith.index_cast %parallel_loop3A_1199 : i32 to index
        %parallel_loop3A_1202 = arith.constant 0 : index
        %parallel_loop3A_1203 = tpu.vector_load %arg9[%parallel_loop3A_1201, %parallel_loop3A_1202] {strides = array<i32>} : memref<128x64xf32, #tpu.memory_space<vmem>>, vector<16xf32>,
        %parallel_loop3A_1204 = arith.addf %parallel_loop3A_1203, %get3A_605 : vector<16xf32>
        tpu.vector_store_idx %arg13[%select_n3A_400, %select_n3A_527, %parallel_loop3A_1200], %parallel_loop3A_1204 : memref<8x8x128xf32, #tpu.memory_space<vmem>>[vector<16xi32>, vector<16xi32>, vector<16xi32>], vector<16xf32>,
        %parallel_loop3A_1205 = arith.index_cast %parallel_loop3A_1199 : i32 to index
        %parallel_loop3A_1206 = arith.constant 16 : index
        %parallel_loop3A_1207 = tpu.vector_load %arg9[%parallel_loop3A_1205, %parallel_loop3A_1206] {strides = array<i32>} : memref<128x64xf32, #tpu.memory_space<vmem>>, vector<16xf32>,
        %parallel_loop3A_1208 = arith.addf %parallel_loop3A_1207, %get3A_608 : vector<16xf32>
        tpu.vector_store_idx %arg13[%select_n3A_434, %select_n3A_552, %parallel_loop3A_1200], %parallel_loop3A_1208 : memref<8x8x128xf32, #tpu.memory_space<vmem>>[vector<16xi32>, vector<16xi32>, vector<16xi32>], vector<16xf32>,
        %parallel_loop3A_1209 = arith.index_cast %parallel_loop3A_1199 : i32 to index
        %parallel_loop3A_1210 = arith.constant 32 : index
        %parallel_loop3A_1211 = tpu.vector_load %arg9[%parallel_loop3A_1209, %parallel_loop3A_1210] {strides = array<i32>} : memref<128x64xf32, #tpu.memory_space<vmem>>, vector<16xf32>,
        %parallel_loop3A_1212 = arith.addf %parallel_loop3A_1211, %get3A_611 : vector<16xf32>
        tpu.vector_store_idx %arg13[%select_n3A_468, %select_n3A_577, %parallel_loop3A_1200], %parallel_loop3A_1212 : memref<8x8x128xf32, #tpu.memory_space<vmem>>[vector<16xi32>, vector<16xi32>, vector<16xi32>], vector<16xf32>,
        %parallel_loop3A_1213 = arith.index_cast %parallel_loop3A_1199 : i32 to index
        %parallel_loop3A_1214 = arith.constant 48 : index
        %parallel_loop3A_1215 = tpu.vector_load %arg9[%parallel_loop3A_1213, %parallel_loop3A_1214] {strides = array<i32>} : memref<128x64xf32, #tpu.memory_space<vmem>>, vector<16xf32>,
        %parallel_loop3A_1216 = arith.addf %parallel_loop3A_1215, %get3A_614 : vector<16xf32>
        tpu.vector_store_idx %arg13[%select_n3A_502, %select_n3A_602, %parallel_loop3A_1200], %parallel_loop3A_1216 : memref<8x8x128xf32, #tpu.memory_space<vmem>>[vector<16xi32>, vector<16xi32>, vector<16xi32>], vector<16xf32>,
      } {sc.loop_unroll_factor = 8 : i64, sc.parallel_access}
      %dma_start3A_618 = arith.constant 0 : i32
      %dma_start3A_619 = arith.constant 0 : i32
      %dma_start3A_620 = arith.constant 0 : i32
      %dma_start3A_621 = tpu.memref_slice %arg5[%add3A_353, %dma_start3A_618, %add3A, %dma_start3A_619, %dma_start3A_620] : memref<200x8x32x8x128xf32, #tpu.memory_space<hbm>> -> memref<1x8x1x8x128xf32, #tpu.memory_space<hbm>>
      %dma_start3A_622 = tpu.memref_squeeze %dma_start3A_621 : memref<1x8x1x8x128xf32, #tpu.memory_space<hbm>> -> memref<8x8x128xf32, #tpu.memory_space<hbm>>
      %dma_start3A_623 = arith.constant 0 : i32
      %dma_start3A_624 = arith.constant 0 : i32
      %dma_start3A_625 = arith.constant 0 : i32
      %dma_start3A_626 = tpu.memref_slice %arg5[%add3A_353, %dma_start3A_623, %add3A, %dma_start3A_624, %dma_start3A_625] : memref<200x8x32x8x128xf32, #tpu.memory_space<hbm>> -> memref<1x8x1x8x128xf32, #tpu.memory_space<hbm>>
      %dma_start3A_627 = tpu.memref_squeeze %dma_start3A_626 : memref<1x8x1x8x128xf32, #tpu.memory_space<hbm>> -> memref<8x8x128xf32, #tpu.memory_space<hbm>>
      tpu.enqueue_dma source(%arg13 : memref<8x8x128xf32, #tpu.memory_space<vmem>>) target(%dma_start3A_627 : memref<8x8x128xf32, #tpu.memory_space<hbm>>) target_semaphore(%arg21 : memref<!tpu.dma_semaphore, #tpu.memory_space<semaphore_mem>>)
      %lt3A_628 = arith.constant 49 : i32
      %lt3A_629 = arith.cmpi slt, %scan3A_82, %lt3A_628 : i32
      %convert_element_type3A_630 = arith.extui %lt3A_629 : i1 to i32
      %cond3A_631 = arith.constant 0 : i32
      %cond3A_632 = arith.cmpi ne, %convert_element_type3A_630, %cond3A_631 : i32
      scf.if %cond3A_632 {
        %add3A_1199 = arith.constant 4 : i32
        %add3A_1200 = arith.addi %add3A_353, %add3A_1199 : i32
        %dma_start3A_1201 = arith.constant 0 : i32
        %dma_start3A_1202 = tpu.memref_slice %arg7[%add3A_1200, %dma_start3A_1201] : memref<200x128xi32, #tpu.memory_space<vmem>> -> memref<1x128xi32, #tpu.memory_space<vmem>>
        %dma_start3A_1203 = tpu.memref_squeeze %dma_start3A_1202 : memref<1x128xi32, #tpu.memory_space<vmem>> -> memref<128xi32, #tpu.memory_space<vmem>>
        %dma_start3A_1204 = arith.constant 0 : i32
        %dma_start3A_1205 = arith.constant 0 : i32
        %dma_start3A_1206 = tpu.memref_slice %arg3[%dma_start3A_1204, %dma_start3A_1205] : memref<100000x64xf32, #tpu.memory_space<hbm>> -> memref<100000x64xf32, #tpu.memory_space<hbm>>
        tpu.enqueue_indirect_dma source(%dma_start3A_1206 : memref<100000x64xf32, #tpu.memory_space<hbm>>) target(%arg9 : memref<128x64xf32, #tpu.memory_space<vmem>>) offsets(%dma_start3A_1203 : memref<128xi32, #tpu.memory_space<vmem>>) semaphore(%arg17 : memref<!tpu.dma_semaphore, #tpu.memory_space<semaphore_mem>>)
      } else {
      }
      %mul3A_633 = arith.constant 4 : i32
      %mul3A_634 = arith.muli %scan3A_82, %mul3A_633 : i32
      %add3A_635 = arith.constant 2 : i32
      %add3A_636 = arith.addi %mul3A_634, %add3A_635 : i32
      %dma_wait3A_637 = arith.constant 0 : i32
      %dma_wait3A_638 = arith.constant 0 : i32
      %dma_wait3A_639 = tpu.memref_slice %arg7[%dma_wait3A_637, %dma_wait3A_638] : memref<200x128xi32, #tpu.memory_space<vmem>> -> memref<1x128xi32, #tpu.memory_space<vmem>>
      %dma_wait3A_640 = tpu.memref_squeeze %dma_wait3A_639 : memref<1x128xi32, #tpu.memory_space<vmem>> -> memref<128xi32, #tpu.memory_space<vmem>>
      %dma_wait3A_641 = arith.constant 0 : i32
      %dma_wait3A_642 = arith.constant 0 : i32
      %dma_wait3A_643 = tpu.memref_slice %arg3[%dma_wait3A_641, %dma_wait3A_642] : memref<100000x64xf32, #tpu.memory_space<hbm>> -> memref<100000x64xf32, #tpu.memory_space<hbm>>
      tpu.wait_indirect_dma semaphore(%arg18 : memref<!tpu.dma_semaphore, #tpu.memory_space<semaphore_mem>>) src(%dma_wait3A_643 : memref<100000x64xf32, #tpu.memory_space<hbm>>) dst(%arg10 : memref<128x64xf32, #tpu.memory_space<vmem>>)
      %gt3A_644 = arith.constant 0 : i32
      %gt3A_645 = arith.cmpi sgt, %scan3A_82, %gt3A_644 : i32
      %convert_element_type3A_646 = arith.extui %gt3A_645 : i1 to i32
      %cond3A_647 = arith.constant 0 : i32
      %cond3A_648 = arith.cmpi ne, %convert_element_type3A_646, %cond3A_647 : i32
      scf.if %cond3A_648 {
        %dma_wait3A_1199 = arith.constant 0 : i32
        %dma_wait3A_1200 = arith.constant 0 : i32
        %dma_wait3A_1201 = arith.constant 0 : i32
        %dma_wait3A_1202 = arith.constant 0 : i32
        %dma_wait3A_1203 = arith.constant 0 : i32
        %dma_wait3A_1204 = tpu.memref_slice %arg5[%dma_wait3A_1199, %dma_wait3A_1201, %dma_wait3A_1200, %dma_wait3A_1202, %dma_wait3A_1203] : memref<200x8x32x8x128xf32, #tpu.memory_space<hbm>> -> memref<1x8x1x8x128xf32, #tpu.memory_space<hbm>>
        %dma_wait3A_1205 = tpu.memref_squeeze %dma_wait3A_1204 : memref<1x8x1x8x128xf32, #tpu.memory_space<hbm>> -> memref<8x8x128xf32, #tpu.memory_space<hbm>>
        %dma_wait3A_1206 = arith.constant 0 : i32
        %dma_wait3A_1207 = arith.constant 0 : i32
        %dma_wait3A_1208 = arith.constant 0 : i32
        %dma_wait3A_1209 = tpu.memref_slice %arg5[%dma_wait3A_1199, %dma_wait3A_1206, %dma_wait3A_1200, %dma_wait3A_1207, %dma_wait3A_1208] : memref<200x8x32x8x128xf32, #tpu.memory_space<hbm>> -> memref<1x8x1x8x128xf32, #tpu.memory_space<hbm>>
        %dma_wait3A_1210 = tpu.memref_squeeze %dma_wait3A_1209 : memref<1x8x1x8x128xf32, #tpu.memory_space<hbm>> -> memref<8x8x128xf32, #tpu.memory_space<hbm>>
        tpu.wait_dma2 semaphore(%arg22 : memref<!tpu.dma_semaphore, #tpu.memory_space<semaphore_mem>>) src(%arg14 : memref<8x8x128xf32, #tpu.memory_space<vmem>>) dst(%dma_wait3A_1210 : memref<8x8x128xf32, #tpu.memory_space<hbm>>)
      } else {
      }
      %iota3A_649 = tpu.iota {dimensions = array<i32: 0>} : vector<16xi32>
      %add3A_650 = arith.constant 0 : i32
      %add3A_651 = vector.broadcast %add3A_650 : i32 to vector<16xi32>
      %add3A_652 = arith.addi %add3A_651, %iota3A_649 : vector<16xi32>
      %jit3A_653 = arith.constant 8 : i32
      %div3A_654 = vector.broadcast %jit3A_653 : i32 to vector<16xi32>
      %div3A_655 = arith.divsi %add3A_652, %div3A_654 : vector<16xi32>
      %sign3A_656 = arith.constant 0 : i32
      %sign3A_657 = vector.broadcast %sign3A_656 : i32 to vector<16xi32>
      %sign3A_658 = arith.cmpi sgt, %add3A_652, %sign3A_657 : vector<16xi32>
      %sign3A_659 = arith.extui %sign3A_658 : vector<16xi1> to vector<16xi32>
      %sign3A_660 = arith.constant 0 : i32
      %sign3A_661 = vector.broadcast %sign3A_660 : i32 to vector<16xi32>
      %sign3A_662 = arith.cmpi slt, %add3A_652, %sign3A_661 : vector<16xi32>
      %sign3A_663 = arith.extui %sign3A_662 : vector<16xi1> to vector<16xi32>
      %sign3A_664 = arith.subi %sign3A_659, %sign3A_663 : vector<16xi32>
      %sign3A_665 = arith.constant 0 : i32
      %sign3A_666 = arith.cmpi sgt, %jit3A_653, %sign3A_665 : i32
      %sign3A_667 = arith.extui %sign3A_666 : i1 to i32
      %sign3A_668 = arith.constant 0 : i32
      %sign3A_669 = arith.cmpi slt, %jit3A_653, %sign3A_668 : i32
      %sign3A_670 = arith.extui %sign3A_669 : i1 to i32
      %sign3A_671 = arith.subi %sign3A_667, %sign3A_670 : i32
      %ne3A_672 = vector.broadcast %sign3A_671 : i32 to vector<16xi32>
      %ne3A_673 = arith.cmpi ne, %sign3A_664, %ne3A_672 : vector<16xi32>
      %rem3A_674 = vector.broadcast %jit3A_653 : i32 to vector<16xi32>
      %rem3A_675 = arith.remsi %add3A_652, %rem3A_674 : vector<16xi32>
      %ne3A_676 = arith.constant 0 : i32
      %ne3A_677 = vector.broadcast %ne3A_676 : i32 to vector<16xi32>
      %ne3A_678 = arith.cmpi ne, %rem3A_675, %ne3A_677 : vector<16xi32>
      %and3A_679 = arith.andi %ne3A_673, %ne3A_678 : vector<16xi1>
      %sub3A_680 = arith.constant 1 : i32
      %sub3A_681 = vector.broadcast %sub3A_680 : i32 to vector<16xi32>
      %sub3A_682 = arith.subi %div3A_655, %sub3A_681 : vector<16xi32>
      %select_n3A_683 = arith.select %and3A_679, %sub3A_682, %div3A_655 : vector<16xi1>, vector<16xi32>
      %add3A_684 = arith.constant 16 : i32
      %add3A_685 = vector.broadcast %add3A_684 : i32 to vector<16xi32>
      %add3A_686 = arith.addi %add3A_685, %iota3A_649 : vector<16xi32>
      %jit3A_687 = arith.constant 8 : i32
      %div3A_688 = vector.broadcast %jit3A_687 : i32 to vector<16xi32>
      %div3A_689 = arith.divsi %add3A_686, %div3A_688 : vector<16xi32>
      %sign3A_690 = arith.constant 0 : i32
      %sign3A_691 = vector.broadcast %sign3A_690 : i32 to vector<16xi32>
      %sign3A_692 = arith.cmpi sgt, %add3A_686, %sign3A_691 : vector<16xi32>
      %sign3A_693 = arith.extui %sign3A_692 : vector<16xi1> to vector<16xi32>
      %sign3A_694 = arith.constant 0 : i32
      %sign3A_695 = vector.broadcast %sign3A_694 : i32 to vector<16xi32>
      %sign3A_696 = arith.cmpi slt, %add3A_686, %sign3A_695 : vector<16xi32>
      %sign3A_697 = arith.extui %sign3A_696 : vector<16xi1> to vector<16xi32>
      %sign3A_698 = arith.subi %sign3A_693, %sign3A_697 : vector<16xi32>
      %sign3A_699 = arith.constant 0 : i32
      %sign3A_700 = arith.cmpi sgt, %jit3A_687, %sign3A_699 : i32
      %sign3A_701 = arith.extui %sign3A_700 : i1 to i32
      %sign3A_702 = arith.constant 0 : i32
      %sign3A_703 = arith.cmpi slt, %jit3A_687, %sign3A_702 : i32
      %sign3A_704 = arith.extui %sign3A_703 : i1 to i32
      %sign3A_705 = arith.subi %sign3A_701, %sign3A_704 : i32
      %ne3A_706 = vector.broadcast %sign3A_705 : i32 to vector<16xi32>
      %ne3A_707 = arith.cmpi ne, %sign3A_698, %ne3A_706 : vector<16xi32>
      %rem3A_708 = vector.broadcast %jit3A_687 : i32 to vector<16xi32>
      %rem3A_709 = arith.remsi %add3A_686, %rem3A_708 : vector<16xi32>
      %ne3A_710 = arith.constant 0 : i32
      %ne3A_711 = vector.broadcast %ne3A_710 : i32 to vector<16xi32>
      %ne3A_712 = arith.cmpi ne, %rem3A_709, %ne3A_711 : vector<16xi32>
      %and3A_713 = arith.andi %ne3A_707, %ne3A_712 : vector<16xi1>
      %sub3A_714 = arith.constant 1 : i32
      %sub3A_715 = vector.broadcast %sub3A_714 : i32 to vector<16xi32>
      %sub3A_716 = arith.subi %div3A_689, %sub3A_715 : vector<16xi32>
      %select_n3A_717 = arith.select %and3A_713, %sub3A_716, %div3A_689 : vector<16xi1>, vector<16xi32>
      %add3A_718 = arith.constant 32 : i32
      %add3A_719 = vector.broadcast %add3A_718 : i32 to vector<16xi32>
      %add3A_720 = arith.addi %add3A_719, %iota3A_649 : vector<16xi32>
      %jit3A_721 = arith.constant 8 : i32
      %div3A_722 = vector.broadcast %jit3A_721 : i32 to vector<16xi32>
      %div3A_723 = arith.divsi %add3A_720, %div3A_722 : vector<16xi32>
      %sign3A_724 = arith.constant 0 : i32
      %sign3A_725 = vector.broadcast %sign3A_724 : i32 to vector<16xi32>
      %sign3A_726 = arith.cmpi sgt, %add3A_720, %sign3A_725 : vector<16xi32>
      %sign3A_727 = arith.extui %sign3A_726 : vector<16xi1> to vector<16xi32>
      %sign3A_728 = arith.constant 0 : i32
      %sign3A_729 = vector.broadcast %sign3A_728 : i32 to vector<16xi32>
      %sign3A_730 = arith.cmpi slt, %add3A_720, %sign3A_729 : vector<16xi32>
      %sign3A_731 = arith.extui %sign3A_730 : vector<16xi1> to vector<16xi32>
      %sign3A_732 = arith.subi %sign3A_727, %sign3A_731 : vector<16xi32>
      %sign3A_733 = arith.constant 0 : i32
      %sign3A_734 = arith.cmpi sgt, %jit3A_721, %sign3A_733 : i32
      %sign3A_735 = arith.extui %sign3A_734 : i1 to i32
      %sign3A_736 = arith.constant 0 : i32
      %sign3A_737 = arith.cmpi slt, %jit3A_721, %sign3A_736 : i32
      %sign3A_738 = arith.extui %sign3A_737 : i1 to i32
      %sign3A_739 = arith.subi %sign3A_735, %sign3A_738 : i32
      %ne3A_740 = vector.broadcast %sign3A_739 : i32 to vector<16xi32>
      %ne3A_741 = arith.cmpi ne, %sign3A_732, %ne3A_740 : vector<16xi32>
      %rem3A_742 = vector.broadcast %jit3A_721 : i32 to vector<16xi32>
      %rem3A_743 = arith.remsi %add3A_720, %rem3A_742 : vector<16xi32>
      %ne3A_744 = arith.constant 0 : i32
      %ne3A_745 = vector.broadcast %ne3A_744 : i32 to vector<16xi32>
      %ne3A_746 = arith.cmpi ne, %rem3A_743, %ne3A_745 : vector<16xi32>
      %and3A_747 = arith.andi %ne3A_741, %ne3A_746 : vector<16xi1>
      %sub3A_748 = arith.constant 1 : i32
      %sub3A_749 = vector.broadcast %sub3A_748 : i32 to vector<16xi32>
      %sub3A_750 = arith.subi %div3A_723, %sub3A_749 : vector<16xi32>
      %select_n3A_751 = arith.select %and3A_747, %sub3A_750, %div3A_723 : vector<16xi1>, vector<16xi32>
      %add3A_752 = arith.constant 48 : i32
      %add3A_753 = vector.broadcast %add3A_752 : i32 to vector<16xi32>
      %add3A_754 = arith.addi %add3A_753, %iota3A_649 : vector<16xi32>
      %jit3A_755 = arith.constant 8 : i32
      %div3A_756 = vector.broadcast %jit3A_755 : i32 to vector<16xi32>
      %div3A_757 = arith.divsi %add3A_754, %div3A_756 : vector<16xi32>
      %sign3A_758 = arith.constant 0 : i32
      %sign3A_759 = vector.broadcast %sign3A_758 : i32 to vector<16xi32>
      %sign3A_760 = arith.cmpi sgt, %add3A_754, %sign3A_759 : vector<16xi32>
      %sign3A_761 = arith.extui %sign3A_760 : vector<16xi1> to vector<16xi32>
      %sign3A_762 = arith.constant 0 : i32
      %sign3A_763 = vector.broadcast %sign3A_762 : i32 to vector<16xi32>
      %sign3A_764 = arith.cmpi slt, %add3A_754, %sign3A_763 : vector<16xi32>
      %sign3A_765 = arith.extui %sign3A_764 : vector<16xi1> to vector<16xi32>
      %sign3A_766 = arith.subi %sign3A_761, %sign3A_765 : vector<16xi32>
      %sign3A_767 = arith.constant 0 : i32
      %sign3A_768 = arith.cmpi sgt, %jit3A_755, %sign3A_767 : i32
      %sign3A_769 = arith.extui %sign3A_768 : i1 to i32
      %sign3A_770 = arith.constant 0 : i32
      %sign3A_771 = arith.cmpi slt, %jit3A_755, %sign3A_770 : i32
      %sign3A_772 = arith.extui %sign3A_771 : i1 to i32
      %sign3A_773 = arith.subi %sign3A_769, %sign3A_772 : i32
      %ne3A_774 = vector.broadcast %sign3A_773 : i32 to vector<16xi32>
      %ne3A_775 = arith.cmpi ne, %sign3A_766, %ne3A_774 : vector<16xi32>
      %rem3A_776 = vector.broadcast %jit3A_755 : i32 to vector<16xi32>
      %rem3A_777 = arith.remsi %add3A_754, %rem3A_776 : vector<16xi32>
      %ne3A_778 = arith.constant 0 : i32
      %ne3A_779 = vector.broadcast %ne3A_778 : i32 to vector<16xi32>
      %ne3A_780 = arith.cmpi ne, %rem3A_777, %ne3A_779 : vector<16xi32>
      %and3A_781 = arith.andi %ne3A_775, %ne3A_780 : vector<16xi1>
      %sub3A_782 = arith.constant 1 : i32
      %sub3A_783 = vector.broadcast %sub3A_782 : i32 to vector<16xi32>
      %sub3A_784 = arith.subi %div3A_757, %sub3A_783 : vector<16xi32>
      %select_n3A_785 = arith.select %and3A_781, %sub3A_784, %div3A_757 : vector<16xi1>, vector<16xi32>
      %add3A_786 = arith.constant 0 : i32
      %add3A_787 = vector.broadcast %add3A_786 : i32 to vector<16xi32>
      %add3A_788 = arith.addi %add3A_787, %iota3A_649 : vector<16xi32>
      %jit3A_789 = arith.constant 8 : i32
      %eq3A_790 = arith.constant 0 : i32
      %eq3A_791 = arith.cmpi eq, %jit3A_789, %eq3A_790 : i32
      %jit3A_792 = arith.constant 1 : i32
      %select_n3A_793 = arith.select %eq3A_791, %jit3A_792, %jit3A_789 : i32
      %rem3A_794 = vector.broadcast %select_n3A_793 : i32 to vector<16xi32>
      %rem3A_795 = arith.remsi %add3A_788, %rem3A_794 : vector<16xi32>
      %ne3A_796 = arith.constant 0 : i32
      %ne3A_797 = vector.broadcast %ne3A_796 : i32 to vector<16xi32>
      %ne3A_798 = arith.cmpi ne, %rem3A_795, %ne3A_797 : vector<16xi32>
      %lt3A_799 = arith.constant 0 : i32
      %lt3A_800 = vector.broadcast %lt3A_799 : i32 to vector<16xi32>
      %lt3A_801 = arith.cmpi slt, %rem3A_795, %lt3A_800 : vector<16xi32>
      %lt3A_802 = arith.constant 0 : i32
      %lt3A_803 = arith.cmpi slt, %select_n3A_793, %lt3A_802 : i32
      %ne3A_804 = vector.broadcast %lt3A_803 : i1 to vector<16xi1>
      %ne3A_805 = vector.broadcast %ne3A_804 : vector<16xi1> to vector<16xi1>
      %ne3A_806 = arith.xori %lt3A_801, %ne3A_805 : vector<16xi1>
      %and3A_807 = arith.andi %ne3A_806, %ne3A_798 : vector<16xi1>
      %add3A_808 = vector.broadcast %select_n3A_793 : i32 to vector<16xi32>
      %add3A_809 = arith.addi %rem3A_795, %add3A_808 : vector<16xi32>
      %select_n3A_810 = arith.select %and3A_807, %add3A_809, %rem3A_795 : vector<16xi1>, vector<16xi32>
      %add3A_811 = arith.constant 16 : i32
      %add3A_812 = vector.broadcast %add3A_811 : i32 to vector<16xi32>
      %add3A_813 = arith.addi %add3A_812, %iota3A_649 : vector<16xi32>
      %jit3A_814 = arith.constant 8 : i32
      %eq3A_815 = arith.constant 0 : i32
      %eq3A_816 = arith.cmpi eq, %jit3A_814, %eq3A_815 : i32
      %jit3A_817 = arith.constant 1 : i32
      %select_n3A_818 = arith.select %eq3A_816, %jit3A_817, %jit3A_814 : i32
      %rem3A_819 = vector.broadcast %select_n3A_818 : i32 to vector<16xi32>
      %rem3A_820 = arith.remsi %add3A_813, %rem3A_819 : vector<16xi32>
      %ne3A_821 = arith.constant 0 : i32
      %ne3A_822 = vector.broadcast %ne3A_821 : i32 to vector<16xi32>
      %ne3A_823 = arith.cmpi ne, %rem3A_820, %ne3A_822 : vector<16xi32>
      %lt3A_824 = arith.constant 0 : i32
      %lt3A_825 = vector.broadcast %lt3A_824 : i32 to vector<16xi32>
      %lt3A_826 = arith.cmpi slt, %rem3A_820, %lt3A_825 : vector<16xi32>
      %lt3A_827 = arith.constant 0 : i32
      %lt3A_828 = arith.cmpi slt, %select_n3A_818, %lt3A_827 : i32
      %ne3A_829 = vector.broadcast %lt3A_828 : i1 to vector<16xi1>
      %ne3A_830 = vector.broadcast %ne3A_829 : vector<16xi1> to vector<16xi1>
      %ne3A_831 = arith.xori %lt3A_826, %ne3A_830 : vector<16xi1>
      %and3A_832 = arith.andi %ne3A_831, %ne3A_823 : vector<16xi1>
      %add3A_833 = vector.broadcast %select_n3A_818 : i32 to vector<16xi32>
      %add3A_834 = arith.addi %rem3A_820, %add3A_833 : vector<16xi32>
      %select_n3A_835 = arith.select %and3A_832, %add3A_834, %rem3A_820 : vector<16xi1>, vector<16xi32>
      %add3A_836 = arith.constant 32 : i32
      %add3A_837 = vector.broadcast %add3A_836 : i32 to vector<16xi32>
      %add3A_838 = arith.addi %add3A_837, %iota3A_649 : vector<16xi32>
      %jit3A_839 = arith.constant 8 : i32
      %eq3A_840 = arith.constant 0 : i32
      %eq3A_841 = arith.cmpi eq, %jit3A_839, %eq3A_840 : i32
      %jit3A_842 = arith.constant 1 : i32
      %select_n3A_843 = arith.select %eq3A_841, %jit3A_842, %jit3A_839 : i32
      %rem3A_844 = vector.broadcast %select_n3A_843 : i32 to vector<16xi32>
      %rem3A_845 = arith.remsi %add3A_838, %rem3A_844 : vector<16xi32>
      %ne3A_846 = arith.constant 0 : i32
      %ne3A_847 = vector.broadcast %ne3A_846 : i32 to vector<16xi32>
      %ne3A_848 = arith.cmpi ne, %rem3A_845, %ne3A_847 : vector<16xi32>
      %lt3A_849 = arith.constant 0 : i32
      %lt3A_850 = vector.broadcast %lt3A_849 : i32 to vector<16xi32>
      %lt3A_851 = arith.cmpi slt, %rem3A_845, %lt3A_850 : vector<16xi32>
      %lt3A_852 = arith.constant 0 : i32
      %lt3A_853 = arith.cmpi slt, %select_n3A_843, %lt3A_852 : i32
      %ne3A_854 = vector.broadcast %lt3A_853 : i1 to vector<16xi1>
      %ne3A_855 = vector.broadcast %ne3A_854 : vector<16xi1> to vector<16xi1>
      %ne3A_856 = arith.xori %lt3A_851, %ne3A_855 : vector<16xi1>
      %and3A_857 = arith.andi %ne3A_856, %ne3A_848 : vector<16xi1>
      %add3A_858 = vector.broadcast %select_n3A_843 : i32 to vector<16xi32>
      %add3A_859 = arith.addi %rem3A_845, %add3A_858 : vector<16xi32>
      %select_n3A_860 = arith.select %and3A_857, %add3A_859, %rem3A_845 : vector<16xi1>, vector<16xi32>
      %add3A_861 = arith.constant 48 : i32
      %add3A_862 = vector.broadcast %add3A_861 : i32 to vector<16xi32>
      %add3A_863 = arith.addi %add3A_862, %iota3A_649 : vector<16xi32>
      %jit3A_864 = arith.constant 8 : i32
      %eq3A_865 = arith.constant 0 : i32
      %eq3A_866 = arith.cmpi eq, %jit3A_864, %eq3A_865 : i32
      %jit3A_867 = arith.constant 1 : i32
      %select_n3A_868 = arith.select %eq3A_866, %jit3A_867, %jit3A_864 : i32
      %rem3A_869 = vector.broadcast %select_n3A_868 : i32 to vector<16xi32>
      %rem3A_870 = arith.remsi %add3A_863, %rem3A_869 : vector<16xi32>
      %ne3A_871 = arith.constant 0 : i32
      %ne3A_872 = vector.broadcast %ne3A_871 : i32 to vector<16xi32>
      %ne3A_873 = arith.cmpi ne, %rem3A_870, %ne3A_872 : vector<16xi32>
      %lt3A_874 = arith.constant 0 : i32
      %lt3A_875 = vector.broadcast %lt3A_874 : i32 to vector<16xi32>
      %lt3A_876 = arith.cmpi slt, %rem3A_870, %lt3A_875 : vector<16xi32>
      %lt3A_877 = arith.constant 0 : i32
      %lt3A_878 = arith.cmpi slt, %select_n3A_868, %lt3A_877 : i32
      %ne3A_879 = vector.broadcast %lt3A_878 : i1 to vector<16xi1>
      %ne3A_880 = vector.broadcast %ne3A_879 : vector<16xi1> to vector<16xi1>
      %ne3A_881 = arith.xori %lt3A_876, %ne3A_880 : vector<16xi1>
      %and3A_882 = arith.andi %ne3A_881, %ne3A_873 : vector<16xi1>
      %add3A_883 = vector.broadcast %select_n3A_868 : i32 to vector<16xi32>
      %add3A_884 = arith.addi %rem3A_870, %add3A_883 : vector<16xi32>
      %select_n3A_885 = arith.select %and3A_882, %add3A_884, %rem3A_870 : vector<16xi1>, vector<16xi32>
      %get3A_886 = arith.index_cast %add3A_636 : i32 to index
      %get3A_887 = arith.constant 0 : index
      %get3A_888 = tpu.vector_load %arg6[%get3A_886, %get3A_887] {strides = array<i32>} : memref<200x64xf32, #tpu.memory_space<vmem>>, vector<16xf32>,
      %get3A_889 = arith.index_cast %add3A_636 : i32 to index
      %get3A_890 = arith.constant 16 : index
      %get3A_891 = tpu.vector_load %arg6[%get3A_889, %get3A_890] {strides = array<i32>} : memref<200x64xf32, #tpu.memory_space<vmem>>, vector<16xf32>,
      %get3A_892 = arith.index_cast %add3A_636 : i32 to index
      %get3A_893 = arith.constant 32 : index
      %get3A_894 = tpu.vector_load %arg6[%get3A_892, %get3A_893] {strides = array<i32>} : memref<200x64xf32, #tpu.memory_space<vmem>>, vector<16xf32>,
      %get3A_895 = arith.index_cast %add3A_636 : i32 to index
      %get3A_896 = arith.constant 48 : index
      %get3A_897 = tpu.vector_load %arg6[%get3A_895, %get3A_896] {strides = array<i32>} : memref<200x64xf32, #tpu.memory_space<vmem>>, vector<16xf32>,
      %parallel_loop3A_898 = arith.constant 0 : i32
      %parallel_loop3A_899 = arith.constant 128 : i32
      %parallel_loop3A_900 = arith.constant 1 : i32
      scf.for %parallel_loop3A_1199 = %parallel_loop3A_898 to %parallel_loop3A_899 step %parallel_loop3A_900  : i32 {
        %parallel_loop3A_1200 = vector.broadcast %parallel_loop3A_1199 : i32 to vector<16xi32>
        %parallel_loop3A_1201 = arith.index_cast %parallel_loop3A_1199 : i32 to index
        %parallel_loop3A_1202 = arith.constant 0 : index
        %parallel_loop3A_1203 = tpu.vector_load %arg10[%parallel_loop3A_1201, %parallel_loop3A_1202] {strides = array<i32>} : memref<128x64xf32, #tpu.memory_space<vmem>>, vector<16xf32>,
        %parallel_loop3A_1204 = arith.addf %parallel_loop3A_1203, %get3A_888 : vector<16xf32>
        tpu.vector_store_idx %arg14[%select_n3A_683, %select_n3A_810, %parallel_loop3A_1200], %parallel_loop3A_1204 : memref<8x8x128xf32, #tpu.memory_space<vmem>>[vector<16xi32>, vector<16xi32>, vector<16xi32>], vector<16xf32>,
        %parallel_loop3A_1205 = arith.index_cast %parallel_loop3A_1199 : i32 to index
        %parallel_loop3A_1206 = arith.constant 16 : index
        %parallel_loop3A_1207 = tpu.vector_load %arg10[%parallel_loop3A_1205, %parallel_loop3A_1206] {strides = array<i32>} : memref<128x64xf32, #tpu.memory_space<vmem>>, vector<16xf32>,
        %parallel_loop3A_1208 = arith.addf %parallel_loop3A_1207, %get3A_891 : vector<16xf32>
        tpu.vector_store_idx %arg14[%select_n3A_717, %select_n3A_835, %parallel_loop3A_1200], %parallel_loop3A_1208 : memref<8x8x128xf32, #tpu.memory_space<vmem>>[vector<16xi32>, vector<16xi32>, vector<16xi32>], vector<16xf32>,
        %parallel_loop3A_1209 = arith.index_cast %parallel_loop3A_1199 : i32 to index
        %parallel_loop3A_1210 = arith.constant 32 : index
        %parallel_loop3A_1211 = tpu.vector_load %arg10[%parallel_loop3A_1209, %parallel_loop3A_1210] {strides = array<i32>} : memref<128x64xf32, #tpu.memory_space<vmem>>, vector<16xf32>,
        %parallel_loop3A_1212 = arith.addf %parallel_loop3A_1211, %get3A_894 : vector<16xf32>
        tpu.vector_store_idx %arg14[%select_n3A_751, %select_n3A_860, %parallel_loop3A_1200], %parallel_loop3A_1212 : memref<8x8x128xf32, #tpu.memory_space<vmem>>[vector<16xi32>, vector<16xi32>, vector<16xi32>], vector<16xf32>,
        %parallel_loop3A_1213 = arith.index_cast %parallel_loop3A_1199 : i32 to index
        %parallel_loop3A_1214 = arith.constant 48 : index
        %parallel_loop3A_1215 = tpu.vector_load %arg10[%parallel_loop3A_1213, %parallel_loop3A_1214] {strides = array<i32>} : memref<128x64xf32, #tpu.memory_space<vmem>>, vector<16xf32>,
        %parallel_loop3A_1216 = arith.addf %parallel_loop3A_1215, %get3A_897 : vector<16xf32>
        tpu.vector_store_idx %arg14[%select_n3A_785, %select_n3A_885, %parallel_loop3A_1200], %parallel_loop3A_1216 : memref<8x8x128xf32, #tpu.memory_space<vmem>>[vector<16xi32>, vector<16xi32>, vector<16xi32>], vector<16xf32>,
      } {sc.loop_unroll_factor = 8 : i64, sc.parallel_access}
      %dma_start3A_901 = arith.constant 0 : i32
      %dma_start3A_902 = arith.constant 0 : i32
      %dma_start3A_903 = arith.constant 0 : i32
      %dma_start3A_904 = tpu.memref_slice %arg5[%add3A_636, %dma_start3A_901, %add3A, %dma_start3A_902, %dma_start3A_903] : memref<200x8x32x8x128xf32, #tpu.memory_space<hbm>> -> memref<1x8x1x8x128xf32, #tpu.memory_space<hbm>>
      %dma_start3A_905 = tpu.memref_squeeze %dma_start3A_904 : memref<1x8x1x8x128xf32, #tpu.memory_space<hbm>> -> memref<8x8x128xf32, #tpu.memory_space<hbm>>
      %dma_start3A_906 = arith.constant 0 : i32
      %dma_start3A_907 = arith.constant 0 : i32
      %dma_start3A_908 = arith.constant 0 : i32
      %dma_start3A_909 = tpu.memref_slice %arg5[%add3A_636, %dma_start3A_906, %add3A, %dma_start3A_907, %dma_start3A_908] : memref<200x8x32x8x128xf32, #tpu.memory_space<hbm>> -> memref<1x8x1x8x128xf32, #tpu.memory_space<hbm>>
      %dma_start3A_910 = tpu.memref_squeeze %dma_start3A_909 : memref<1x8x1x8x128xf32, #tpu.memory_space<hbm>> -> memref<8x8x128xf32, #tpu.memory_space<hbm>>
      tpu.enqueue_dma source(%arg14 : memref<8x8x128xf32, #tpu.memory_space<vmem>>) target(%dma_start3A_910 : memref<8x8x128xf32, #tpu.memory_space<hbm>>) target_semaphore(%arg22 : memref<!tpu.dma_semaphore, #tpu.memory_space<semaphore_mem>>)
      %lt3A_911 = arith.constant 49 : i32
      %lt3A_912 = arith.cmpi slt, %scan3A_82, %lt3A_911 : i32
      %convert_element_type3A_913 = arith.extui %lt3A_912 : i1 to i32
      %cond3A_914 = arith.constant 0 : i32
      %cond3A_915 = arith.cmpi ne, %convert_element_type3A_913, %cond3A_914 : i32
      scf.if %cond3A_915 {
        %add3A_1199 = arith.constant 4 : i32
        %add3A_1200 = arith.addi %add3A_636, %add3A_1199 : i32
        %dma_start3A_1201 = arith.constant 0 : i32
        %dma_start3A_1202 = tpu.memref_slice %arg7[%add3A_1200, %dma_start3A_1201] : memref<200x128xi32, #tpu.memory_space<vmem>> -> memref<1x128xi32, #tpu.memory_space<vmem>>
        %dma_start3A_1203 = tpu.memref_squeeze %dma_start3A_1202 : memref<1x128xi32, #tpu.memory_space<vmem>> -> memref<128xi32, #tpu.memory_space<vmem>>
        %dma_start3A_1204 = arith.constant 0 : i32
        %dma_start3A_1205 = arith.constant 0 : i32
        %dma_start3A_1206 = tpu.memref_slice %arg3[%dma_start3A_1204, %dma_start3A_1205] : memref<100000x64xf32, #tpu.memory_space<hbm>> -> memref<100000x64xf32, #tpu.memory_space<hbm>>
        tpu.enqueue_indirect_dma source(%dma_start3A_1206 : memref<100000x64xf32, #tpu.memory_space<hbm>>) target(%arg10 : memref<128x64xf32, #tpu.memory_space<vmem>>) offsets(%dma_start3A_1203 : memref<128xi32, #tpu.memory_space<vmem>>) semaphore(%arg18 : memref<!tpu.dma_semaphore, #tpu.memory_space<semaphore_mem>>)
      } else {
      }
      %mul3A_916 = arith.constant 4 : i32
      %mul3A_917 = arith.muli %scan3A_82, %mul3A_916 : i32
      %add3A_918 = arith.constant 3 : i32
      %add3A_919 = arith.addi %mul3A_917, %add3A_918 : i32
      %dma_wait3A_920 = arith.constant 0 : i32
      %dma_wait3A_921 = arith.constant 0 : i32
      %dma_wait3A_922 = tpu.memref_slice %arg7[%dma_wait3A_920, %dma_wait3A_921] : memref<200x128xi32, #tpu.memory_space<vmem>> -> memref<1x128xi32, #tpu.memory_space<vmem>>
      %dma_wait3A_923 = tpu.memref_squeeze %dma_wait3A_922 : memref<1x128xi32, #tpu.memory_space<vmem>> -> memref<128xi32, #tpu.memory_space<vmem>>
      %dma_wait3A_924 = arith.constant 0 : i32
      %dma_wait3A_925 = arith.constant 0 : i32
      %dma_wait3A_926 = tpu.memref_slice %arg3[%dma_wait3A_924, %dma_wait3A_925] : memref<100000x64xf32, #tpu.memory_space<hbm>> -> memref<100000x64xf32, #tpu.memory_space<hbm>>
      tpu.wait_indirect_dma semaphore(%arg19 : memref<!tpu.dma_semaphore, #tpu.memory_space<semaphore_mem>>) src(%dma_wait3A_926 : memref<100000x64xf32, #tpu.memory_space<hbm>>) dst(%arg11 : memref<128x64xf32, #tpu.memory_space<vmem>>)
      %gt3A_927 = arith.constant 0 : i32
      %gt3A_928 = arith.cmpi sgt, %scan3A_82, %gt3A_927 : i32
      %convert_element_type3A_929 = arith.extui %gt3A_928 : i1 to i32
      %cond3A_930 = arith.constant 0 : i32
      %cond3A_931 = arith.cmpi ne, %convert_element_type3A_929, %cond3A_930 : i32
      scf.if %cond3A_931 {
        %dma_wait3A_1199 = arith.constant 0 : i32
        %dma_wait3A_1200 = arith.constant 0 : i32
        %dma_wait3A_1201 = arith.constant 0 : i32
        %dma_wait3A_1202 = arith.constant 0 : i32
        %dma_wait3A_1203 = arith.constant 0 : i32
        %dma_wait3A_1204 = tpu.memref_slice %arg5[%dma_wait3A_1199, %dma_wait3A_1201, %dma_wait3A_1200, %dma_wait3A_1202, %dma_wait3A_1203] : memref<200x8x32x8x128xf32, #tpu.memory_space<hbm>> -> memref<1x8x1x8x128xf32, #tpu.memory_space<hbm>>
        %dma_wait3A_1205 = tpu.memref_squeeze %dma_wait3A_1204 : memref<1x8x1x8x128xf32, #tpu.memory_space<hbm>> -> memref<8x8x128xf32, #tpu.memory_space<hbm>>
        %dma_wait3A_1206 = arith.constant 0 : i32
        %dma_wait3A_1207 = arith.constant 0 : i32
        %dma_wait3A_1208 = arith.constant 0 : i32
        %dma_wait3A_1209 = tpu.memref_slice %arg5[%dma_wait3A_1199, %dma_wait3A_1206, %dma_wait3A_1200, %dma_wait3A_1207, %dma_wait3A_1208] : memref<200x8x32x8x128xf32, #tpu.memory_space<hbm>> -> memref<1x8x1x8x128xf32, #tpu.memory_space<hbm>>
        %dma_wait3A_1210 = tpu.memref_squeeze %dma_wait3A_1209 : memref<1x8x1x8x128xf32, #tpu.memory_space<hbm>> -> memref<8x8x128xf32, #tpu.memory_space<hbm>>
        tpu.wait_dma2 semaphore(%arg23 : memref<!tpu.dma_semaphore, #tpu.memory_space<semaphore_mem>>) src(%arg15 : memref<8x8x128xf32, #tpu.memory_space<vmem>>) dst(%dma_wait3A_1210 : memref<8x8x128xf32, #tpu.memory_space<hbm>>)
      } else {
      }
      %iota3A_932 = tpu.iota {dimensions = array<i32: 0>} : vector<16xi32>
      %add3A_933 = arith.constant 0 : i32
      %add3A_934 = vector.broadcast %add3A_933 : i32 to vector<16xi32>
      %add3A_935 = arith.addi %add3A_934, %iota3A_932 : vector<16xi32>
      %jit3A_936 = arith.constant 8 : i32
      %div3A_937 = vector.broadcast %jit3A_936 : i32 to vector<16xi32>
      %div3A_938 = arith.divsi %add3A_935, %div3A_937 : vector<16xi32>
      %sign3A_939 = arith.constant 0 : i32
      %sign3A_940 = vector.broadcast %sign3A_939 : i32 to vector<16xi32>
      %sign3A_941 = arith.cmpi sgt, %add3A_935, %sign3A_940 : vector<16xi32>
      %sign3A_942 = arith.extui %sign3A_941 : vector<16xi1> to vector<16xi32>
      %sign3A_943 = arith.constant 0 : i32
      %sign3A_944 = vector.broadcast %sign3A_943 : i32 to vector<16xi32>
      %sign3A_945 = arith.cmpi slt, %add3A_935, %sign3A_944 : vector<16xi32>
      %sign3A_946 = arith.extui %sign3A_945 : vector<16xi1> to vector<16xi32>
      %sign3A_947 = arith.subi %sign3A_942, %sign3A_946 : vector<16xi32>
      %sign3A_948 = arith.constant 0 : i32
      %sign3A_949 = arith.cmpi sgt, %jit3A_936, %sign3A_948 : i32
      %sign3A_950 = arith.extui %sign3A_949 : i1 to i32
      %sign3A_951 = arith.constant 0 : i32
      %sign3A_952 = arith.cmpi slt, %jit3A_936, %sign3A_951 : i32
      %sign3A_953 = arith.extui %sign3A_952 : i1 to i32
      %sign3A_954 = arith.subi %sign3A_950, %sign3A_953 : i32
      %ne3A_955 = vector.broadcast %sign3A_954 : i32 to vector<16xi32>
      %ne3A_956 = arith.cmpi ne, %sign3A_947, %ne3A_955 : vector<16xi32>
      %rem3A_957 = vector.broadcast %jit3A_936 : i32 to vector<16xi32>
      %rem3A_958 = arith.remsi %add3A_935, %rem3A_957 : vector<16xi32>
      %ne3A_959 = arith.constant 0 : i32
      %ne3A_960 = vector.broadcast %ne3A_959 : i32 to vector<16xi32>
      %ne3A_961 = arith.cmpi ne, %rem3A_958, %ne3A_960 : vector<16xi32>
      %and3A_962 = arith.andi %ne3A_956, %ne3A_961 : vector<16xi1>
      %sub3A_963 = arith.constant 1 : i32
      %sub3A_964 = vector.broadcast %sub3A_963 : i32 to vector<16xi32>
      %sub3A_965 = arith.subi %div3A_938, %sub3A_964 : vector<16xi32>
      %select_n3A_966 = arith.select %and3A_962, %sub3A_965, %div3A_938 : vector<16xi1>, vector<16xi32>
      %add3A_967 = arith.constant 16 : i32
      %add3A_968 = vector.broadcast %add3A_967 : i32 to vector<16xi32>
      %add3A_969 = arith.addi %add3A_968, %iota3A_932 : vector<16xi32>
      %jit3A_970 = arith.constant 8 : i32
      %div3A_971 = vector.broadcast %jit3A_970 : i32 to vector<16xi32>
      %div3A_972 = arith.divsi %add3A_969, %div3A_971 : vector<16xi32>
      %sign3A_973 = arith.constant 0 : i32
      %sign3A_974 = vector.broadcast %sign3A_973 : i32 to vector<16xi32>
      %sign3A_975 = arith.cmpi sgt, %add3A_969, %sign3A_974 : vector<16xi32>
      %sign3A_976 = arith.extui %sign3A_975 : vector<16xi1> to vector<16xi32>
      %sign3A_977 = arith.constant 0 : i32
      %sign3A_978 = vector.broadcast %sign3A_977 : i32 to vector<16xi32>
      %sign3A_979 = arith.cmpi slt, %add3A_969, %sign3A_978 : vector<16xi32>
      %sign3A_980 = arith.extui %sign3A_979 : vector<16xi1> to vector<16xi32>
      %sign3A_981 = arith.subi %sign3A_976, %sign3A_980 : vector<16xi32>
      %sign3A_982 = arith.constant 0 : i32
      %sign3A_983 = arith.cmpi sgt, %jit3A_970, %sign3A_982 : i32
      %sign3A_984 = arith.extui %sign3A_983 : i1 to i32
      %sign3A_985 = arith.constant 0 : i32
      %sign3A_986 = arith.cmpi slt, %jit3A_970, %sign3A_985 : i32
      %sign3A_987 = arith.extui %sign3A_986 : i1 to i32
      %sign3A_988 = arith.subi %sign3A_984, %sign3A_987 : i32
      %ne3A_989 = vector.broadcast %sign3A_988 : i32 to vector<16xi32>
      %ne3A_990 = arith.cmpi ne, %sign3A_981, %ne3A_989 : vector<16xi32>
      %rem3A_991 = vector.broadcast %jit3A_970 : i32 to vector<16xi32>
      %rem3A_992 = arith.remsi %add3A_969, %rem3A_991 : vector<16xi32>
      %ne3A_993 = arith.constant 0 : i32
      %ne3A_994 = vector.broadcast %ne3A_993 : i32 to vector<16xi32>
      %ne3A_995 = arith.cmpi ne, %rem3A_992, %ne3A_994 : vector<16xi32>
      %and3A_996 = arith.andi %ne3A_990, %ne3A_995 : vector<16xi1>
      %sub3A_997 = arith.constant 1 : i32
      %sub3A_998 = vector.broadcast %sub3A_997 : i32 to vector<16xi32>
      %sub3A_999 = arith.subi %div3A_972, %sub3A_998 : vector<16xi32>
      %select_n3A_1000 = arith.select %and3A_996, %sub3A_999, %div3A_972 : vector<16xi1>, vector<16xi32>
      %add3A_1001 = arith.constant 32 : i32
      %add3A_1002 = vector.broadcast %add3A_1001 : i32 to vector<16xi32>
      %add3A_1003 = arith.addi %add3A_1002, %iota3A_932 : vector<16xi32>
      %jit3A_1004 = arith.constant 8 : i32
      %div3A_1005 = vector.broadcast %jit3A_1004 : i32 to vector<16xi32>
      %div3A_1006 = arith.divsi %add3A_1003, %div3A_1005 : vector<16xi32>
      %sign3A_1007 = arith.constant 0 : i32
      %sign3A_1008 = vector.broadcast %sign3A_1007 : i32 to vector<16xi32>
      %sign3A_1009 = arith.cmpi sgt, %add3A_1003, %sign3A_1008 : vector<16xi32>
      %sign3A_1010 = arith.extui %sign3A_1009 : vector<16xi1> to vector<16xi32>
      %sign3A_1011 = arith.constant 0 : i32
      %sign3A_1012 = vector.broadcast %sign3A_1011 : i32 to vector<16xi32>
      %sign3A_1013 = arith.cmpi slt, %add3A_1003, %sign3A_1012 : vector<16xi32>
      %sign3A_1014 = arith.extui %sign3A_1013 : vector<16xi1> to vector<16xi32>
      %sign3A_1015 = arith.subi %sign3A_1010, %sign3A_1014 : vector<16xi32>
      %sign3A_1016 = arith.constant 0 : i32
      %sign3A_1017 = arith.cmpi sgt, %jit3A_1004, %sign3A_1016 : i32
      %sign3A_1018 = arith.extui %sign3A_1017 : i1 to i32
      %sign3A_1019 = arith.constant 0 : i32
      %sign3A_1020 = arith.cmpi slt, %jit3A_1004, %sign3A_1019 : i32
      %sign3A_1021 = arith.extui %sign3A_1020 : i1 to i32
      %sign3A_1022 = arith.subi %sign3A_1018, %sign3A_1021 : i32
      %ne3A_1023 = vector.broadcast %sign3A_1022 : i32 to vector<16xi32>
      %ne3A_1024 = arith.cmpi ne, %sign3A_1015, %ne3A_1023 : vector<16xi32>
      %rem3A_1025 = vector.broadcast %jit3A_1004 : i32 to vector<16xi32>
      %rem3A_1026 = arith.remsi %add3A_1003, %rem3A_1025 : vector<16xi32>
      %ne3A_1027 = arith.constant 0 : i32
      %ne3A_1028 = vector.broadcast %ne3A_1027 : i32 to vector<16xi32>
      %ne3A_1029 = arith.cmpi ne, %rem3A_1026, %ne3A_1028 : vector<16xi32>
      %and3A_1030 = arith.andi %ne3A_1024, %ne3A_1029 : vector<16xi1>
      %sub3A_1031 = arith.constant 1 : i32
      %sub3A_1032 = vector.broadcast %sub3A_1031 : i32 to vector<16xi32>
      %sub3A_1033 = arith.subi %div3A_1006, %sub3A_1032 : vector<16xi32>
      %select_n3A_1034 = arith.select %and3A_1030, %sub3A_1033, %div3A_1006 : vector<16xi1>, vector<16xi32>
      %add3A_1035 = arith.constant 48 : i32
      %add3A_1036 = vector.broadcast %add3A_1035 : i32 to vector<16xi32>
      %add3A_1037 = arith.addi %add3A_1036, %iota3A_932 : vector<16xi32>
      %jit3A_1038 = arith.constant 8 : i32
      %div3A_1039 = vector.broadcast %jit3A_1038 : i32 to vector<16xi32>
      %div3A_1040 = arith.divsi %add3A_1037, %div3A_1039 : vector<16xi32>
      %sign3A_1041 = arith.constant 0 : i32
      %sign3A_1042 = vector.broadcast %sign3A_1041 : i32 to vector<16xi32>
      %sign3A_1043 = arith.cmpi sgt, %add3A_1037, %sign3A_1042 : vector<16xi32>
      %sign3A_1044 = arith.extui %sign3A_1043 : vector<16xi1> to vector<16xi32>
      %sign3A_1045 = arith.constant 0 : i32
      %sign3A_1046 = vector.broadcast %sign3A_1045 : i32 to vector<16xi32>
      %sign3A_1047 = arith.cmpi slt, %add3A_1037, %sign3A_1046 : vector<16xi32>
      %sign3A_1048 = arith.extui %sign3A_1047 : vector<16xi1> to vector<16xi32>
      %sign3A_1049 = arith.subi %sign3A_1044, %sign3A_1048 : vector<16xi32>
      %sign3A_1050 = arith.constant 0 : i32
      %sign3A_1051 = arith.cmpi sgt, %jit3A_1038, %sign3A_1050 : i32
      %sign3A_1052 = arith.extui %sign3A_1051 : i1 to i32
      %sign3A_1053 = arith.constant 0 : i32
      %sign3A_1054 = arith.cmpi slt, %jit3A_1038, %sign3A_1053 : i32
      %sign3A_1055 = arith.extui %sign3A_1054 : i1 to i32
      %sign3A_1056 = arith.subi %sign3A_1052, %sign3A_1055 : i32
      %ne3A_1057 = vector.broadcast %sign3A_1056 : i32 to vector<16xi32>
      %ne3A_1058 = arith.cmpi ne, %sign3A_1049, %ne3A_1057 : vector<16xi32>
      %rem3A_1059 = vector.broadcast %jit3A_1038 : i32 to vector<16xi32>
      %rem3A_1060 = arith.remsi %add3A_1037, %rem3A_1059 : vector<16xi32>
      %ne3A_1061 = arith.constant 0 : i32
      %ne3A_1062 = vector.broadcast %ne3A_1061 : i32 to vector<16xi32>
      %ne3A_1063 = arith.cmpi ne, %rem3A_1060, %ne3A_1062 : vector<16xi32>
      %and3A_1064 = arith.andi %ne3A_1058, %ne3A_1063 : vector<16xi1>
      %sub3A_1065 = arith.constant 1 : i32
      %sub3A_1066 = vector.broadcast %sub3A_1065 : i32 to vector<16xi32>
      %sub3A_1067 = arith.subi %div3A_1040, %sub3A_1066 : vector<16xi32>
      %select_n3A_1068 = arith.select %and3A_1064, %sub3A_1067, %div3A_1040 : vector<16xi1>, vector<16xi32>
      %add3A_1069 = arith.constant 0 : i32
      %add3A_1070 = vector.broadcast %add3A_1069 : i32 to vector<16xi32>
      %add3A_1071 = arith.addi %add3A_1070, %iota3A_932 : vector<16xi32>
      %jit3A_1072 = arith.constant 8 : i32
      %eq3A_1073 = arith.constant 0 : i32
      %eq3A_1074 = arith.cmpi eq, %jit3A_1072, %eq3A_1073 : i32
      %jit3A_1075 = arith.constant 1 : i32
      %select_n3A_1076 = arith.select %eq3A_1074, %jit3A_1075, %jit3A_1072 : i32
      %rem3A_1077 = vector.broadcast %select_n3A_1076 : i32 to vector<16xi32>
      %rem3A_1078 = arith.remsi %add3A_1071, %rem3A_1077 : vector<16xi32>
      %ne3A_1079 = arith.constant 0 : i32
      %ne3A_1080 = vector.broadcast %ne3A_1079 : i32 to vector<16xi32>
      %ne3A_1081 = arith.cmpi ne, %rem3A_1078, %ne3A_1080 : vector<16xi32>
      %lt3A_1082 = arith.constant 0 : i32
      %lt3A_1083 = vector.broadcast %lt3A_1082 : i32 to vector<16xi32>
      %lt3A_1084 = arith.cmpi slt, %rem3A_1078, %lt3A_1083 : vector<16xi32>
      %lt3A_1085 = arith.constant 0 : i32
      %lt3A_1086 = arith.cmpi slt, %select_n3A_1076, %lt3A_1085 : i32
      %ne3A_1087 = vector.broadcast %lt3A_1086 : i1 to vector<16xi1>
      %ne3A_1088 = vector.broadcast %ne3A_1087 : vector<16xi1> to vector<16xi1>
      %ne3A_1089 = arith.xori %lt3A_1084, %ne3A_1088 : vector<16xi1>
      %and3A_1090 = arith.andi %ne3A_1089, %ne3A_1081 : vector<16xi1>
      %add3A_1091 = vector.broadcast %select_n3A_1076 : i32 to vector<16xi32>
      %add3A_1092 = arith.addi %rem3A_1078, %add3A_1091 : vector<16xi32>
      %select_n3A_1093 = arith.select %and3A_1090, %add3A_1092, %rem3A_1078 : vector<16xi1>, vector<16xi32>
      %add3A_1094 = arith.constant 16 : i32
      %add3A_1095 = vector.broadcast %add3A_1094 : i32 to vector<16xi32>
      %add3A_1096 = arith.addi %add3A_1095, %iota3A_932 : vector<16xi32>
      %jit3A_1097 = arith.constant 8 : i32
      %eq3A_1098 = arith.constant 0 : i32
      %eq3A_1099 = arith.cmpi eq, %jit3A_1097, %eq3A_1098 : i32
      %jit3A_1100 = arith.constant 1 : i32
      %select_n3A_1101 = arith.select %eq3A_1099, %jit3A_1100, %jit3A_1097 : i32
      %rem3A_1102 = vector.broadcast %select_n3A_1101 : i32 to vector<16xi32>
      %rem3A_1103 = arith.remsi %add3A_1096, %rem3A_1102 : vector<16xi32>
      %ne3A_1104 = arith.constant 0 : i32
      %ne3A_1105 = vector.broadcast %ne3A_1104 : i32 to vector<16xi32>
      %ne3A_1106 = arith.cmpi ne, %rem3A_1103, %ne3A_1105 : vector<16xi32>
      %lt3A_1107 = arith.constant 0 : i32
      %lt3A_1108 = vector.broadcast %lt3A_1107 : i32 to vector<16xi32>
      %lt3A_1109 = arith.cmpi slt, %rem3A_1103, %lt3A_1108 : vector<16xi32>
      %lt3A_1110 = arith.constant 0 : i32
      %lt3A_1111 = arith.cmpi slt, %select_n3A_1101, %lt3A_1110 : i32
      %ne3A_1112 = vector.broadcast %lt3A_1111 : i1 to vector<16xi1>
      %ne3A_1113 = vector.broadcast %ne3A_1112 : vector<16xi1> to vector<16xi1>
      %ne3A_1114 = arith.xori %lt3A_1109, %ne3A_1113 : vector<16xi1>
      %and3A_1115 = arith.andi %ne3A_1114, %ne3A_1106 : vector<16xi1>
      %add3A_1116 = vector.broadcast %select_n3A_1101 : i32 to vector<16xi32>
      %add3A_1117 = arith.addi %rem3A_1103, %add3A_1116 : vector<16xi32>
      %select_n3A_1118 = arith.select %and3A_1115, %add3A_1117, %rem3A_1103 : vector<16xi1>, vector<16xi32>
      %add3A_1119 = arith.constant 32 : i32
      %add3A_1120 = vector.broadcast %add3A_1119 : i32 to vector<16xi32>
      %add3A_1121 = arith.addi %add3A_1120, %iota3A_932 : vector<16xi32>
      %jit3A_1122 = arith.constant 8 : i32
      %eq3A_1123 = arith.constant 0 : i32
      %eq3A_1124 = arith.cmpi eq, %jit3A_1122, %eq3A_1123 : i32
      %jit3A_1125 = arith.constant 1 : i32
      %select_n3A_1126 = arith.select %eq3A_1124, %jit3A_1125, %jit3A_1122 : i32
      %rem3A_1127 = vector.broadcast %select_n3A_1126 : i32 to vector<16xi32>
      %rem3A_1128 = arith.remsi %add3A_1121, %rem3A_1127 : vector<16xi32>
      %ne3A_1129 = arith.constant 0 : i32
      %ne3A_1130 = vector.broadcast %ne3A_1129 : i32 to vector<16xi32>
      %ne3A_1131 = arith.cmpi ne, %rem3A_1128, %ne3A_1130 : vector<16xi32>
      %lt3A_1132 = arith.constant 0 : i32
      %lt3A_1133 = vector.broadcast %lt3A_1132 : i32 to vector<16xi32>
      %lt3A_1134 = arith.cmpi slt, %rem3A_1128, %lt3A_1133 : vector<16xi32>
      %lt3A_1135 = arith.constant 0 : i32
      %lt3A_1136 = arith.cmpi slt, %select_n3A_1126, %lt3A_1135 : i32
      %ne3A_1137 = vector.broadcast %lt3A_1136 : i1 to vector<16xi1>
      %ne3A_1138 = vector.broadcast %ne3A_1137 : vector<16xi1> to vector<16xi1>
      %ne3A_1139 = arith.xori %lt3A_1134, %ne3A_1138 : vector<16xi1>
      %and3A_1140 = arith.andi %ne3A_1139, %ne3A_1131 : vector<16xi1>
      %add3A_1141 = vector.broadcast %select_n3A_1126 : i32 to vector<16xi32>
      %add3A_1142 = arith.addi %rem3A_1128, %add3A_1141 : vector<16xi32>
      %select_n3A_1143 = arith.select %and3A_1140, %add3A_1142, %rem3A_1128 : vector<16xi1>, vector<16xi32>
      %add3A_1144 = arith.constant 48 : i32
      %add3A_1145 = vector.broadcast %add3A_1144 : i32 to vector<16xi32>
      %add3A_1146 = arith.addi %add3A_1145, %iota3A_932 : vector<16xi32>
      %jit3A_1147 = arith.constant 8 : i32
      %eq3A_1148 = arith.constant 0 : i32
      %eq3A_1149 = arith.cmpi eq, %jit3A_1147, %eq3A_1148 : i32
      %jit3A_1150 = arith.constant 1 : i32
      %select_n3A_1151 = arith.select %eq3A_1149, %jit3A_1150, %jit3A_1147 : i32
      %rem3A_1152 = vector.broadcast %select_n3A_1151 : i32 to vector<16xi32>
      %rem3A_1153 = arith.remsi %add3A_1146, %rem3A_1152 : vector<16xi32>
      %ne3A_1154 = arith.constant 0 : i32
      %ne3A_1155 = vector.broadcast %ne3A_1154 : i32 to vector<16xi32>
      %ne3A_1156 = arith.cmpi ne, %rem3A_1153, %ne3A_1155 : vector<16xi32>
      %lt3A_1157 = arith.constant 0 : i32
      %lt3A_1158 = vector.broadcast %lt3A_1157 : i32 to vector<16xi32>
      %lt3A_1159 = arith.cmpi slt, %rem3A_1153, %lt3A_1158 : vector<16xi32>
      %lt3A_1160 = arith.constant 0 : i32
      %lt3A_1161 = arith.cmpi slt, %select_n3A_1151, %lt3A_1160 : i32
      %ne3A_1162 = vector.broadcast %lt3A_1161 : i1 to vector<16xi1>
      %ne3A_1163 = vector.broadcast %ne3A_1162 : vector<16xi1> to vector<16xi1>
      %ne3A_1164 = arith.xori %lt3A_1159, %ne3A_1163 : vector<16xi1>
      %and3A_1165 = arith.andi %ne3A_1164, %ne3A_1156 : vector<16xi1>
      %add3A_1166 = vector.broadcast %select_n3A_1151 : i32 to vector<16xi32>
      %add3A_1167 = arith.addi %rem3A_1153, %add3A_1166 : vector<16xi32>
      %select_n3A_1168 = arith.select %and3A_1165, %add3A_1167, %rem3A_1153 : vector<16xi1>, vector<16xi32>
      %get3A_1169 = arith.index_cast %add3A_919 : i32 to index
      %get3A_1170 = arith.constant 0 : index
      %get3A_1171 = tpu.vector_load %arg6[%get3A_1169, %get3A_1170] {strides = array<i32>} : memref<200x64xf32, #tpu.memory_space<vmem>>, vector<16xf32>,
      %get3A_1172 = arith.index_cast %add3A_919 : i32 to index
      %get3A_1173 = arith.constant 16 : index
      %get3A_1174 = tpu.vector_load %arg6[%get3A_1172, %get3A_1173] {strides = array<i32>} : memref<200x64xf32, #tpu.memory_space<vmem>>, vector<16xf32>,
      %get3A_1175 = arith.index_cast %add3A_919 : i32 to index
      %get3A_1176 = arith.constant 32 : index
      %get3A_1177 = tpu.vector_load %arg6[%get3A_1175, %get3A_1176] {strides = array<i32>} : memref<200x64xf32, #tpu.memory_space<vmem>>, vector<16xf32>,
      %get3A_1178 = arith.index_cast %add3A_919 : i32 to index
      %get3A_1179 = arith.constant 48 : index
      %get3A_1180 = tpu.vector_load %arg6[%get3A_1178, %get3A_1179] {strides = array<i32>} : memref<200x64xf32, #tpu.memory_space<vmem>>, vector<16xf32>,
      %parallel_loop3A_1181 = arith.constant 0 : i32
      %parallel_loop3A_1182 = arith.constant 128 : i32
      %parallel_loop3A_1183 = arith.constant 1 : i32
      scf.for %parallel_loop3A_1199 = %parallel_loop3A_1181 to %parallel_loop3A_1182 step %parallel_loop3A_1183  : i32 {
        %parallel_loop3A_1200 = vector.broadcast %parallel_loop3A_1199 : i32 to vector<16xi32>
        %parallel_loop3A_1201 = arith.index_cast %parallel_loop3A_1199 : i32 to index
        %parallel_loop3A_1202 = arith.constant 0 : index
        %parallel_loop3A_1203 = tpu.vector_load %arg11[%parallel_loop3A_1201, %parallel_loop3A_1202] {strides = array<i32>} : memref<128x64xf32, #tpu.memory_space<vmem>>, vector<16xf32>,
        %parallel_loop3A_1204 = arith.addf %parallel_loop3A_1203, %get3A_1171 : vector<16xf32>
        tpu.vector_store_idx %arg15[%select_n3A_966, %select_n3A_1093, %parallel_loop3A_1200], %parallel_loop3A_1204 : memref<8x8x128xf32, #tpu.memory_space<vmem>>[vector<16xi32>, vector<16xi32>, vector<16xi32>], vector<16xf32>,
        %parallel_loop3A_1205 = arith.index_cast %parallel_loop3A_1199 : i32 to index
        %parallel_loop3A_1206 = arith.constant 16 : index
        %parallel_loop3A_1207 = tpu.vector_load %arg11[%parallel_loop3A_1205, %parallel_loop3A_1206] {strides = array<i32>} : memref<128x64xf32, #tpu.memory_space<vmem>>, vector<16xf32>,
        %parallel_loop3A_1208 = arith.addf %parallel_loop3A_1207, %get3A_1174 : vector<16xf32>
        tpu.vector_store_idx %arg15[%select_n3A_1000, %select_n3A_1118, %parallel_loop3A_1200], %parallel_loop3A_1208 : memref<8x8x128xf32, #tpu.memory_space<vmem>>[vector<16xi32>, vector<16xi32>, vector<16xi32>], vector<16xf32>,
        %parallel_loop3A_1209 = arith.index_cast %parallel_loop3A_1199 : i32 to index
        %parallel_loop3A_1210 = arith.constant 32 : index
        %parallel_loop3A_1211 = tpu.vector_load %arg11[%parallel_loop3A_1209, %parallel_loop3A_1210] {strides = array<i32>} : memref<128x64xf32, #tpu.memory_space<vmem>>, vector<16xf32>,
        %parallel_loop3A_1212 = arith.addf %parallel_loop3A_1211, %get3A_1177 : vector<16xf32>
        tpu.vector_store_idx %arg15[%select_n3A_1034, %select_n3A_1143, %parallel_loop3A_1200], %parallel_loop3A_1212 : memref<8x8x128xf32, #tpu.memory_space<vmem>>[vector<16xi32>, vector<16xi32>, vector<16xi32>], vector<16xf32>,
        %parallel_loop3A_1213 = arith.index_cast %parallel_loop3A_1199 : i32 to index
        %parallel_loop3A_1214 = arith.constant 48 : index
        %parallel_loop3A_1215 = tpu.vector_load %arg11[%parallel_loop3A_1213, %parallel_loop3A_1214] {strides = array<i32>} : memref<128x64xf32, #tpu.memory_space<vmem>>, vector<16xf32>,
        %parallel_loop3A_1216 = arith.addf %parallel_loop3A_1215, %get3A_1180 : vector<16xf32>
        tpu.vector_store_idx %arg15[%select_n3A_1068, %select_n3A_1168, %parallel_loop3A_1200], %parallel_loop3A_1216 : memref<8x8x128xf32, #tpu.memory_space<vmem>>[vector<16xi32>, vector<16xi32>, vector<16xi32>], vector<16xf32>,
      } {sc.loop_unroll_factor = 8 : i64, sc.parallel_access}
      %dma_start3A_1184 = arith.constant 0 : i32
      %dma_start3A_1185 = arith.constant 0 : i32
      %dma_start3A_1186 = arith.constant 0 : i32
      %dma_start3A_1187 = tpu.memref_slice %arg5[%add3A_919, %dma_start3A_1184, %add3A, %dma_start3A_1185, %dma_start3A_1186] : memref<200x8x32x8x128xf32, #tpu.memory_space<hbm>> -> memref<1x8x1x8x128xf32, #tpu.memory_space<hbm>>
      %dma_start3A_1188 = tpu.memref_squeeze %dma_start3A_1187 : memref<1x8x1x8x128xf32, #tpu.memory_space<hbm>> -> memref<8x8x128xf32, #tpu.memory_space<hbm>>
      %dma_start3A_1189 = arith.constant 0 : i32
      %dma_start3A_1190 = arith.constant 0 : i32
      %dma_start3A_1191 = arith.constant 0 : i32
      %dma_start3A_1192 = tpu.memref_slice %arg5[%add3A_919, %dma_start3A_1189, %add3A, %dma_start3A_1190, %dma_start3A_1191] : memref<200x8x32x8x128xf32, #tpu.memory_space<hbm>> -> memref<1x8x1x8x128xf32, #tpu.memory_space<hbm>>
      %dma_start3A_1193 = tpu.memref_squeeze %dma_start3A_1192 : memref<1x8x1x8x128xf32, #tpu.memory_space<hbm>> -> memref<8x8x128xf32, #tpu.memory_space<hbm>>
      tpu.enqueue_dma source(%arg15 : memref<8x8x128xf32, #tpu.memory_space<vmem>>) target(%dma_start3A_1193 : memref<8x8x128xf32, #tpu.memory_space<hbm>>) target_semaphore(%arg23 : memref<!tpu.dma_semaphore, #tpu.memory_space<semaphore_mem>>)
      %lt3A_1194 = arith.constant 49 : i32
      %lt3A_1195 = arith.cmpi slt, %scan3A_82, %lt3A_1194 : i32
      %convert_element_type3A_1196 = arith.extui %lt3A_1195 : i1 to i32
      %cond3A_1197 = arith.constant 0 : i32
      %cond3A_1198 = arith.cmpi ne, %convert_element_type3A_1196, %cond3A_1197 : i32
      scf.if %cond3A_1198 {
        %add3A_1199 = arith.constant 4 : i32
        %add3A_1200 = arith.addi %add3A_919, %add3A_1199 : i32
        %dma_start3A_1201 = arith.constant 0 : i32
        %dma_start3A_1202 = tpu.memref_slice %arg7[%add3A_1200, %dma_start3A_1201] : memref<200x128xi32, #tpu.memory_space<vmem>> -> memref<1x128xi32, #tpu.memory_space<vmem>>
        %dma_start3A_1203 = tpu.memref_squeeze %dma_start3A_1202 : memref<1x128xi32, #tpu.memory_space<vmem>> -> memref<128xi32, #tpu.memory_space<vmem>>
        %dma_start3A_1204 = arith.constant 0 : i32
        %dma_start3A_1205 = arith.constant 0 : i32
        %dma_start3A_1206 = tpu.memref_slice %arg3[%dma_start3A_1204, %dma_start3A_1205] : memref<100000x64xf32, #tpu.memory_space<hbm>> -> memref<100000x64xf32, #tpu.memory_space<hbm>>
        tpu.enqueue_indirect_dma source(%dma_start3A_1206 : memref<100000x64xf32, #tpu.memory_space<hbm>>) target(%arg11 : memref<128x64xf32, #tpu.memory_space<vmem>>) offsets(%dma_start3A_1203 : memref<128xi32, #tpu.memory_space<vmem>>) semaphore(%arg19 : memref<!tpu.dma_semaphore, #tpu.memory_space<semaphore_mem>>)
      } else {
      }
    }
    %scan3A_34 = arith.constant 50 : i32
    %dma_wait3A = arith.constant 0 : i32
    %dma_wait3A_35 = arith.constant 0 : i32
    %dma_wait3A_36 = arith.constant 0 : i32
    %dma_wait3A_37 = arith.constant 0 : i32
    %dma_wait3A_38 = arith.constant 0 : i32
    %dma_wait3A_39 = tpu.memref_slice %arg5[%dma_wait3A, %dma_wait3A_36, %dma_wait3A_35, %dma_wait3A_37, %dma_wait3A_38] : memref<200x8x32x8x128xf32, #tpu.memory_space<hbm>> -> memref<1x8x1x8x128xf32, #tpu.memory_space<hbm>>
    %dma_wait3A_40 = tpu.memref_squeeze %dma_wait3A_39 : memref<1x8x1x8x128xf32, #tpu.memory_space<hbm>> -> memref<8x8x128xf32, #tpu.memory_space<hbm>>
    %dma_wait3A_41 = arith.constant 0 : i32
    %dma_wait3A_42 = arith.constant 0 : i32
    %dma_wait3A_43 = arith.constant 0 : i32
    %dma_wait3A_44 = tpu.memref_slice %arg5[%dma_wait3A, %dma_wait3A_41, %dma_wait3A_35, %dma_wait3A_42, %dma_wait3A_43] : memref<200x8x32x8x128xf32, #tpu.memory_space<hbm>> -> memref<1x8x1x8x128xf32, #tpu.memory_space<hbm>>
    %dma_wait3A_45 = tpu.memref_squeeze %dma_wait3A_44 : memref<1x8x1x8x128xf32, #tpu.memory_space<hbm>> -> memref<8x8x128xf32, #tpu.memory_space<hbm>>
    tpu.wait_dma2 semaphore(%arg20 : memref<!tpu.dma_semaphore, #tpu.memory_space<semaphore_mem>>) src(%arg12 : memref<8x8x128xf32, #tpu.memory_space<vmem>>) dst(%dma_wait3A_45 : memref<8x8x128xf32, #tpu.memory_space<hbm>>)
    %dma_wait3A_46 = arith.constant 0 : i32
    %dma_wait3A_47 = arith.constant 0 : i32
    %dma_wait3A_48 = arith.constant 0 : i32
    %dma_wait3A_49 = arith.constant 0 : i32
    %dma_wait3A_50 = arith.constant 0 : i32
    %dma_wait3A_51 = tpu.memref_slice %arg5[%dma_wait3A_46, %dma_wait3A_48, %dma_wait3A_47, %dma_wait3A_49, %dma_wait3A_50] : memref<200x8x32x8x128xf32, #tpu.memory_space<hbm>> -> memref<1x8x1x8x128xf32, #tpu.memory_space<hbm>>
    %dma_wait3A_52 = tpu.memref_squeeze %dma_wait3A_51 : memref<1x8x1x8x128xf32, #tpu.memory_space<hbm>> -> memref<8x8x128xf32, #tpu.memory_space<hbm>>
    %dma_wait3A_53 = arith.constant 0 : i32
    %dma_wait3A_54 = arith.constant 0 : i32
    %dma_wait3A_55 = arith.constant 0 : i32
    %dma_wait3A_56 = tpu.memref_slice %arg5[%dma_wait3A_46, %dma_wait3A_53, %dma_wait3A_47, %dma_wait3A_54, %dma_wait3A_55] : memref<200x8x32x8x128xf32, #tpu.memory_space<hbm>> -> memref<1x8x1x8x128xf32, #tpu.memory_space<hbm>>
    %dma_wait3A_57 = tpu.memref_squeeze %dma_wait3A_56 : memref<1x8x1x8x128xf32, #tpu.memory_space<hbm>> -> memref<8x8x128xf32, #tpu.memory_space<hbm>>
    tpu.wait_dma2 semaphore(%arg21 : memref<!tpu.dma_semaphore, #tpu.memory_space<semaphore_mem>>) src(%arg13 : memref<8x8x128xf32, #tpu.memory_space<vmem>>) dst(%dma_wait3A_57 : memref<8x8x128xf32, #tpu.memory_space<hbm>>)
    %dma_wait3A_58 = arith.constant 0 : i32
    %dma_wait3A_59 = arith.constant 0 : i32
    %dma_wait3A_60 = arith.constant 0 : i32
    %dma_wait3A_61 = arith.constant 0 : i32
    %dma_wait3A_62 = arith.constant 0 : i32
    %dma_wait3A_63 = tpu.memref_slice %arg5[%dma_wait3A_58, %dma_wait3A_60, %dma_wait3A_59, %dma_wait3A_61, %dma_wait3A_62] : memref<200x8x32x8x128xf32, #tpu.memory_space<hbm>> -> memref<1x8x1x8x128xf32, #tpu.memory_space<hbm>>
    %dma_wait3A_64 = tpu.memref_squeeze %dma_wait3A_63 : memref<1x8x1x8x128xf32, #tpu.memory_space<hbm>> -> memref<8x8x128xf32, #tpu.memory_space<hbm>>
    %dma_wait3A_65 = arith.constant 0 : i32
    %dma_wait3A_66 = arith.constant 0 : i32
    %dma_wait3A_67 = arith.constant 0 : i32
    %dma_wait3A_68 = tpu.memref_slice %arg5[%dma_wait3A_58, %dma_wait3A_65, %dma_wait3A_59, %dma_wait3A_66, %dma_wait3A_67] : memref<200x8x32x8x128xf32, #tpu.memory_space<hbm>> -> memref<1x8x1x8x128xf32, #tpu.memory_space<hbm>>
    %dma_wait3A_69 = tpu.memref_squeeze %dma_wait3A_68 : memref<1x8x1x8x128xf32, #tpu.memory_space<hbm>> -> memref<8x8x128xf32, #tpu.memory_space<hbm>>
    tpu.wait_dma2 semaphore(%arg22 : memref<!tpu.dma_semaphore, #tpu.memory_space<semaphore_mem>>) src(%arg14 : memref<8x8x128xf32, #tpu.memory_space<vmem>>) dst(%dma_wait3A_69 : memref<8x8x128xf32, #tpu.memory_space<hbm>>)
    %dma_wait3A_70 = arith.constant 0 : i32
    %dma_wait3A_71 = arith.constant 0 : i32
    %dma_wait3A_72 = arith.constant 0 : i32
    %dma_wait3A_73 = arith.constant 0 : i32
    %dma_wait3A_74 = arith.constant 0 : i32
    %dma_wait3A_75 = tpu.memref_slice %arg5[%dma_wait3A_70, %dma_wait3A_72, %dma_wait3A_71, %dma_wait3A_73, %dma_wait3A_74] : memref<200x8x32x8x128xf32, #tpu.memory_space<hbm>> -> memref<1x8x1x8x128xf32, #tpu.memory_space<hbm>>
    %dma_wait3A_76 = tpu.memref_squeeze %dma_wait3A_75 : memref<1x8x1x8x128xf32, #tpu.memory_space<hbm>> -> memref<8x8x128xf32, #tpu.memory_space<hbm>>
    %dma_wait3A_77 = arith.constant 0 : i32
    %dma_wait3A_78 = arith.constant 0 : i32
    %dma_wait3A_79 = arith.constant 0 : i32
    %dma_wait3A_80 = tpu.memref_slice %arg5[%dma_wait3A_70, %dma_wait3A_77, %dma_wait3A_71, %dma_wait3A_78, %dma_wait3A_79] : memref<200x8x32x8x128xf32, #tpu.memory_space<hbm>> -> memref<1x8x1x8x128xf32, #tpu.memory_space<hbm>>
    %dma_wait3A_81 = tpu.memref_squeeze %dma_wait3A_80 : memref<1x8x1x8x128xf32, #tpu.memory_space<hbm>> -> memref<8x8x128xf32, #tpu.memory_space<hbm>>
    tpu.wait_dma2 semaphore(%arg23 : memref<!tpu.dma_semaphore, #tpu.memory_space<semaphore_mem>>) src(%arg15 : memref<8x8x128xf32, #tpu.memory_space<vmem>>) dst(%dma_wait3A_81 : memref<8x8x128xf32, #tpu.memory_space<hbm>>)
    return
  }
}

</mosaic_0001>

<sc_bundles>
// kernel: kernel.3.cloned.1.call-start
scs
__scs_entry_jumppad:
0x0: {  	(pc) =	sbr.rel $0x88, $3  }
0x1: {  	(tag) =	ssettag $0x0;
	lr =	simm.s32 $0x1  }
0x2: {  	[smem:$0x3F9E] =	sst lr;
	_ =	strace $0xD0000000  }
0x3: {  	_ = 	snop  }
0x4: {  	_ = 	snop  }
0x5: {  	_ = 	snop  }
0x6: {  	_ = 	snop  }
0x7: {  	_ = 	snop  }
__scs_overlays_trampoline_lowered:
0x8: {  	[smem:$0x3FAD] =	sst s0  }
0x9: {  	[smem:$0x3FAE] =	sst s1  }
0xa: {  	[smem:$0x3FAF] =	sst s2  }
0xb: {  	[smem:$0x3FB0] =	sst s3  }
0xc: {  	[smem:$0x3FB1] =	sst s4  }
0xd: {  	[smem:$0x3FB2] =	sst s5  }
0xe: {  	[smem:$0x3FB3] =	sst s6  }
0xf: {  	[smem:$0x3FB4] =	sst s7  }
0x10: {  	[smem:$0x3FB5] =	sst s8  }
0x11: {  	[smem:$0x3FB6] =	sst s9;
	s0 =	simm.s32 @!p0 $0x0  }
0x12: {  	s1 =	sld [smem:$0x3F9C];
	s0 =	simm.s32 @p0 $0x1  }
0x13: {  	[smem:$0x3FB7] =	sst s0;
	s0 =	simm.s32 @!p1 $0x0  }
0x14: {  	s2 =	sld [smem:$0x3F9B];
	s0 =	simm.s32 @p1 $0x1  }
0x15: {  	[smem:$0x3FB8] =	sst s0;
	s0 =	simm.s32 @!p2 $0x0  }
0x16: {  	s3 =	sld [smem:$0x3FDB];
	s0 =	simm.s32 @p2 $0x1  }
0x17: {  	s4 =	simm.s32 $0x1BF5;
	[smem:$0x3FBA] =	sst s0  }
0x18: {  	s0 =	sld [smem:$0x3F9D];
	_ =	swait.ge [sflag:s4], $0x0  }
0x19: {  	s7 =	sld [smem:$0x3F9E]  }
0x1a: {  	s8 =	sadd.s32 $0xFFFFE003, lr  }
0x1b: {  	s9 =	sadd.s32 $0xFFFFFEF7, lr;
	s5 =	simm.s32 $0xFFFFFFFF;
	p2 =	slt.u32 s8, $0xFFFFF086  }
0x1c: {  	p1 =	slt.u32 s9, $0xF7A;
	s5 =	simm.s32 @!p2 $0x0  }
0x1d: {  	s5 =	simm.s32 @p1 $0x1;
	p0 =	seq.s32 s7, s2  }
0x1e: {  	s7 =	smul.u32 @!p0 $0xF7A, s2;
	p2 =	seq.s32 @!p0 s5, $0x0  }
0x1f: {  	s9 =	smul.u32 $0xF7A, s1;
	s8 =	simm.s32 @!p0 $0x1BF5;
	p2 =	por !p2, p0  }
0x20: {  	[sflag:s8] =	ssyncset.s32 @!p0 $0xFFFFF086;
	s6 =	sadd.s32 @!p0 s3, s7;
	s7 =	simm.s32 @!p0 $0x108  }
0x21: {  	s3 =	sadd.s32 s3, s9;
	s6 =	sadd.s32 @!p0 $0x88, s6;
	s7 =	simm.s32 @p2 $0x1082  }
0x22: {  	[simem:s7], [sflag:s8] =	dma.local @!p0 [hbm:s6], $0xF7A  }
0x23: {  	s9 =	sor.u32 $0xD0000000, s2;
	s6 =	simm.s32 $0x108;
	_ =	swait.ge @!p0 [sflag:s8], $0x0  }
0x24: {  	s3 =	sadd.s32 $0x88, s3;
	s6 =	simm.s32 @!p1 $0x1082;
	[sflag:s4] =	ssyncset.s32 $0xFFFFF086  }
0x25: {  	[simem:s6], [sflag:s4] =	dma.local [hbm:s3], $0xF7A  }
0x26: {  	[smem:$0x3F9E] =	sst s1;
	(tag) =	ssettag s2;
	_ =	strace s9  }
0x27: {  	s1 =	sld [smem:$0x3FAE]  }
0x28: {  	s2 =	sld [smem:$0x3FAF]  }
0x29: {  	s4 =	sld [smem:$0x3FB1]  }
0x2a: {  	p0 =	seq.s32 s5, $0x0;
	s5 =	sld [smem:$0x3FB2]  }
0x2b: {  	s6 =	sld [smem:$0x3FB3]  }
0x2c: {  	s7 =	sld [smem:$0x3FB4]  }
0x2d: {  	s3 =	simm.s32 $0x108;
	s8 =	sld [smem:$0x3FB5]  }
0x2e: {  	s3 =	simm.s32 @!p0 $0x1082;
	s9 =	sld [smem:$0x3FB6]  }
0x2f: {  	lr =	sadd.s32 s0, s3;
	s0 =	sld [smem:$0x3FAD]  }
0x30: {  	s3 =	sld [smem:$0x3FB0]  }
0x31: {  	[smem:$0x3FB9] =	sst s10  }
0x32: {  	s10 =	sld [smem:$0x3FB7];
	_ =	sdelay $0x3  }
0x33: {  	p0 =	seq.s32 s10, $0x1;
	s10 =	sld [smem:$0x3FB9];
	_ =	sdelay $0x3  }
0x34: {  	[smem:$0x3FB9] =	sst s10  }
0x35: {  	s10 =	sld [smem:$0x3FB8];
	_ =	sdelay $0x3  }
0x36: {  	p1 =	seq.s32 s10, $0x1;
	s10 =	sld [smem:$0x3FB9];
	_ =	sdelay $0x3  }
0x37: {  	[smem:$0x3FB9] =	sst s10  }
0x38: {  	s10 =	sld [smem:$0x3FBA]  }
0x39: {  	_ = 	snop;
	(pc) =	sbr.ind lr, $3  }
0x3a: {  	_ = 	snop  }
0x3b: {  	_ = 	snop  }
0x3c: {  	p2 =	seq.s32 s10, $0x1;
	s10 =	sld [smem:$0x3FB9]  }
0x3d: {  	_ =	shalt  }
0x3e: {  	_ =	shalt  }
0x3f: {  	_ =	shalt  }
0x40: {  	_ =	shalt  }
0x41: {  	_ =	shalt  }
0x42: {  	_ =	shalt  }
0x43: {  	_ =	shalt  }
0x44: {  	_ =	shalt  }
0x45: {  	_ =	shalt  }
0x46: {  	_ =	shalt  }
0x47: {  	_ =	shalt  }
0x48: {  	_ =	shalt  }
0x49: {  	_ =	shalt  }
0x4a: {  	_ =	shalt  }
0x4b: {  	_ =	shalt  }
0x4c: {  	_ =	shalt  }
0x4d: {  	_ =	shalt  }
0x4e: {  	_ =	shalt  }
0x4f: {  	_ =	shalt  }
0x50: {  	_ =	shalt  }
0x51: {  	_ =	shalt  }
0x52: {  	_ =	shalt  }
0x53: {  	_ =	shalt  }
0x54: {  	_ =	shalt  }
0x55: {  	_ =	shalt  }
0x56: {  	_ =	shalt  }
0x57: {  	_ =	shalt  }
0x58: {  	_ =	shalt  }
0x59: {  	_ =	shalt  }
0x5a: {  	_ =	shalt  }
0x5b: {  	_ =	shalt  }
0x5c: {  	_ =	shalt  }
0x5d: {  	_ =	shalt  }
0x5e: {  	_ =	shalt  }
0x5f: {  	_ =	shalt  }
0x60: {  	_ =	shalt  }
0x61: {  	_ =	shalt  }
0x62: {  	_ =	shalt  }
0x63: {  	_ =	shalt  }
0x64: {  	_ =	shalt  }
0x65: {  	_ =	shalt  }
0x66: {  	_ =	shalt  }
0x67: {  	_ =	shalt  }
0x68: {  	_ =	shalt  }
0x69: {  	_ =	shalt  }
0x6a: {  	_ =	shalt  }
0x6b: {  	_ =	shalt  }
0x6c: {  	_ =	shalt  }
0x6d: {  	_ =	shalt  }
0x6e: {  	_ =	shalt  }
0x6f: {  	_ =	shalt  }
0x70: {  	_ =	shalt  }
0x71: {  	_ =	shalt  }
0x72: {  	_ =	shalt  }
0x73: {  	_ =	shalt  }
0x74: {  	_ =	shalt  }
0x75: {  	_ =	shalt  }
0x76: {  	_ =	shalt  }
0x77: {  	_ =	shalt  }
0x78: {  	_ =	shalt  }
0x79: {  	_ =	shalt  }
0x7a: {  	_ =	shalt  }
0x7b: {  	_ =	shalt  }
0x7c: {  	_ =	shalt  }
0x7d: {  	_ =	shalt  }
0x7e: {  	_ =	shalt  }
0x7f: {  	_ =	shalt  }
0x80: {  	_ =	shalt  }
0x81: {  	_ =	shalt  }
0x82: {  	_ =	shalt  }
0x83: {  	_ =	shalt  }
0x84: {  	_ =	shalt  }
0x85: {  	_ =	shalt  }
0x86: {  	_ =	shalt  }
0x87: {  	_ =	shalt  }
.Lfunc_end0:
.L_simem_size_0:
called_computation_lowered:
.L_overlay_start_0:
0x88: {  	s2 =	sld [smem:$0x3FD9]  }
0x89: {  	s3 =	sld [smem:$0x3FFE];
	_ =	sdelay $0x1  }
0x8a: {  	s1 =	srdreg.scid  }
0x8b: {  	s0 =	sand.u32 $0x1, s1  }
0x8c: {  	s17 =	sshll.u32 s0, $0xA;
	s2 =	sadd.s32 s3, s2  }
0x8d: {  	s2 =	sadd.s32 s2, s17  }
0x8e: {  	[smem:$0x3FC5] =	sst s2  }
0x8f: {  	_ = 	snop  }
0x90: {  	s2 =	sld [smem:$0x3FD0];
	(tm) =	ssettm $0x1  }
0x91: {  	s18 =	sld [smem:$0x3FFB];
	_ =	sdelay $0x3  }
0x92: {  	_ =	strace s18  }
0x93: {  	s3 =	sld [smem:$0x3FFC];
	_ =	sdelay $0x3  }
0x94: {  	_ =	strace s3  }
0x95: {  	s3 =	sld [smem:$0x3FFD];
	_ =	sdelay $0x3  }
0x96: {  	_ =	strace s3  }
0x97: {  	_ =	strace $0x8FFFFFFF  }
0x98: {  	s19 =	sld [smem:$0x3FDB];
	_ =	sdelay $0x1  }
0x99: {  	s4 =	simm.s32 $_scs_section_size  }
0x9a: {  	s5 =	simm.s32 $_size__tile_overlayer_lowered;
	s6 =	simm.s32 $_tile_overlayer_lowered  }
0x9b: {  	s22 =	simm.s32 $0x1BFF;
	s21 =	sshll.u32 s6, $0x1;
	s3 =	sadd.s32 s4, s19  }
0x9c: {  	s7 =	simm.s32 $0x0;
	s20 =	sshll.u32 s5, $0x1;
	s5 =	sadd.s32 s21, s3  }
0x9d: {  	[timem:s7], [sflag:s22] =	dma.local [hbm:s5], s20  }
0x9e: {  	_ =	swait.ge [sflag:s22], s20  }
0x9f: {  	s4 =	ssub.s32 $0x0, s20;
	[sflag:s22] =	ssyncset.done $0x0  }
0xa0: {  	[sflag:s22] =	ssyncadd.s32 s4;
	_ =	sdelay $0x1  }
0xa1: {  	s23 =	simm.s32 $0x1B8B  }
0xa2: {  	_ =	swait.ge [sflag:s23], $0x1  }
0xa3: {  	[sflag:s23] =	ssyncset.done $0x0  }
0xa4: {  	s25 =	simm.s32 $0x1B8E;
	s24 =	sld [smem:$0x3FFE];
	[sflag:s23] =	ssyncadd.s32 $0xFFFFFFFF  }
0xa5: {  	s26 =	simm.s32 $execute0_lowered;
	[smem:$0x3FD2] =	sst s25  }
0xa6: {  	s5 =	sshll.u32 s26, $0x1;
	_ =	strace $0x80000046;
	[dreg:$0x1] =	wrdreg $0xFFFFFFFF  }
0xa7: {  	s28 =	simm.s32 $_size_execute0_lowered;
	s3 =	sadd.s32 s3, s5;
	[dreg:$0x0] =	wrdreg $0x0  }
0xa8: {  	s5 =	sshll.u32 s28, $0x1;
	[dreg:$0x2] =	wrdreg s3  }
0xa9: {  	[dreg:$0x3] =	wrdreg s5  }
0xaa: {  	[dreg:$0x4] =	wrdreg $0xC0  }
0xab: {  	_ =	task [dreg:s7], $0x5FFFF  }
0xac: {  	[dreg:$0x1] =	wrdreg $0xFFFFFFFF  }
0xad: {  	[dreg:$0x0] =	wrdreg $0x60  }
0xae: {  	[dreg:$0x2] =	wrdreg s24  }
0xaf: {  	[dreg:$0x3] =	wrdreg s2  }
0xb0: {  	[dreg:$0x4] =	wrdreg $0x9  }
0xb1: {  	_ =	task.clear_ibuf [dreg:s7], $0x5FFFF;
	_ =	strace $0x90000046  }
0xb2: {  	s29 =	simm.s32 $0x9;
	_ =	strace $0x80000048  }
0xb3: {  	_ =	swait.ge [sflag:s29], $0x1  }
0xb4: {  	[sflag:s29] =	ssyncadd.s32 $0xFFFFFFFF  }
0xb5: {  	_ =	strace $0x90000048  }
0xb6: {  	_ =	sfence  }
0xb7: {  	s30 =	sld [smem:$0x0];
	_ =	sdelay $0x2  }
0xb8: {  	s31 =	sshll.u32 s1, $0xD;
	s1 =	sshrl.u32 s1, $0x2  }
0xb9: {  	s3 =	sand.u32 $0x4000, s31;
	s1 =	sadd.s32 s1, s30  }
0xba: {  	s0 =	sor.u32 s3, s0;
	s1 =	sshll.u32 s1, $0x11  }
0xbb: {  	s0 =	sor.u32 s1, s0  }
0xbc: {  	s0 =	sadd.s32 $0x8F2B, s0  }
0xbd: {  	[sflag:s0] =	ssyncadd.remote.s32 $0x1  }
0xbe: {  	_ =	sfence.sel $0xFFFF  }
0xbf: {  	[dreg:$0x0] =	wrdreg $0xFFFFFFFF;
	(pc) =	sbr.abs _section_cstart, $3  }
0xc0: {  	[dreg:$0x1] =	wrdreg $0xFFFFFFFF  }
0xc1: {  	_ =	task.clear_ibuf [dreg:s7], $0x2FFFF;
	_ =	strace $0x9FFFFFFF  }
0xc2: {  	(tm) =	ssettm $0x7FFFFFFF  }
0xc3: {  	_ =	shalt  }
tec
execute0_lowered:
.L_overlay_start_1:
0x0: {  	(tag) =	ssettag $0x1  }
0x1: {  	v0 =	vlaneseq.u32  }
0x2: {  	s0 =	rddreg [dreg:$0x0];
	s4 =	simm.s32 $0x0;
	v27 =	vmul.u32 $0x80, v0  }
0x3: {  	vm0 =	vcmask $0x300;
	[smem:$0x7FF] =	sst s4;
	v0 =	vimm.s32 $0x0  }
0x4: {  	s2 =	rddreg [dreg:$0x1];
	_ =	strace $0x80000047;
	v1 =	vsel vm0, $0x3, v0;
	v0 =	vor.u32 $0x3, v27;
	[tilespmem:$0x1FE70] =	vst v27  }
0x5: {  	v2 =	vor.u32 $0x4, v27;
	[tilespmem:$0x1FE00] =	vst v0  }
0x6: {  	v29 =	vor.u32 $0x6, v27;
	[tilespmem:$0x1FE10] =	vst v2  }
0x7: {  	v31 =	vor.u32 $0x806, v27;
	[tilespmem:$0x1FE90] =	vst v29  }
0x8: {  	v51 =	vor.u32 $0x1006, v27;
	[tilespmem:$0x1FEA0] =	vst v31  }
0x9: {  	v3 =	vor.u32 $0x1806, v27;
	[tilespmem:$0x1FEB0] =	vst v51  }
0xa: {  	v38 =	vor.u32 $0x7, v27;
	[tilespmem:$0x1FEC0] =	vst v3  }
0xb: {  	v40 =	vor.u32 $0x807, v27;
	[tilespmem:$0x1FED0] =	vst v38  }
0xc: {  	v48 =	vor.u32 $0x1007, v27;
	[tilespmem:$0x1FEE0] =	vst v40  }
0xd: {  	v4 =	vor.u32 $0x1807, v27;
	[tilespmem:$0x1FEF0] =	vst v48  }
0xe: {  	v49 =	vor.u32 $0x1000, v27;
	[tilespmem:$0x1FF00] =	vst v4  }
0xf: {  	v47 =	vor.u32 $0x1005, v27;
	[tilespmem:$0x1FF10] =	vst v49  }
0x10: {  	v28 =	vor.u32 $0x805, v27;
	[tilespmem:$0x1FF20] =	vst v47  }
0x11: {  	v62 =	vor.u32 $0x1, v27;
	[tilespmem:$0x1FF30] =	vst v28  }
0x12: {  	v32 =	vor.u32 $0x801, v27;
	[tilespmem:$0x1FF40] =	vst v62  }
0x13: {  	v36 =	vor.u32 $0x800, v27;
	[tilespmem:$0x1FF50] =	vst v32  }
0x14: {  	v20 =	vor.u32 $0x2, v27;
	[tilespmem:$0x1FF60] =	vst v36  }
0x15: {  	v61 =	vor.u32 $0x802, v27;
	[tilespmem:$0x1FF70] =	vst v20  }
0x16: {  	v18 =	vor.u32 $0x1001, v27;
	[tilespmem:$0x1FF80] =	vst v61  }
0x17: {  	v63 =	vor.u32 $0x1801, v27;
	[tilespmem:$0x1FF90] =	vst v18  }
0x18: {  	s1 =	srdreg.scid;
	v22 =	vor.u32 $0x1002, v27;
	[tilespmem:$0x1FFA0] =	vst v63  }
0x19: {  	s3 =	stileid.u32;
	s9 =	simm.s32 $0x9;
	s10 =	simm.s32 $0x80;
	v24 =	vor.u32 $0x803, v27;
	[tilespmem:$0x1FFB0] =	vst v22  }
0x1a: {  	s19 =	simm.s32 $0xF600;
	s20 =	simm.s32 $0x1;
	s21 =	simm.s32 $0x11600;
	v25 =	vor.u32 $0x1003, v27;
	[tilespmem:$0x1FFC0] =	vst v24  }
0x1b: {  	s22 =	simm.s32 $0x400;
	s23 =	simm.s32 $0x8000;
	s24 =	simm.s32 $0x2;
	v23 =	vor.u32 $0x1802, v27;
	[tilespmem:$0x1FFD0] =	vst v25  }
0x1c: {  	s28 =	simm.s32 $0x15600;
	s29 =	simm.s32 $0x4;
	s30 =	simm.s32 $0x17600;
	v30 =	vor.u32 $0x1800, v27;
	[tilespmem:$0x1FFE0] =	vst v23  }
0x1d: {  	s11 =	simm.s32 $0x8;
	s1 =	sand.u32 $0x1, s1;
	s3 =	sshll.u32 s3, $0x1;
	v2 =	vor.u32 $0x804, v27;
	[tilespmem:$0x1FFF0] =	vst v30  }
0x1e: {  	s13 =	simm.s32 $0x0;
	s4 =	sadd.s32 $0x19C00, s0;
	s3 =	sor.u32 s1, s3;
	v0 =	vor.u32 $0x1803, v27;
	[tilespmem:$0x1FE20] =	vst v2  }
.Ltmp0:
0x1f: {  	s1 =	ssub.s32 $0x2, s1;
	s25 =	sshll.u32 s3, $0x4;
	v2 =	vor.u32 $0x1004, v27;
	[tilespmem:$0x1FE60] =	vst v0;
	(pc) =	sbr.rel .LBB2_1-.Ltmp0, $4  }
0x20: {  	s26 =	sshrl.u32 s1, $0x1;
	s5 =	sadd.s32 s25, s0;
	s0 =	sadd.s32 $0x400, s0;
	[tilespmem:$0x1FE30] =	vst v2;
	v2 =	vor.u32 $0x1804, v27  }
0x21: {  	[dreg:$0x3] =	wrdreg s0;
	s0 =	ssub.s32 s1, s26;
	s31 =	sadd.s32 $0xC00, s5;
	[tilespmem:$0x1FE40] =	vst v2;
	v2 =	vor.u32 $0x5, v27  }
0x22: {  	s7 =	sshll.u32 s3, $0xA;
	[dreg:$0x4] =	wrdreg s31;
	s0 =	smax.u32 s0, $0x1;
	[tilespmem:$0x1FE50] =	vst v2;
	v2 =	vor.u32 $0x1805, v27  }
0x23: {  	s25 =	simm.s32 $0x13600;
	s26 =	simm.s32 $0x3;
	[dreg:$0x5] =	wrdreg s0;
	[tilespmem:$0x1FE80] =	vst v2  }
.LBB2_12:
0x24: {  	s0 =	simm.s32 $0x5  }
0x25: {  	_ =	swait.ge [sflag:s0], $0x2000  }
0x26: {  	[sflag:s0] =	ssyncset.done $0x0  }
0x27: {  	s17 =	simm.s32 $0x6;
	[sflag:s0] =	ssyncadd.s32 $0xFFFFE000  }
0x28: {  	_ =	swait.ge [sflag:s17], $0x2000  }
0x29: {  	[sflag:s17] =	ssyncset.done $0x0  }
0x2a: {  	s18 =	simm.s32 $0x7;
	[sflag:s17] =	ssyncadd.s32 $0xFFFFE000  }
0x2b: {  	_ =	swait.ge [sflag:s18], $0x2000  }
0x2c: {  	[sflag:s18] =	ssyncset.done $0x0  }
0x2d: {  	[sflag:s18] =	ssyncadd.s32 $0xFFFFE000  }
0x2e: {  	_ =	swait.ge [sflag:s11], $0x2000  }
0x2f: {  	s13 =	sadd.s32 $0x1, s13;
	s31 =	rddreg [dreg:$0x5];
	v27 =	vld [tilespmem:$0x1FE70]  }
0x30: {  	v47 =	vmov v29;
	v29 =	vld [tilespmem:$0x1FE90];
	p0 =	sne.s32 s13, s31  }
.Ltmp1:
0x31: {  	v62 =	vmov v31;
	v31 =	vld [tilespmem:$0x1FEA0];
	(pc) =	sbr.rel @!p0 .LBB2_13-.Ltmp1, $4  }
0x32: {  	v51 =	vld [tilespmem:$0x1FEB0]  }
0x33: {  	v38 =	vld [tilespmem:$0x1FED0]  }
0x34: {  	[sflag:s11] =	ssyncset.done $0x0;
	v40 =	vld [tilespmem:$0x1FEE0]  }
0x35: {  	v63 =	vmov v19;
	v61 =	vmov v21;
	v28 =	vmov v57;
	v48 =	vld [tilespmem:$0x1FEF0];
	[sflag:s11] =	ssyncadd.s32 $0xFFFFE000  }
.LBB2_1:
0x36: {  	s0 =	simm.s32 $0x0;
	s1 =	rddreg [dreg:$0x3]  }
0x37: {  	[tilespmem:s0], [sflag:$0x9] =	stream.linear.gather [hbm4b:s1+s0], $0x3200, $0x38;
	[tilespmem:$0x19600] =	vst v63  }
0x38: {  	_ =	swait.ge [sflag:s9], $0x3200  }
0x39: {  	s12 =	simm.s32 $0x1000;
	[sflag:s9] =	ssyncset.done $0x0  }
0x3a: {  	s3 =	simm.s32 $0x3200;
	s8 =	rddreg [dreg:$0x4];
	[sflag:s9] =	ssyncadd.s32 $0xFFFFCE00  }
0x3b: {  	[tilespmem:s3], [sflag:$0x9] =	stream.strided.gather [hbm4b:s8+s10], $0x6400, s12, s10, $0x38;
	[tilespmem:$0x19600] =	vst v63  }
0x3c: {  	_ =	swait.ge [sflag:s9], $0x6400  }
0x3d: {  	[sflag:s9] =	ssyncset.done $0x0  }
0x3e: {  	s14 =	simm.s32 $0x9600;
	[sflag:s9] =	ssyncadd.s32 $0xFFFF9C00  }
0x3f: {  	[tilespmem:s14], [sflag:$0x1] =	stream.indirect.gather [hbm4b:s4+s10], $0x40, s3, s10, $0xb8;
	[tilespmem:$0x19600] =	vst v63  }
0x40: {  	s15 =	simm.s32 $0x3280;
	s16 =	simm.s32 $0xB600  }
0x41: {  	[tilespmem:s16], [sflag:$0x2] =	stream.indirect.gather [hbm4b:s4+s10], $0x40, s15, s10, $0xb8;
	[tilespmem:$0x19600] =	vst v63  }
0x42: {  	s17 =	simm.s32 $0x3300;
	s18 =	simm.s32 $0xD600  }
0x43: {  	[tilespmem:s18], [sflag:$0x3] =	stream.indirect.gather [hbm4b:s4+s10], $0x40, s17, s10, $0xb8;
	[tilespmem:$0x19600] =	vst v63  }
0x44: {  	s31 =	simm.s32 $0x3380;
	s14 =	simm.s32 $0x0  }
0x45: {  	[tilespmem:s19], [sflag:$0x4] =	stream.indirect.gather [hbm4b:s4+s10], $0x40, s31, s10, $0xb8;
	[tilespmem:$0x19600] =	vst v63  }
.LBB2_2:
0x46: {  	_ =	swait.ge [sflag:s20], $0x2000  }
0x47: {  	p0 =	seq.s32 s14, $0x0;
	[sflag:s20] =	ssyncset.done $0x0  }
0x48: {  	s3 =	simm.s32 @!p0 $0x5;
	[sflag:s20] =	ssyncadd.s32 $0xFFFFE000  }
0x49: {  	_ =	swait.ge @!p0 [sflag:s3], $0x2000  }
0x4a: {  	s5 =	sshll.u32 s14, $0x8;
	[sflag:s3] =	ssyncset.done @!p0 $0x0;
	v26 =	vld [tilespmem:$0x1FE10]  }
0x4b: {  	s8 =	simm.s32 $0x1;
	v57 =	vld [tilespmem:$0x1FE00];
	[sflag:s3] =	ssyncadd.s32 @!p0 $0xFFFFE000;
	s3 =	sand.u32 $0x3FFFFF00, s5  }
0x4c: {  	v19 =	vmov v36;
	s6 =	simm.s32 $0x4;
	s16 =	simm.s32 $0x2;
	v5 =	vmov s8;
	v36 =	vld [tilespmem:s3+$0x0]  }
0x4d: {  	v3 =	vmov s6;
	v6 =	vmov s16;
	v5 =	vshrl.u32 v5, $0x3;
	v35 =	vld [tilespmem:s3+$0x10]  }
0x4e: {  	s17 =	simm.s32 $0x9700;
	v3 =	vshrl.u32 v3, $0x3;
	v6 =	vshrl.u32 v6, $0x3;
	v5 =	vshll.u32 v5, v1;
	v34 =	vld [tilespmem:s3+$0x20]  }
0x4f: {  	s16 =	simm.s32 $0x3;
	v3 =	vshll.u32 v3, v1;
	v6 =	vshll.u32 v6, v1;
	v5 =	vbroadcast v5, $0x0;
	v8 =	vld [tilespmem:s17+$0xFFFFFF40]  }
0x50: {  	v44 =	vbroadcast v3, $0x0;
	v3 =	vmov s16;
	v37 =	vbroadcast v6, $0x0;
	v9 =	vld [tilespmem:s17+$0xFFFFFF80]  }
0x51: {  	s5 =	simm.s32 $0x0;
	v3 =	vshrl.u32 v3, $0x3;
	v7 =	vld [tilespmem:s17+$0x0];
	v10 =	vor.u32 v62, v5;
	v11 =	vor.u32 v63, v5  }
0x52: {  	v0 =	vmov s5;
	v33 =	vld [tilespmem:s3+$0x30];
	v3 =	vshll.u32 v3, v1;
	v12 =	vor.u32 v20, v37;
	[tilespmem:$0x1FD90] =	vst v11  }
0x53: {  	s15 =	simm.s32 $0x5;
	v56 =	vbroadcast v3, $0x0;
	v0 =	vshrl.u32 v0, $0x3;
	v11 =	vld [tilespmem:s17+$0xFFFFFFC0];
	v6 =	vor.u32 v26, v44  }
0x54: {  	v4 =	vmov s15;
	v3 =	vld [tilespmem:s17+$0xFFFFFF00];
	v17 =	vshll.u32 v0, v1;
	v0 =	vadd.f32 v8, v36  }
0x55: {  	v4 =	vshrl.u32 v4, $0x3;
	v13 =	vld [tilespmem:s17+$0xC0];
	v15 =	vor.u32 v57, v56;
	v9 =	vadd.f32 v9, v36  }
0x56: {  	s12 =	simm.s32 $0x7;
	s18 =	simm.s32 $0x6;
	v4 =	vshll.u32 v4, v1;
	v16 =	vld [tilespmem:s17+$0x80];
	v7 =	vadd.f32 v7, v36;
	[tilespmem:v10+s21+$0x0] =	vst.idx.msk $0xffff, v0  }
0x57: {  	v2 =	vmov s12;
	v14 =	vmov s18;
	v55 =	vbroadcast v4, $0x0;
	[tilespmem:v12+s21+$0x0] =	vst.idx.msk $0xffff, v9;
	v4 =	vld [tilespmem:s17+$0xFFFFFF50]  }
0x58: {  	v2 =	vshrl.u32 v2, $0x3;
	v0 =	vor.u32 v25, v56;
	[tilespmem:v6+s21+$0x0] =	vst.idx.msk $0xffff, v7;
	v7 =	vadd.f32 v11, v36;
	v10 =	vld [tilespmem:s17+$0xFFFFFF90]  }
0x59: {  	v2 =	vshll.u32 v2, v1;
	v8 =	vshrl.u32 v14, $0x3;
	v14 =	vld [tilespmem:s17+$0x40]  }
0x5a: {  	v54 =	vbroadcast v17, $0x0;
	v17 =	vor.u32 v61, v37;
	v8 =	vshll.u32 v8, v1;
	v6 =	vld [tilespmem:s17+$0x10];
	[tilespmem:v15+s21+$0x0] =	vst.idx.msk $0xffff, v7  }
0x5b: {  	v50 =	vbroadcast v2, $0x0;
	v52 =	vbroadcast v8, $0x0;
	v8 =	vadd.f32 v13, v36;
	v13 =	vld [tilespmem:s17+$0xFFFFFFD0];
	[tilespmem:$0x1FDB0] =	vst v0;
	v0 =	vmovc v18  }
0x5c: {  	v46 =	vor.u32 v19, v54;
	v45 =	vor.u32 v0, v5;
	v0 =	vor.u32 v47, v55  }
0x5d: {  	v19 =	vld [tilespmem:$0x1FE50];
	v39 =	vadd.f32 v4, v35;
	v4 =	vadd.f32 v10, v35;
	[tilespmem:$0x1FDD0] =	vst v0;
	v0 =	vor.u32 v48, v50  }
0x5e: {  	v2 =	vmov v20;
	v7 =	vor.u32 v29, v52;
	v20 =	vld [tilespmem:$0x1FE20];
	[tilespmem:$0x1FDA0] =	vst v0  }
0x5f: {  	s16 =	simm.s32 $0x9900;
	v15 =	vor.u32 v38, v50;
	v18 =	vmov v38;
	v0 =	vor.u32 v51, v52;
	[tilespmem:v17+s21+$0x0] =	vst.idx.msk $0xffff, v4  }
0x60: {  	s1 =	simm.s32 $0x9;
	v38 =	vadd.f32 v6, v35;
	v6 =	vmovc v25;
	v25 =	vmov v48;
	v48 =	vld [tilespmem:s16+$0xFFFFFF40];
	[tilespmem:$0x1FDC0] =	vst v0;
	v0 =	vor.u32 v49, v54  }
0x61: {  	v21 =	vmovc v31;
	v59 =	vmov s1;
	v9 =	vor.u32 v32, v5;
	v42 =	vor.u32 v31, v52;
	[tilespmem:$0x1FDE0] =	vst v0  }
0x62: {  	v59 =	vshrl.u32 v59, $0x3;
	v31 =	vmovc v22;
	v22 =	vmovc v40;
	v10 =	vor.u32 v40, v50;
	v40 =	vor.u32 v19, v55;
	v49 =	vld [tilespmem:s17+$0xFFFFFFA0]  }
0x63: {  	v43 =	vor.u32 v24, v56;
	v24 =	vmovc v32;
	v16 =	vadd.f32 v16, v36;
	v11 =	vor.u32 v20, v44;
	v5 =	vld [tilespmem:s16+$0x80]  }
0x64: {  	s8 =	simm.s32 $0xA;
	v41 =	vor.u32 v27, v54;
	v3 =	vadd.f32 v3, v36;
	v12 =	vor.u32 v28, v55;
	v32 =	vmovc v47;
	v60 =	vld [tilespmem:s16+$0xFFFFFF80]  }
0x65: {  	s6 =	simm.s32 $0xC;
	v14 =	vadd.f32 v14, v36;
	v47 =	vor.u32 v31, v37;
	v0 =	vmovc v28;
	v28 =	vld [tilespmem:$0x1FE30];
	[tilespmem:v7+s21+$0x0] =	vst.idx.msk $0xffff, v16;
	v16 =	vmov s8  }
0x66: {  	v7 =	vmov s6;
	[tilespmem:v9+s21+$0x0] =	vst.idx.msk $0xffff, v39;
	v39 =	vshll.u32 v59, v1;
	v16 =	vshrl.u32 v16, $0x3;
	v59 =	vld [tilespmem:s17+$0x90]  }
0x67: {  	s0 =	simm.s32 $0xF;
	v4 =	vmov v29;
	v7 =	vshrl.u32 v7, $0x3;
	[tilespmem:v40+s21+$0x0] =	vst.idx.msk $0xffff, v14;
	v14 =	vshll.u32 v16, v1;
	v16 =	vld [tilespmem:s17+$0xFFFFFF60]  }
0x68: {  	v58 =	vmov s0;
	v29 =	vmovc v26;
	v26 =	vmovc v51;
	v51 =	vbroadcast v39, $0x0;
	[tilespmem:v11+s21+$0x0] =	vst.idx.msk $0xffff, v38;
	v7 =	vshll.u32 v7, v1;
	v11 =	vld [tilespmem:s17+$0x50]  }
0x69: {  	v13 =	vadd.f32 v13, v35;
	v39 =	vbroadcast v14, $0x0;
	v40 =	vbroadcast v7, $0x0;
	v7 =	vld [tilespmem:s16+$0xFFFFFF00]  }
0x6a: {  	s31 =	simm.s32 $0x8;
	[tilespmem:v41+s21+$0x0] =	vst.idx.msk $0xffff, v3;
	v14 =	vadd.f32 v49, v34;
	v49 =	vshrl.u32 v58, $0x3;
	v58 =	vor.u32 v62, v51;
	v62 =	vld [tilespmem:s16+$0x0]  }
0x6b: {  	v53 =	vmov s31;
	s18 =	simm.s32 $0xB;
	[tilespmem:v15+s21+$0x0] =	vst.idx.msk $0xffff, v8;
	v38 =	vor.u32 v63, v51;
	v3 =	vadd.f32 v60, v36;
	v60 =	vld [tilespmem:s17+$0xFFFFFF10]  }
0x6c: {  	v63 =	vmov s18;
	v8 =	vor.u32 v29, v40;
	[tilespmem:v47+s21+$0x0] =	vst.idx.msk $0xffff, v14;
	v14 =	vld [tilespmem:s16+$0x40];
	v15 =	vadd.f32 v59, v35  }
0x6d: {  	s31 =	simm.s32 $0xE;
	[tilespmem:v43+s21+$0x0] =	vst.idx.msk $0xffff, v13;
	v13 =	vshrl.u32 v53, $0x3;
	v43 =	vshrl.u32 v63, $0x3;
	v47 =	vshll.u32 v49, v1;
	v49 =	vld [tilespmem:s16+$0xC0]  }
0x6e: {  	v53 =	vor.u32 v2, v39;
	v16 =	vadd.f32 v16, v34;
	v2 =	vld [tilespmem:s17+$0xFFFFFFB0];
	[tilespmem:v42+s21+$0x0] =	vst.idx.msk $0xffff, v15;
	v15 =	vmov s31  }
0x6f: {  	v63 =	vadd.f32 v48, v36;
	v42 =	vld [tilespmem:s17+$0xD0];
	v59 =	vadd.f32 v62, v36;
	v15 =	vshrl.u32 v15, $0x3  }
0x70: {  	v48 =	vadd.f32 v7, v36;
	[tilespmem:v45+s21+$0x0] =	vst.idx.msk $0xffff, v16;
	v16 =	vld [tilespmem:s17+$0x20];
	v7 =	vshll.u32 v15, v1  }
0x71: {  	v62 =	vld [tilespmem:s16+$0xFFFFFFC0];
	v15 =	vshll.u32 v43, v1;
	[tilespmem:v8+s21+$0x0] =	vst.idx.msk $0xffff, v59;
	v8 =	vor.u32 v24, v51  }
0x72: {  	v41 =	vbroadcast v7, $0x0;
	v43 =	vbroadcast v15, $0x0;
	v7 =	vld [tilespmem:s17+$0xFFFFFF70];
	[tilespmem:$0x1FDF0] =	vst v8  }
0x73: {  	v17 =	vor.u32 v28, v44;
	v11 =	vadd.f32 v11, v35;
	[tilespmem:v53+s21+$0x0] =	vst.idx.msk $0xffff, v3  }
0x74: {  	v3 =	vadd.f32 v42, v35;
	[tilespmem:v58+s21+$0x0] =	vst.idx.msk $0xffff, v63;
	v8 =	vor.u32 v57, v43  }
0x75: {  	[tilespmem:v12+s21+$0x0] =	vst.idx.msk $0xffff, v11;
	v11 =	vadd.f32 v60, v35  }
0x76: {  	[tilespmem:v10+s21+$0x0] =	vst.idx.msk $0xffff, v3;
	v3 =	vadd.f32 v16, v34  }
0x77: {  	v12 =	vadd.f32 v62, v36;
	v24 =	vld [tilespmem:$0x1FE40];
	[tilespmem:v46+s21+$0x0] =	vst.idx.msk $0xffff, v11  }
0x78: {  	[tilespmem:v17+s21+$0x0] =	vst.idx.msk $0xffff, v3  }
0x79: {  	[tilespmem:v8+s21+$0x0] =	vst.idx.msk $0xffff, v12  }
0x7a: {  	v59 =	vor.u32 v4, v41;
	v4 =	vld [tilespmem:$0x1FE80];
	_ =	sdelay $0x4  }
0x7b: {  	v60 =	vor.u32 v4, v55;
	v4 =	vld [tilespmem:$0x1FD90];
	_ =	sdelay $0x5  }
0x7c: {  	v7 =	vadd.f32 v7, v33;
	_ =	sdelay $0x1  }
0x7d: {  	[tilespmem:v4+s21+$0x0] =	vst.idx.msk $0xffff, v7  }
0x7e: {  	s15 =	simm.s32 $0xD;
	v46 =	vor.u32 v6, v43;
	v6 =	vld [tilespmem:$0x1FDA0]  }
0x7f: {  	v9 =	vmov s15;
	v10 =	vld [tilespmem:s17+$0xE0]  }
0x80: {  	v9 =	vshrl.u32 v9, $0x3  }
0x81: {  	v9 =	vshll.u32 v9, v1  }
0x82: {  	v42 =	vbroadcast v9, $0x0;
	v9 =	vld [tilespmem:s17+$0xA0];
	_ =	sdelay $0x1  }
0x83: {  	v10 =	vadd.f32 v10, v34;
	_ =	sdelay $0x1  }
0x84: {  	[tilespmem:v6+s21+$0x0] =	vst.idx.msk $0xffff, v10  }
0x85: {  	v12 =	vadd.f32 v9, v34;
	v9 =	vld [tilespmem:$0x1FDB0]  }
0x86: {  	v16 =	vld [tilespmem:s17+$0xFFFFFFE0];
	_ =	sdelay $0x4  }
0x87: {  	v3 =	vor.u32 v61, v39;
	v61 =	vadd.f32 v2, v33;
	v2 =	vadd.f32 v16, v34;
	_ =	sdelay $0x1  }
0x88: {  	[tilespmem:v9+s21+$0x0] =	vst.idx.msk $0xffff, v2  }
0x89: {  	v2 =	vld [tilespmem:$0x1FE60];
	_ =	sdelay $0x4  }
0x8a: {  	v9 =	vor.u32 v2, v56;
	v2 =	vld [tilespmem:$0x1FFC0];
	_ =	sdelay $0x4  }
0x8b: {  	v63 =	vor.u32 v2, v43;
	v2 =	vld [tilespmem:$0x1FDC0];
	_ =	sdelay $0x3  }
0x8c: {  	v8 =	vadd.f32 v5, v36;
	v5 =	vld [tilespmem:s17+$0x30];
	_ =	sdelay $0x3  }
0x8d: {  	v11 =	vld [tilespmem:s17+$0x60];
	[tilespmem:v2+s21+$0x0] =	vst.idx.msk $0xffff, v12  }
0x8e: {  	v12 =	vadd.f32 v5, v33;
	v5 =	vld [tilespmem:$0x1FF00];
	_ =	sdelay $0x4  }
0x8f: {  	v10 =	vadd.f32 v11, v34;
	v11 =	vor.u32 v5, v50;
	v5 =	vld [tilespmem:$0x1FDD0];
	_ =	sdelay $0x2  }
0x90: {  	v17 =	vld [tilespmem:s16+$0xFFFFFF50]  }
0x91: {  	v45 =	vbroadcast v47, $0x0;
	v47 =	vor.u32 v0, v42;
	v0 =	vor.u32 v24, v44;
	_ =	sdelay $0x1  }
0x92: {  	v15 =	vld [tilespmem:s16+$0x10]  }
0x93: {  	v7 =	vld [tilespmem:s16+$0xFFFFFF90]  }
0x94: {  	v4 =	vadd.f32 v17, v35;
	v17 =	vld [tilespmem:s17+$0xFFFFFF20];
	[tilespmem:v5+s21+$0x0] =	vst.idx.msk $0xffff, v10  }
0x95: {  	v5 =	vld [tilespmem:$0x1FEC0];
	[tilespmem:v0+s21+$0x0] =	vst.idx.msk $0xffff, v12  }
0x96: {  	v57 =	vor.u32 v20, v40;
	v0 =	vld [tilespmem:$0x1FF60]  }
0x97: {  	v2 =	vld [tilespmem:s17+$0xF0]  }
0x98: {  	v13 =	vshll.u32 v13, v1  }
0x99: {  	v44 =	vbroadcast v13, $0x0;
	v13 =	vadd.f32 v15, v35  }
0x9a: {  	v62 =	vadd.f32 v14, v36;
	v14 =	vadd.f32 v7, v35;
	v10 =	vor.u32 v5, v52  }
0x9b: {  	v5 =	vor.u32 v30, v54;
	v54 =	vor.u32 v0, v44;
	v0 =	vld [tilespmem:$0x1FF90];
	[tilespmem:v57+s21+$0x0] =	vst.idx.msk $0xffff, v13  }
0x9c: {  	v7 =	vadd.f32 v17, v34;
	v17 =	vadd.f32 v2, v33;
	v2 =	vld [tilespmem:$0x1FDE0];
	_ =	sdelay $0x7  }
0x9d: {  	[tilespmem:v2+s21+$0x0] =	vst.idx.msk $0xffff, v7  }
0x9e: {  	v7 =	vld [tilespmem:$0x1FDF0]  }
0x9f: {  	v6 =	vld [tilespmem:s16+$0xFFFFFFD0];
	_ =	sdelay $0x2  }
0xa0: {  	v49 =	vadd.f32 v49, v36;
	v53 =	vor.u32 v18, v45  }
0xa1: {  	v58 =	vor.u32 v21, v41;
	v16 =	vor.u32 v19, v42;
	v55 =	vor.u32 v27, v44;
	v15 =	vld [tilespmem:s17+$0xFFFFFFF0]  }
0xa2: {  	v6 =	vadd.f32 v6, v35;
	v56 =	vor.u32 v22, v45;
	v50 =	vor.u32 v32, v42;
	v12 =	vld [tilespmem:s17+$0xB0]  }
0xa3: {  	v52 =	vor.u32 v25, v45;
	v0 =	vor.u32 v0, v51;
	v51 =	vor.u32 v26, v41;
	v2 =	vld [tilespmem:s17+$0x70]  }
0xa4: {  	s12 =	simm.s32 $0x9B00;
	s3 =	simm.s32 $0x10;
	s15 =	sshll.u32 s14, $0x2;
	v32 =	vmovc v20;
	v26 =	vmov v24;
	v13 =	vld [tilespmem:s17+$0xFFFFFF30];
	[tilespmem:v7+s21+$0x0] =	vst.idx.msk $0xffff, v4;
	v4 =	vor.u32 v31, v39;
	v31 =	vmov v19  }
.LBB2_3:
0xa5: {  	v21 =	vor.u32 v23, v37  }
0xa6: {  	[tilespmem:v59+s21+$0x0] =	vst.idx.msk $0xffff, v8  }
0xa7: {  	s18 =	smov.u32 s3;
	[tilespmem:v3+s21+$0x0] =	vst.idx.msk $0xffff, v14;
	v8 =	vld [tilespmem:s12+$0x80]  }
0xa8: {  	[tilespmem:v16+s21+$0x0] =	vst.idx.msk $0xffff, v62;
	s31 =	sadd.s32 $0x2, s18;
	v20 =	vld [tilespmem:s16+$0xFFFFFFA0]  }
0xa9: {  	[tilespmem:v11+s21+$0x0] =	vst.idx.msk $0xffff, v17;
	v17 =	vmov s31;
	v22 =	vld [tilespmem:s12+$0xFFFFFF80];
	v3 =	vadd.f32 v15, v33  }
0xaa: {  	v16 =	vshrl.u32 v17, $0x3;
	v12 =	vadd.f32 v12, v33;
	[tilespmem:v21+s21+$0x0] =	vst.idx.msk $0xffff, v61;
	v21 =	vld [tilespmem:$0x1FF70]  }
0xab: {  	[tilespmem:v9+s21+$0x0] =	vst.idx.msk $0xffff, v3;
	v9 =	vshll.u32 v16, v1;
	v16 =	vld [tilespmem:s16+$0x90]  }
0xac: {  	[tilespmem:v10+s21+$0x0] =	vst.idx.msk $0xffff, v12;
	v12 =	vld [tilespmem:s16+$0xFFFFFF60]  }
0xad: {  	s6 =	sadd.s32 $0x4, s18;
	v3 =	vadd.f32 v2, v33  }
0xae: {  	v7 =	vld [tilespmem:$0x1FF10];
	v37 =	vmov v39;
	v14 =	vmov s6;
	v39 =	vbroadcast v9, $0x0  }
0xaf: {  	v17 =	vld [tilespmem:s16+$0x50];
	v10 =	vshrl.u32 v14, $0x3;
	[tilespmem:v60+s21+$0x0] =	vst.idx.msk $0xffff, v3  }
0xb0: {  	v18 =	vld [tilespmem:s12+$0xFFFFFF40];
	v3 =	vshll.u32 v10, v1;
	v10 =	vadd.f32 v20, v34;
	v21 =	vor.u32 v21, v39  }
0xb1: {  	s17 =	sadd.s32 $0x7, s3;
	v25 =	vld [tilespmem:$0x1FED0];
	v59 =	vmov s18;
	s1 =	sadd.s32 $0x1, s18;
	v12 =	vadd.f32 v12, v34  }
0xb2: {  	v19 =	vmov s17;
	v11 =	vmov s1;
	v61 =	vld [tilespmem:s12+$0xC0];
	[tilespmem:v4+s21+$0x0] =	vst.idx.msk $0xffff, v10  }
0xb3: {  	v11 =	vshrl.u32 v11, $0x3;
	v13 =	vadd.f32 v13, v33;
	v20 =	vld [tilespmem:s12+$0x0];
	[tilespmem:v0+s21+$0x0] =	vst.idx.msk $0xffff, v12;
	v12 =	vadd.f32 v22, v36  }
0xb4: {  	s5 =	sadd.s32 $0x6, s18;
	v57 =	vor.u32 v7, v44;
	v7 =	vor.u32 v28, v40;
	v2 =	vshll.u32 v11, v1;
	v0 =	vld [tilespmem:s16+$0xFFFFFFB0]  }
0xb5: {  	v3 =	vbroadcast v3, $0x0;
	v4 =	vadd.f32 v18, v36;
	v18 =	vmov s5;
	[tilespmem:v21+s21+$0x0] =	vst.idx.msk $0xffff, v12;
	v21 =	vld [tilespmem:$0x1FE90]  }
0xb6: {  	s8 =	sadd.s32 $0x5, s18;
	s18 =	sadd.s32 $0x3, s18;
	v11 =	vshrl.u32 v19, $0x3;
	v14 =	vld [tilespmem:$0x1FF40];
	[tilespmem:v5+s21+$0x0] =	vst.idx.msk $0xffff, v13;
	v13 =	vshrl.u32 v59, $0x3;
	v18 =	vshrl.u32 v18, $0x3  }
0xb7: {  	v59 =	vmov s18;
	[tilespmem:v63+s21+$0x0] =	vst.idx.msk $0xffff, v6;
	v60 =	vld [tilespmem:s16+$0x20];
	v6 =	vor.u32 v29, v3;
	v18 =	vshll.u32 v18, v1  }
0xb8: {  	v2 =	vbroadcast v2, $0x0;
	v5 =	vld [tilespmem:s12+$0xFFFFFF00];
	v59 =	vshrl.u32 v59, $0x3;
	v18 =	vbroadcast v18, $0x0  }
0xb9: {  	v11 =	vshll.u32 v11, v1;
	v63 =	vshll.u32 v59, v1;
	v9 =	vld [tilespmem:s12+$0x40];
	v16 =	vadd.f32 v16, v35  }
0xba: {  	[tilespmem:v53+s21+$0x0] =	vst.idx.msk $0xffff, v49;
	v20 =	vadd.f32 v20, v36;
	v22 =	vld [tilespmem:s16+$0xFFFFFF70];
	v59 =	vor.u32 v21, v18;
	v21 =	vbroadcast v11, $0x0  }
0xbb: {  	v17 =	vadd.f32 v17, v35;
	v14 =	vor.u32 v14, v2;
	[tilespmem:v58+s21+$0x0] =	vst.idx.msk $0xffff, v16;
	v11 =	vld [tilespmem:$0x1FF30]  }
0xbc: {  	v15 =	vmov s8;
	v58 =	vadd.f32 v60, v34;
	[tilespmem:v6+s21+$0x0] =	vst.idx.msk $0xffff, v20;
	v53 =	vor.u32 v25, v21;
	v25 =	vld [tilespmem:$0x1FE80]  }
0xbd: {  	v15 =	vshrl.u32 v15, $0x3;
	[tilespmem:v47+s21+$0x0] =	vst.idx.msk $0xffff, v17;
	v12 =	vld [tilespmem:s12+$0x10]  }
0xbe: {  	v15 =	vshll.u32 v15, v1;
	[tilespmem:v7+s21+$0x0] =	vst.idx.msk $0xffff, v58;
	v7 =	vld [tilespmem:s16+$0x60]  }
0xbf: {  	[tilespmem:v55+s21+$0x0] =	vst.idx.msk $0xffff, v48;
	v6 =	vbroadcast v15, $0x0;
	v15 =	vld [tilespmem:s16+$0xA0]  }
0xc0: {  	v55 =	vld [tilespmem:s16+$0xFFFFFF10];
	[tilespmem:v14+s21+$0x0] =	vst.idx.msk $0xffff, v4  }
0xc1: {  	v10 =	vld [tilespmem:s12+$0xFFFFFFC0];
	v11 =	vor.u32 v11, v6;
	v60 =	vor.u32 v25, v42;
	v42 =	vmovc v6;
	v6 =	vadd.f32 v22, v33  }
0xc2: {  	v14 =	vld [tilespmem:s12+$0xFFFFFF50]  }
0xc3: {  	v49 =	vadd.f32 v61, v36;
	[tilespmem:v38+s21+$0x0] =	vst.idx.msk $0xffff, v6;
	v6 =	vadd.f32 v7, v34;
	v7 =	vld [tilespmem:$0x1FEA0]  }
0xc4: {  	v16 =	vld [tilespmem:s16+$0xD0];
	v61 =	vadd.f32 v0, v33;
	v0 =	vadd.f32 v15, v34  }
0xc5: {  	v24 =	vor.u32 v26, v40;
	v29 =	vor.u32 v32, v3;
	v40 =	vmov v3;
	v3 =	vld [tilespmem:$0x1FE00]  }
0xc6: {  	[tilespmem:v51+s21+$0x0] =	vst.idx.msk $0xffff, v0;
	v0 =	vld [tilespmem:$0x1FF00]  }
0xc7: {  	v5 =	vadd.f32 v5, v36;
	v47 =	vmov v11;
	v11 =	vld [tilespmem:s16+$0x30]  }
0xc8: {  	v58 =	vor.u32 v7, v18;
	v7 =	vld [tilespmem:$0x1FE60]  }
0xc9: {  	v48 =	vmov v5;
	v5 =	vbroadcast v63, $0x0;
	v16 =	vadd.f32 v16, v35  }
0xca: {  	v62 =	vadd.f32 v9, v36;
	v9 =	vadd.f32 v55, v35  }
0xcb: {  	v4 =	vadd.f32 v10, v36;
	v10 =	vld [tilespmem:s16+$0xFFFFFFE0];
	[tilespmem:v56+s21+$0x0] =	vst.idx.msk $0xffff, v16;
	v16 =	vor.u32 v3, v5  }
0xcc: {  	[tilespmem:v54+s21+$0x0] =	vst.idx.msk $0xffff, v9;
	v3 =	vld [tilespmem:$0x1FFD0]  }
0xcd: {  	v9 =	vor.u32 v7, v43;
	v7 =	vadd.f32 v11, v33;
	v11 =	vor.u32 v0, v45;
	v0 =	vld [tilespmem:$0x1FEE0];
	_ =	sdelay $0x2  }
0xce: {  	v10 =	vadd.f32 v10, v34;
	[tilespmem:v16+s21+$0x0] =	vst.idx.msk $0xffff, v4  }
0xcf: {  	v56 =	vor.u32 v3, v5;
	v16 =	vld [tilespmem:s12+$0xFFFFFFD0];
	v45 =	vmov v21  }
0xd0: {  	[tilespmem:v46+s21+$0x0] =	vst.idx.msk $0xffff, v10;
	v46 =	vmov v56;
	v56 =	vor.u32 v0, v45;
	v0 =	vld [tilespmem:$0x1FEC0];
	_ =	sdelay $0x3  }
0xd1: {  	v43 =	vmov v5;
	v5 =	vld [tilespmem:$0x1FFC0]  }
0xd2: {  	v10 =	vor.u32 v0, v41;
	v0 =	vld [tilespmem:$0x1FF60]  }
0xd3: {  	v13 =	vshll.u32 v13, v1  }
0xd4: {  	v19 =	vld [tilespmem:$0x1FFA0];
	v13 =	vbroadcast v13, $0x0  }
0xd5: {  	v20 =	vld [tilespmem:$0x1FF50]  }
0xd6: {  	v17 =	vld [tilespmem:s16+$0xE0];
	v63 =	vor.u32 v5, v43;
	v5 =	vor.u32 v30, v44;
	v44 =	vmov v13  }
0xd7: {  	v54 =	vor.u32 v0, v44;
	v0 =	vld [tilespmem:$0x1FF90]  }
0xd8: {  	v4 =	vld [tilespmem:s16+$0xFFFFFF20];
	_ =	sdelay $0x1  }
0xd9: {  	v55 =	vor.u32 v27, v13;
	v27 =	vld [tilespmem:$0x1FE70]  }
0xda: {  	v3 =	vld [tilespmem:$0x1FF80];
	v15 =	vadd.f32 v17, v34  }
0xdb: {  	v19 =	vor.u32 v19, v2;
	v20 =	vor.u32 v20, v2;
	v0 =	vor.u32 v0, v2;
	v2 =	vld [tilespmem:$0x1FF20]  }
0xdc: {  	v25 =	vadd.f32 v12, v35;
	v12 =	vld [tilespmem:s12+$0xFFFFFF90];
	[tilespmem:v52+s21+$0x0] =	vst.idx.msk $0xffff, v15;
	v4 =	vadd.f32 v4, v34  }
0xdd: {  	v17 =	vld [tilespmem:s16+$0xF0]  }
0xde: {  	[tilespmem:v57+s21+$0x0] =	vst.idx.msk $0xffff, v4;
	v4 =	vld [tilespmem:$0x1FFB0]  }
0xdf: {  	[tilespmem:v24+s21+$0x0] =	vst.idx.msk $0xffff, v7;
	v7 =	vld [tilespmem:$0x1FEB0]  }
0xe0: {  	p1 =	slt.u32 s3, $0x78;
	v22 =	vadd.f32 v14, v35;
	[tilespmem:v50+s21+$0x0] =	vst.idx.msk $0xffff, v6;
	v50 =	vor.u32 v2, v42;
	v2 =	vld [tilespmem:$0x1FEF0]  }
.Ltmp2:
0xe1: {  	v15 =	vld [tilespmem:s16+$0xFFFFFFF0];
	(pc) =	sbr.rel @p1 .LBB2_3-.Ltmp2, $4  }
0xe2: {  	[tilespmem:v20+s21+$0x0] =	vst.idx.msk $0xffff, v22;
	v14 =	vadd.f32 v12, v35;
	v12 =	vld [tilespmem:s16+$0xB0]  }
0xe3: {  	v8 =	vadd.f32 v8, v36;
	v3 =	vor.u32 v3, v39;
	[tilespmem:v29+s21+$0x0] =	vst.idx.msk $0xffff, v25;
	v29 =	vld [tilespmem:$0x1FE10]  }
0xe4: {  	v6 =	vadd.f32 v16, v35;
	v16 =	vor.u32 v31, v42;
	v17 =	vadd.f32 v17, v33;
	v13 =	vld [tilespmem:s16+$0xFFFFFF30];
	v41 =	vmovc v18  }
0xe5: {  	s3 =	sadd.s32 $0x8, s3;
	v38 =	vmovc v19;
	v4 =	vor.u32 v4, v39;
	v51 =	vor.u32 v7, v41;
	v52 =	vor.u32 v2, v45;
	v2 =	vld [tilespmem:s16+$0x70];
	s16 =	smov.u32 s12;
	s12 =	sadd.s32 $0x200, s12  }
0xe6: {  	_ =	sdelay $0x3  }
0xe7: {  	[tilespmem:v59+s21+$0x0] =	vst.idx.msk $0xffff, v8  }
0xe8: {  	[tilespmem:v3+s21+$0x0] =	vst.idx.msk $0xffff, v14  }
0xe9: {  	[tilespmem:v53+s21+$0x0] =	vst.idx.msk $0xffff, v49  }
0xea: {  	[tilespmem:v11+s21+$0x0] =	vst.idx.msk $0xffff, v17  }
0xeb: {  	v3 =	vadd.f32 v15, v33;
	v8 =	vor.u32 v23, v37;
	[tilespmem:v16+s21+$0x0] =	vst.idx.msk $0xffff, v62  }
0xec: {  	[tilespmem:v55+s21+$0x0] =	vst.idx.msk $0xffff, v48;
	v7 =	vld [tilespmem:s16+$0xD0]  }
0xed: {  	v11 =	vadd.f32 v12, v33;
	[tilespmem:v9+s21+$0x0] =	vst.idx.msk $0xffff, v3;
	v3 =	vld [tilespmem:s16+$0x90]  }
0xee: {  	[tilespmem:v63+s21+$0x0] =	vst.idx.msk $0xffff, v6;
	v9 =	vld [tilespmem:s16+$0x50]  }
0xef: {  	[tilespmem:v10+s21+$0x0] =	vst.idx.msk $0xffff, v11;
	v11 =	vadd.f32 v13, v33  }
0xf0: {  	v10 =	vld [tilespmem:s16+$0xFFFFFF60];
	v2 =	vadd.f32 v2, v33;
	[tilespmem:v8+s21+$0x0] =	vst.idx.msk $0xffff, v61  }
0xf1: {  	v8 =	vld [tilespmem:s16+$0x20];
	[tilespmem:v5+s21+$0x0] =	vst.idx.msk $0xffff, v11  }
0xf2: {  	[tilespmem:v60+s21+$0x0] =	vst.idx.msk $0xffff, v2;
	v2 =	vld [tilespmem:s16+$0xFFFFFF10];
	v7 =	vadd.f32 v7, v35  }
0xf3: {  	v3 =	vadd.f32 v3, v35;
	v6 =	vadd.f32 v9, v35;
	v9 =	vor.u32 v28, v40  }
0xf4: {  	[tilespmem:v56+s21+$0x0] =	vst.idx.msk $0xffff, v7  }
0xf5: {  	v5 =	vadd.f32 v10, v34;
	v7 =	vld [tilespmem:s16+$0xE0];
	[tilespmem:v58+s21+$0x0] =	vst.idx.msk $0xffff, v3  }
0xf6: {  	v3 =	vld [tilespmem:s16+$0xFFFFFFE0];
	[tilespmem:v47+s21+$0x0] =	vst.idx.msk $0xffff, v6;
	v8 =	vadd.f32 v8, v34  }
0xf7: {  	v12 =	vld [tilespmem:s16+$0xA0];
	[tilespmem:v0+s21+$0x0] =	vst.idx.msk $0xffff, v5;
	v2 =	vadd.f32 v2, v35  }
0xf8: {  	v6 =	vld [tilespmem:s16+$0x60];
	[tilespmem:v9+s21+$0x0] =	vst.idx.msk $0xffff, v8  }
0xf9: {  	v10 =	vld [tilespmem:s16+$0xFFFFFFA0];
	[tilespmem:v54+s21+$0x0] =	vst.idx.msk $0xffff, v2  }
0xfa: {  	v2 =	vadd.f32 v7, v34;
	v47 =	vld [tilespmem:$0x1FF10]  }
0xfb: {  	v3 =	vadd.f32 v3, v34  }
0xfc: {  	v5 =	vld [tilespmem:s16+$0xFFFFFF70];
	v9 =	vadd.f32 v12, v34;
	[tilespmem:v52+s21+$0x0] =	vst.idx.msk $0xffff, v2  }
0xfd: {  	v0 =	vld [tilespmem:s16+$0xFFFFFF20];
	v2 =	vadd.f32 v6, v34;
	[tilespmem:v46+s21+$0x0] =	vst.idx.msk $0xffff, v3  }
0xfe: {  	v8 =	vld [tilespmem:s16+$0x30];
	v6 =	vadd.f32 v10, v34;
	[tilespmem:v51+s21+$0x0] =	vst.idx.msk $0xffff, v9  }
0xff: {  	v9 =	vld [tilespmem:$0x1FF00];
	[tilespmem:v50+s21+$0x0] =	vst.idx.msk $0xffff, v2;
	v7 =	vor.u32 v47, v44  }
0x100: {  	v3 =	vld [tilespmem:s16+$0xF0];
	[tilespmem:v4+s21+$0x0] =	vst.idx.msk $0xffff, v6  }
0x101: {  	v4 =	vadd.f32 v5, v33;
	v5 =	vld [tilespmem:$0x1FE60]  }
0x102: {  	v0 =	vadd.f32 v0, v34;
	v13 =	vld [tilespmem:$0x1FEC0]  }
0x103: {  	v10 =	vor.u32 v26, v40;
	v11 =	vld [tilespmem:s16+$0xFFFFFFF0]  }
0x104: {  	v2 =	vld [tilespmem:s16+$0xB0];
	[tilespmem:v7+s21+$0x0] =	vst.idx.msk $0xffff, v0  }
0x105: {  	v9 =	vor.u32 v9, v45;
	v0 =	vld [tilespmem:$0x1FE80]  }
0x106: {  	v8 =	vadd.f32 v8, v33;
	v12 =	vld [tilespmem:s16+$0xFFFFFFB0];
	v5 =	vor.u32 v5, v43  }
0x107: {  	v13 =	vor.u32 v13, v41;
	[tilespmem:v38+s21+$0x0] =	vst.idx.msk $0xffff, v4;
	v4 =	vld [tilespmem:s16+$0xFFFFFF30]  }
0x108: {  	v6 =	vld [tilespmem:s16+$0x70];
	v3 =	vadd.f32 v3, v33;
	[tilespmem:v10+s21+$0x0] =	vst.idx.msk $0xffff, v8;
	v8 =	vor.u32 v23, v39  }
0x109: {  	v7 =	vadd.f32 v11, v33;
	v10 =	vor.u32 v30, v44  }
0x10a: {  	v2 =	vadd.f32 v2, v33;
	[tilespmem:v9+s21+$0x0] =	vst.idx.msk $0xffff, v3;
	v0 =	vor.u32 v0, v42  }
0x10b: {  	[tilespmem:v5+s21+$0x0] =	vst.idx.msk $0xffff, v7;
	v5 =	vadd.f32 v12, v33  }
0x10c: {  	s3 =	sshll.u32 s14, $0x14;
	[tilespmem:v13+s21+$0x0] =	vst.idx.msk $0xffff, v2;
	v2 =	vadd.f32 v4, v33  }
0x10d: {  	s3 =	sor.u32 s7, s3;
	v3 =	vadd.f32 v6, v33;
	[tilespmem:v8+s21+$0x0] =	vst.idx.msk $0xffff, v5  }
0x10e: {  	s3 =	sshrl.u32 s3, $0x3;
	[tilespmem:v10+s21+$0x0] =	vst.idx.msk $0xffff, v2  }
0x10f: {  	p1 =	seq.s32 s14, $0x31;
	s3 =	sadd.s32 s2, s3;
	[tilespmem:v0+s21+$0x0] =	vst.idx.msk $0xffff, v3  }
0x110: {  	[hbm4b:s3+s22] =	stream.strided.scatter [tilespmem:s21], [sflag:$0x5], $0x2000, s23, s22, $0x38;
	[tilespmem:$0x19600] =	vst v63  }
0x111: {  	s3 =	sshll.u32 @!p1 s14, $0x9  }
0x112: {  	s16 =	sand.u32 @!p1 $0x3FFFFE00, s3  }
0x113: {  	s5 =	simm.s32 @!p1 $0x80;
	s6 =	simm.s32 @!p1 $0x9600;
	s3 =	sadd.s32 @!p1 $0x3400, s16  }
0x114: {  	[tilespmem:s6], [sflag:$0x1] =	stream.indirect.gather @!p1 [hbm4b:s4+s5], $0x40, s3, s5, $0xb8;
	[tilespmem:$0x19600] =	vst v63  }
0x115: {  	_ =	swait.ge [sflag:s24], $0x2000  }
0x116: {  	[sflag:s24] =	ssyncset.done $0x0  }
0x117: {  	s3 =	simm.s32 @!p0 $0x6;
	[sflag:s24] =	ssyncadd.s32 $0xFFFFE000  }
0x118: {  	_ =	swait.ge @!p0 [sflag:s3], $0x2000  }
0x119: {  	v48 =	vld [tilespmem:$0x1FF40]  }
0x11a: {  	s17 =	sor.u32 $0x1, s15;
	v53 =	vld [tilespmem:$0x1FFA0]  }
0x11b: {  	s6 =	sshll.u32 s17, $0x6;
	[sflag:s3] =	ssyncset.done @!p0 $0x0;
	v49 =	vld [tilespmem:$0x1FF70]  }
0x11c: {  	s31 =	simm.s32 $0x1;
	v26 =	vld [tilespmem:$0x1FE00];
	[sflag:s3] =	ssyncadd.s32 @!p0 $0xFFFFE000;
	s3 =	sand.u32 $0x3FFFFFC0, s6  }
0x11d: {  	s18 =	simm.s32 $0x4;
	v5 =	vmov s31;
	v36 =	vld [tilespmem:s3+$0x0]  }
0x11e: {  	s12 =	simm.s32 $0x7;
	v5 =	vshrl.u32 v5, $0x3;
	v3 =	vmov s18;
	v35 =	vld [tilespmem:s3+$0x10]  }
0x11f: {  	v2 =	vmov s12;
	s12 =	simm.s32 $0x2;
	v5 =	vshll.u32 v5, v1;
	v3 =	vshrl.u32 v3, $0x3;
	v34 =	vld [tilespmem:s3+$0x20]  }
0x120: {  	v6 =	vmov s12;
	v5 =	vbroadcast v5, $0x0;
	v3 =	vshll.u32 v3, v1;
	v33 =	vld [tilespmem:s3+$0x30];
	s3 =	simm.s32 $0xB700  }
0x121: {  	s0 =	simm.s32 $0x3;
	v6 =	vshrl.u32 v6, $0x3;
	v44 =	vbroadcast v3, $0x0;
	v7 =	vld [tilespmem:s3+$0x0]  }
0x122: {  	v6 =	vshll.u32 v6, v1;
	v3 =	vmov s0;
	v8 =	vld [tilespmem:s3+$0xFFFFFF40];
	v11 =	vor.u32 v53, v5  }
0x123: {  	v37 =	vbroadcast v6, $0x0;
	v3 =	vshrl.u32 v3, $0x3;
	v6 =	vor.u32 v29, v44;
	v9 =	vld [tilespmem:s3+$0xFFFFFF80];
	[tilespmem:$0x1FD40] =	vst v11  }
0x124: {  	s8 =	simm.s32 $0x0;
	v3 =	vshll.u32 v3, v1;
	v10 =	vor.u32 v48, v5;
	v11 =	vld [tilespmem:s3+$0xFFFFFFC0]  }
0x125: {  	s1 =	simm.s32 $0x6;
	v0 =	vmov s8;
	v50 =	vbroadcast v3, $0x0;
	v12 =	vor.u32 v49, v37;
	v3 =	vld [tilespmem:s3+$0xFFFFFF00]  }
0x126: {  	v14 =	vmov s1;
	v0 =	vshrl.u32 v0, $0x3;
	v13 =	vld [tilespmem:s3+$0xC0];
	v7 =	vadd.f32 v7, v36  }
0x127: {  	v17 =	vshll.u32 v0, v1;
	v15 =	vor.u32 v26, v50;
	v16 =	vld [tilespmem:s3+$0x80];
	v0 =	vadd.f32 v8, v36  }
0x128: {  	v8 =	vshrl.u32 v14, $0x3;
	v14 =	vld [tilespmem:s3+$0x40];
	v9 =	vadd.f32 v9, v36;
	[tilespmem:v6+s25+$0x0] =	vst.idx.msk $0xffff, v7  }
0x129: {  	[tilespmem:v10+s25+$0x0] =	vst.idx.msk $0xffff, v0;
	v6 =	vld [tilespmem:s3+$0x10]  }
0x12a: {  	v2 =	vshrl.u32 v2, $0x3;
	[tilespmem:v12+s25+$0x0] =	vst.idx.msk $0xffff, v9;
	v7 =	vld [tilespmem:s3+$0xFFFFFF50];
	v0 =	vadd.f32 v11, v36  }
0x12b: {  	v2 =	vshll.u32 v2, v1;
	v12 =	vld [tilespmem:$0x1FF50]  }
0x12c: {  	v54 =	vbroadcast v2, $0x0;
	v2 =	vld [tilespmem:s3+$0xFFFFFF90];
	[tilespmem:v15+s25+$0x0] =	vst.idx.msk $0xffff, v0  }
0x12d: {  	v59 =	vld [tilespmem:$0x1FE90]  }
0x12e: {  	v25 =	vld [tilespmem:$0x1FF90]  }
0x12f: {  	v0 =	vld [tilespmem:$0x1FF30]  }
0x130: {  	v8 =	vshll.u32 v8, v1;
	v22 =	vld [tilespmem:$0x1FF80]  }
0x131: {  	v52 =	vbroadcast v8, $0x0;
	v8 =	vadd.f32 v13, v36;
	v13 =	vld [tilespmem:s3+$0xFFFFFFD0]  }
0x132: {  	s8 =	simm.s32 $0x5;
	v51 =	vld [tilespmem:$0x1FFD0]  }
0x133: {  	v4 =	vmov s8;
	v9 =	vor.u32 v12, v5;
	v25 =	vor.u32 v25, v5;
	v5 =	vld [tilespmem:$0x1FF20]  }
0x134: {  	v4 =	vshrl.u32 v4, $0x3;
	v60 =	vld [tilespmem:$0x1FED0]  }
0x135: {  	v4 =	vshll.u32 v4, v1;
	v57 =	vbroadcast v17, $0x0;
	v30 =	vld [tilespmem:$0x1FEA0];
	v17 =	vor.u32 v22, v37  }
0x136: {  	v4 =	vbroadcast v4, $0x0;
	v56 =	vld [tilespmem:$0x1FFC0]  }
0x137: {  	v63 =	vld [tilespmem:$0x1FEE0];
	v18 =	vor.u32 v51, v50  }
0x138: {  	v23 =	vld [tilespmem:$0x1FF60];
	v2 =	vadd.f32 v2, v35;
	[tilespmem:$0x1FD50] =	vst v18;
	v5 =	vor.u32 v5, v4  }
0x139: {  	v19 =	vadd.f32 v6, v35;
	v6 =	vmov v27;
	v18 =	vor.u32 v27, v57;
	v27 =	vld [tilespmem:$0x1FFB0];
	[tilespmem:$0x1FD70] =	vst v5  }
0x13a: {  	v5 =	vld [tilespmem:$0x1FEF0];
	[tilespmem:v17+s25+$0x0] =	vst.idx.msk $0xffff, v2  }
0x13b: {  	v2 =	vld [tilespmem:$0x1FEB0];
	_ =	sdelay $0x1  }
0x13c: {  	s12 =	simm.s32 $0x9  }
0x13d: {  	v58 =	vmov s12;
	s8 =	simm.s32 $0xF;
	v10 =	vor.u32 v59, v52  }
0x13e: {  	v39 =	vshrl.u32 v58, $0x3;
	v40 =	vmov s8;
	v24 =	vor.u32 v31, v4  }
0x13f: {  	s18 =	simm.s32 $0xB900;
	v3 =	vadd.f32 v3, v36;
	v11 =	vor.u32 v32, v44;
	v2 =	vor.u32 v2, v52  }
0x140: {  	v16 =	vadd.f32 v16, v36;
	v14 =	vadd.f32 v14, v36;
	v42 =	vld [tilespmem:s18+$0xFFFFFF40];
	[tilespmem:$0x1FD60] =	vst v2;
	v2 =	vor.u32 v47, v57  }
0x141: {  	s6 =	simm.s32 $0x8;
	v7 =	vadd.f32 v7, v35;
	v61 =	vor.u32 v0, v4;
	v21 =	vor.u32 v56, v50;
	[tilespmem:$0x1FD80] =	vst v2  }
0x142: {  	s0 =	simm.s32 $0xA;
	v43 =	vmov s6;
	v15 =	vor.u32 v60, v54;
	v20 =	vor.u32 v30, v52;
	v38 =	vld [tilespmem:s3+$0xFFFFFFA0];
	[tilespmem:v10+s25+$0x0] =	vst.idx.msk $0xffff, v16  }
0x143: {  	v55 =	vor.u32 v63, v54;
	v13 =	vadd.f32 v13, v35;
	v16 =	vmov s0;
	v45 =	vld [tilespmem:s18+$0xFFFFFF80];
	[tilespmem:v9+s25+$0x0] =	vst.idx.msk $0xffff, v7  }
0x144: {  	s31 =	simm.s32 $0xC;
	v62 =	vor.u32 v23, v57;
	[tilespmem:v24+s25+$0x0] =	vst.idx.msk $0xffff, v14;
	v9 =	vshrl.u32 v16, $0x3;
	v16 =	vshll.u32 v39, v1;
	v46 =	vld [tilespmem:s3+$0x90]  }
0x145: {  	v41 =	vor.u32 v27, v37;
	v10 =	vmov s31;
	[tilespmem:v11+s25+$0x0] =	vst.idx.msk $0xffff, v19;
	v14 =	vld [tilespmem:s3+$0xFFFFFF60];
	v24 =	vbroadcast v16, $0x0  }
0x146: {  	[tilespmem:v21+s25+$0x0] =	vst.idx.msk $0xffff, v13;
	v13 =	vshrl.u32 v43, $0x3;
	v10 =	vshrl.u32 v10, $0x3;
	v11 =	vld [tilespmem:s3+$0x50];
	v9 =	vshll.u32 v9, v1  }
0x147: {  	[tilespmem:v15+s25+$0x0] =	vst.idx.msk $0xffff, v8;
	v39 =	vbroadcast v9, $0x0;
	v9 =	vshll.u32 v10, v1;
	v19 =	vor.u32 v48, v24;
	v48 =	vld [tilespmem:s18+$0x0]  }
0x148: {  	[tilespmem:v18+s25+$0x0] =	vst.idx.msk $0xffff, v3;
	v16 =	vshrl.u32 v40, $0x3;
	v40 =	vbroadcast v9, $0x0;
	v9 =	vld [tilespmem:s18+$0xFFFFFF00];
	v10 =	vadd.f32 v38, v34  }
0x149: {  	s12 =	simm.s32 $0xB;
	v43 =	vld [tilespmem:s18+$0xC0];
	v38 =	vor.u32 v53, v24;
	v21 =	vor.u32 v49, v39;
	v15 =	vadd.f32 v46, v35  }
0x14a: {  	v58 =	vmov s12;
	s31 =	simm.s32 $0xE;
	v8 =	vor.u32 v29, v40;
	v14 =	vadd.f32 v14, v34;
	[tilespmem:v41+s25+$0x0] =	vst.idx.msk $0xffff, v10  }
0x14b: {  	v46 =	vadd.f32 v42, v36;
	v11 =	vadd.f32 v11, v35;
	[tilespmem:v20+s25+$0x0] =	vst.idx.msk $0xffff, v15;
	v15 =	vmov s31;
	v20 =	vld [tilespmem:s3+$0xD0]  }
0x14c: {  	v18 =	vld [tilespmem:s3+$0xFFFFFF10];
	v41 =	vshrl.u32 v58, $0x3;
	[tilespmem:v25+s25+$0x0] =	vst.idx.msk $0xffff, v14;
	v25 =	vadd.f32 v48, v36;
	v15 =	vshrl.u32 v15, $0x3  }
0x14d: {  	v14 =	vld [tilespmem:s3+$0x20];
	v48 =	vadd.f32 v9, v36;
	v9 =	vshll.u32 v15, v1;
	v15 =	vshll.u32 v41, v1  }
0x14e: {  	v53 =	vld [tilespmem:s18+$0xFFFFFFC0];
	v3 =	vadd.f32 v45, v36;
	v49 =	vadd.f32 v43, v36;
	[tilespmem:v61+s25+$0x0] =	vst.idx.msk $0xffff, v11;
	v43 =	vbroadcast v15, $0x0  }
0x14f: {  	v17 =	vor.u32 v28, v44;
	[tilespmem:v19+s25+$0x0] =	vst.idx.msk $0xffff, v46  }
0x150: {  	s1 =	simm.s32 $0xD;
	[tilespmem:v21+s25+$0x0] =	vst.idx.msk $0xffff, v3;
	v41 =	vbroadcast v9, $0x0;
	v3 =	vadd.f32 v20, v35;
	v9 =	vor.u32 v26, v43  }
0x151: {  	v7 =	vmov s1;
	[tilespmem:v8+s25+$0x0] =	vst.idx.msk $0xffff, v25;
	v25 =	vor.u32 v12, v24;
	v12 =	vadd.f32 v18, v35  }
0x152: {  	v7 =	vshrl.u32 v7, $0x3;
	[tilespmem:v55+s25+$0x0] =	vst.idx.msk $0xffff, v3;
	v3 =	vadd.f32 v14, v34  }
0x153: {  	v7 =	vshll.u32 v7, v1;
	v21 =	vmov v26;
	v14 =	vadd.f32 v53, v36;
	v26 =	vld [tilespmem:$0x1FE40];
	[tilespmem:v62+s25+$0x0] =	vst.idx.msk $0xffff, v12  }
0x154: {  	v42 =	vbroadcast v7, $0x0;
	[tilespmem:v17+s25+$0x0] =	vst.idx.msk $0xffff, v3  }
0x155: {  	[tilespmem:v9+s25+$0x0] =	vst.idx.msk $0xffff, v14  }
0x156: {  	v47 =	vor.u32 v0, v42;
	v0 =	vld [tilespmem:$0x1FE80];
	_ =	sdelay $0x1  }
0x157: {  	v16 =	vshll.u32 v16, v1  }
0x158: {  	v45 =	vbroadcast v16, $0x0  }
0x159: {  	v11 =	vld [tilespmem:s3+$0xE0]  }
0x15a: {  	v53 =	vor.u32 v60, v45;
	v60 =	vor.u32 v0, v4;
	v0 =	vld [tilespmem:$0x1FD40]  }
0x15b: {  	v8 =	vld [tilespmem:s3+$0xFFFFFF70]  }
0x15c: {  	v5 =	vor.u32 v5, v54;
	_ =	sdelay $0x2  }
0x15d: {  	v11 =	vadd.f32 v11, v34  }
0x15e: {  	v12 =	vadd.f32 v8, v33  }
0x15f: {  	[tilespmem:v5+s25+$0x0] =	vst.idx.msk $0xffff, v11  }
0x160: {  	[tilespmem:v0+s25+$0x0] =	vst.idx.msk $0xffff, v12  }
0x161: {  	v0 =	vld [tilespmem:$0x1FD50]  }
0x162: {  	v16 =	vld [tilespmem:s3+$0xFFFFFFE0];
	_ =	sdelay $0x2  }
0x163: {  	v2 =	vld [tilespmem:s18+$0x80]  }
0x164: {  	v13 =	vshll.u32 v13, v1  }
0x165: {  	v18 =	vor.u32 v26, v44;
	v44 =	vbroadcast v13, $0x0;
	v13 =	vadd.f32 v16, v34;
	_ =	sdelay $0x1  }
0x166: {  	[tilespmem:v0+s25+$0x0] =	vst.idx.msk $0xffff, v13  }
0x167: {  	v8 =	vadd.f32 v2, v36;
	v2 =	vld [tilespmem:$0x1FD60]  }
0x168: {  	v7 =	vld [tilespmem:s3+$0xA0];
	_ =	sdelay $0x4  }
0x169: {  	v7 =	vadd.f32 v7, v34;
	_ =	sdelay $0x1  }
0x16a: {  	v0 =	vld [tilespmem:$0x1FE60];
	[tilespmem:v2+s25+$0x0] =	vst.idx.msk $0xffff, v7  }
0x16b: {  	v2 =	vld [tilespmem:$0x1FF00];
	_ =	sdelay $0x3  }
0x16c: {  	v10 =	vld [tilespmem:s18+$0x40]  }
0x16d: {  	v11 =	vor.u32 v2, v54;
	v2 =	vld [tilespmem:$0x1FD70]  }
0x16e: {  	v9 =	vld [tilespmem:s3+$0x60];
	_ =	sdelay $0x4  }
0x16f: {  	v62 =	vadd.f32 v10, v36;
	v10 =	vld [tilespmem:s3+$0x30];
	v16 =	vadd.f32 v9, v34;
	_ =	sdelay $0x1  }
0x170: {  	[tilespmem:v2+s25+$0x0] =	vst.idx.msk $0xffff, v16  }
0x171: {  	v2 =	vld [tilespmem:$0x1FEC0];
	_ =	sdelay $0x1  }
0x172: {  	v15 =	vld [tilespmem:s18+$0x10];
	v13 =	vadd.f32 v10, v33;
	_ =	sdelay $0x1  }
0x173: {  	v19 =	vor.u32 v32, v40;
	v28 =	vld [tilespmem:$0x1FFF0];
	[tilespmem:v18+s25+$0x0] =	vst.idx.msk $0xffff, v13  }
0x174: {  	v10 =	vor.u32 v2, v52;
	v2 =	vld [tilespmem:$0x1FF90];
	_ =	sdelay $0x1  }
0x175: {  	v4 =	vadd.f32 v15, v35;
	_ =	sdelay $0x1  }
0x176: {  	v9 =	vor.u32 v0, v50;
	[tilespmem:v19+s25+$0x0] =	vst.idx.msk $0xffff, v4  }
0x177: {  	v0 =	vor.u32 v56, v43;
	v56 =	vor.u32 v63, v45;
	v63 =	vor.u32 v2, v24;
	v2 =	vld [tilespmem:$0x1FF20];
	_ =	sdelay $0x4  }
0x178: {  	v50 =	vor.u32 v2, v42;
	v2 =	vld [tilespmem:$0x1FEF0]  }
0x179: {  	v17 =	vld [tilespmem:s18+$0xFFFFFF50];
	_ =	sdelay $0x3  }
0x17a: {  	v52 =	vor.u32 v2, v45;
	v2 =	vld [tilespmem:$0x1FD80]  }
0x17b: {  	v20 =	vadd.f32 v17, v35;
	v17 =	vld [tilespmem:s3+$0xFFFFFF20];
	_ =	sdelay $0x3  }
0x17c: {  	v7 =	vld [tilespmem:s3+$0xF0]  }
0x17d: {  	v15 =	vld [tilespmem:s18+$0xFFFFFFD0];
	v13 =	vadd.f32 v17, v34  }
0x17e: {  	v12 =	vld [tilespmem:s18+$0xFFFFFF90];
	[tilespmem:v25+s25+$0x0] =	vst.idx.msk $0xffff, v20  }
0x17f: {  	v58 =	vld [tilespmem:s3+$0xFFFFFFB0];
	[tilespmem:v2+s25+$0x0] =	vst.idx.msk $0xffff, v13  }
0x180: {  	v4 =	vld [tilespmem:$0x1FFB0]  }
0x181: {  	v17 =	vadd.f32 v7, v33;
	v7 =	vld [tilespmem:$0x1FEB0]  }
0x182: {  	v27 =	vmov v6;
	v55 =	vor.u32 v6, v44;
	v6 =	vadd.f32 v15, v35;
	v15 =	vld [tilespmem:s3+$0xFFFFFFF0]  }
0x183: {  	v59 =	vor.u32 v59, v41;
	v14 =	vadd.f32 v12, v35;
	v12 =	vld [tilespmem:s3+$0xB0]  }
0x184: {  	v46 =	vor.u32 v51, v43;
	v61 =	vadd.f32 v58, v33;
	v58 =	vor.u32 v30, v41;
	v2 =	vld [tilespmem:s3+$0x70]  }
0x185: {  	v30 =	vmovc v29;
	v3 =	vor.u32 v22, v39;
	v54 =	vor.u32 v23, v44;
	v16 =	vor.u32 v31, v42;
	v13 =	vld [tilespmem:s3+$0xFFFFFF30]  }
0x186: {  	s12 =	simm.s32 $0x10;
	s5 =	simm.s32 $0xBB00;
	v29 =	vmovc v21;
	v5 =	vor.u32 v28, v57;
	v28 =	vld [tilespmem:$0x1FE30];
	v4 =	vor.u32 v4, v39;
	v51 =	vor.u32 v7, v41  }
.LBB2_5:
0x187: {  	_ =	sdelay $0x3  }
0x188: {  	v18 =	vld [tilespmem:s5+$0xFFFFFF40];
	[tilespmem:v16+s25+$0x0] =	vst.idx.msk $0xffff, v62  }
0x189: {  	v7 =	vld [tilespmem:$0x1FF10];
	s8 =	smov.u32 s12;
	[tilespmem:v59+s25+$0x0] =	vst.idx.msk $0xffff, v8  }
0x18a: {  	[tilespmem:v3+s25+$0x0] =	vst.idx.msk $0xffff, v14;
	s0 =	sadd.s32 $0x2, s8;
	v59 =	vld [tilespmem:s5+$0x0];
	v3 =	vadd.f32 v15, v33  }
0x18b: {  	s31 =	sadd.s32 $0x4, s8;
	[tilespmem:v11+s25+$0x0] =	vst.idx.msk $0xffff, v17;
	v8 =	vld [tilespmem:s5+$0x80];
	v17 =	vmov s0;
	v12 =	vadd.f32 v12, v33  }
0x18c: {  	v14 =	vmov s31;
	v24 =	vld [tilespmem:s5+$0xC0];
	v16 =	vshrl.u32 v17, $0x3;
	[tilespmem:v9+s25+$0x0] =	vst.idx.msk $0xffff, v3;
	v3 =	vadd.f32 v2, v33  }
0x18d: {  	v9 =	vshll.u32 v16, v1;
	v16 =	vld [tilespmem:s18+$0x90];
	[tilespmem:v10+s25+$0x0] =	vst.idx.msk $0xffff, v12;
	v10 =	vshrl.u32 v14, $0x3  }
0x18e: {  	v17 =	vld [tilespmem:s18+$0x50];
	[tilespmem:v60+s25+$0x0] =	vst.idx.msk $0xffff, v3;
	v3 =	vshll.u32 v10, v1  }
0x18f: {  	s6 =	sadd.s32 $0x7, s12;
	v21 =	vld [tilespmem:s18+$0xFFFFFFA0];
	v3 =	vbroadcast v3, $0x0  }
0x190: {  	v20 =	vmov s6;
	s6 =	sadd.s32 $0x1, s8;
	v12 =	vld [tilespmem:s18+$0xFFFFFF60]  }
0x191: {  	v22 =	vld [tilespmem:$0x1FFE0];
	v19 =	vmov s8;
	s1 =	sadd.s32 $0x5, s8;
	v11 =	vmov s6;
	[tilespmem:v0+s25+$0x0] =	vst.idx.msk $0xffff, v6;
	v0 =	vor.u32 v30, v3  }
0x192: {  	v62 =	vld [tilespmem:$0x1FFA0];
	v11 =	vshrl.u32 v11, $0x3;
	v15 =	vmov s1;
	v13 =	vadd.f32 v13, v33  }
0x193: {  	[tilespmem:v53+s25+$0x0] =	vst.idx.msk $0xffff, v49;
	v15 =	vshrl.u32 v15, $0x3;
	v2 =	vshll.u32 v11, v1;
	v49 =	vadd.f32 v24, v36;
	v24 =	vld [tilespmem:$0x1FF30]  }
0x194: {  	v11 =	vshrl.u32 v20, $0x3;
	v14 =	vld [tilespmem:$0x1FF40];
	v10 =	vadd.f32 v21, v34;
	v21 =	vadd.f32 v59, v36  }
0x195: {  	[tilespmem:v5+s25+$0x0] =	vst.idx.msk $0xffff, v13;
	v13 =	vshrl.u32 v19, $0x3;
	v19 =	vld [tilespmem:$0x1FF70];
	v15 =	vshll.u32 v15, v1;
	v12 =	vadd.f32 v12, v34  }
0x196: {  	v22 =	vor.u32 v22, v37;
	v6 =	vshll.u32 v11, v1;
	v11 =	vld [tilespmem:s18+$0x20];
	[tilespmem:v0+s25+$0x0] =	vst.idx.msk $0xffff, v21;
	v0 =	vbroadcast v15, $0x0  }
0x197: {  	v37 =	vmovc v39;
	v2 =	vbroadcast v2, $0x0;
	v39 =	vbroadcast v9, $0x0;
	v17 =	vadd.f32 v17, v35;
	v9 =	vld [tilespmem:s5+$0x40];
	[tilespmem:v63+s25+$0x0] =	vst.idx.msk $0xffff, v12  }
0x198: {  	v25 =	vld [tilespmem:s18+$0xFFFFFF70];
	v24 =	vor.u32 v24, v0  }
0x199: {  	[tilespmem:v47+s25+$0x0] =	vst.idx.msk $0xffff, v17;
	v14 =	vor.u32 v14, v2;
	v47 =	vmov v24;
	v24 =	vld [tilespmem:$0x1FE80]  }
0x19a: {  	v5 =	vld [tilespmem:s5+$0xFFFFFF00];
	[tilespmem:v55+s25+$0x0] =	vst.idx.msk $0xffff, v48  }
0x19b: {  	s3 =	sadd.s32 $0x6, s8;
	s8 =	sadd.s32 $0x3, s8;
	v23 =	vld [tilespmem:s5+$0xFFFFFF80];
	[tilespmem:v22+s25+$0x0] =	vst.idx.msk $0xffff, v61  }
0x19c: {  	v60 =	vmov s8;
	v55 =	vld [tilespmem:s18+$0xFFFFFF10];
	[tilespmem:v4+s25+$0x0] =	vst.idx.msk $0xffff, v10;
	v4 =	vadd.f32 v18, v36  }
0x19d: {  	v20 =	vor.u32 v62, v2;
	v62 =	vld [tilespmem:$0x1FE90];
	v22 =	vshrl.u32 v60, $0x3  }
0x19e: {  	v61 =	vld [tilespmem:$0x1FF50];
	[tilespmem:v14+s25+$0x0] =	vst.idx.msk $0xffff, v4;
	v60 =	vor.u32 v24, v42;
	v42 =	vmov v0;
	v0 =	vadd.f32 v25, v33  }
0x19f: {  	v19 =	vor.u32 v19, v39;
	v16 =	vadd.f32 v16, v35;
	v14 =	vld [tilespmem:s5+$0xFFFFFF50]  }
0x1a0: {  	v57 =	vor.u32 v7, v44;
	v18 =	vmov s3;
	[tilespmem:v38+s25+$0x0] =	vst.idx.msk $0xffff, v0;
	v0 =	vld [tilespmem:$0x1FEA0]  }
0x1a1: {  	v7 =	vor.u32 v28, v40;
	v18 =	vshrl.u32 v18, $0x3;
	v5 =	vadd.f32 v5, v36;
	[tilespmem:v58+s25+$0x0] =	vst.idx.msk $0xffff, v16;
	v16 =	vld [tilespmem:s18+$0xD0]  }
0x1a2: {  	v23 =	vadd.f32 v23, v36;
	v10 =	vld [tilespmem:s5+$0xFFFFFFC0];
	v22 =	vshll.u32 v22, v1;
	v18 =	vshll.u32 v18, v1  }
0x1a3: {  	v12 =	vld [tilespmem:s18+$0xFFFFFFB0];
	v18 =	vbroadcast v18, $0x0;
	v48 =	vmov v5;
	v5 =	vbroadcast v22, $0x0  }
0x1a4: {  	v22 =	vor.u32 v26, v40;
	v40 =	vmov v3;
	[tilespmem:v19+s25+$0x0] =	vst.idx.msk $0xffff, v23;
	v23 =	vor.u32 v32, v3;
	v3 =	vld [tilespmem:$0x1FFD0]  }
0x1a5: {  	v11 =	vadd.f32 v11, v34;
	v58 =	vor.u32 v0, v18;
	v0 =	vld [tilespmem:$0x1FE60]  }
0x1a6: {  	v15 =	vld [tilespmem:s18+$0xA0];
	v59 =	vor.u32 v62, v18;
	v16 =	vadd.f32 v16, v35  }
0x1a7: {  	v62 =	vadd.f32 v9, v36;
	v9 =	vadd.f32 v55, v35;
	v19 =	vld [tilespmem:s5+$0x10];
	[tilespmem:v7+s25+$0x0] =	vst.idx.msk $0xffff, v11  }
0x1a8: {  	v11 =	vld [tilespmem:s18+$0x30];
	[tilespmem:v56+s25+$0x0] =	vst.idx.msk $0xffff, v16  }
0x1a9: {  	[tilespmem:v54+s25+$0x0] =	vst.idx.msk $0xffff, v9;
	v17 =	vld [tilespmem:s18+$0xE0]  }
0x1aa: {  	v16 =	vor.u32 v29, v5;
	v56 =	vor.u32 v3, v5;
	v9 =	vor.u32 v0, v43;
	v43 =	vmovc v5;
	v5 =	vld [tilespmem:$0x1FF00];
	_ =	sdelay $0x2  }
0x1ab: {  	v4 =	vadd.f32 v10, v36;
	v10 =	vld [tilespmem:s18+$0xFFFFFFE0]  }
0x1ac: {  	v21 =	vor.u32 v61, v2;
	v61 =	vadd.f32 v12, v33;
	v12 =	vadd.f32 v15, v34  }
0x1ad: {  	v15 =	vadd.f32 v17, v34;
	v17 =	vadd.f32 v11, v33;
	v11 =	vor.u32 v5, v45;
	v5 =	vld [tilespmem:$0x1FEE0];
	_ =	sdelay $0x1  }
0x1ae: {  	v6 =	vbroadcast v6, $0x0  }
0x1af: {  	v7 =	vld [tilespmem:s18+$0x60];
	v10 =	vadd.f32 v10, v34;
	[tilespmem:v16+s25+$0x0] =	vst.idx.msk $0xffff, v4  }
0x1b0: {  	v16 =	vld [tilespmem:s5+$0xFFFFFFD0];
	v45 =	vmov v6  }
0x1b1: {  	[tilespmem:v46+s25+$0x0] =	vst.idx.msk $0xffff, v10;
	v46 =	vmov v56;
	v56 =	vor.u32 v5, v45;
	v5 =	vld [tilespmem:$0x1FEC0];
	_ =	sdelay $0x3  }
0x1b2: {  	v7 =	vadd.f32 v7, v34  }
0x1b3: {  	v10 =	vor.u32 v5, v41;
	v5 =	vld [tilespmem:$0x1FFF0]  }
0x1b4: {  	[tilespmem:v50+s25+$0x0] =	vst.idx.msk $0xffff, v7;
	v7 =	vld [tilespmem:$0x1FF60]  }
0x1b5: {  	v13 =	vshll.u32 v13, v1  }
0x1b6: {  	v13 =	vbroadcast v13, $0x0  }
0x1b7: {  	v63 =	vld [tilespmem:$0x1FED0]  }
0x1b8: {  	v4 =	vld [tilespmem:s18+$0xFFFFFF20];
	v5 =	vor.u32 v5, v44;
	v44 =	vmov v13  }
0x1b9: {  	v54 =	vor.u32 v7, v44;
	v7 =	vld [tilespmem:$0x1FF90];
	_ =	sdelay $0x2  }
0x1ba: {  	v3 =	vld [tilespmem:$0x1FF80]  }
0x1bb: {  	v53 =	vor.u32 v63, v6;
	v24 =	vld [tilespmem:s5+$0xFFFFFF90]  }
0x1bc: {  	[tilespmem:v52+s25+$0x0] =	vst.idx.msk $0xffff, v15;
	v4 =	vadd.f32 v4, v34;
	v63 =	vor.u32 v7, v2;
	v2 =	vld [tilespmem:$0x1FF20]  }
0x1bd: {  	v38 =	vmov v20;
	v20 =	vld [tilespmem:s18+$0xF0]  }
0x1be: {  	[tilespmem:v57+s25+$0x0] =	vst.idx.msk $0xffff, v4;
	v4 =	vld [tilespmem:$0x1FFB0]  }
0x1bf: {  	v0 =	vld [tilespmem:$0x1FFC0]  }
0x1c0: {  	v25 =	vadd.f32 v14, v35;
	v7 =	vld [tilespmem:$0x1FEB0]  }
0x1c1: {  	p2 =	slt.u32 s12, $0x78;
	[tilespmem:v51+s25+$0x0] =	vst.idx.msk $0xffff, v12;
	v50 =	vor.u32 v2, v42;
	v2 =	vld [tilespmem:$0x1FEF0]  }
.Ltmp3:
0x1c2: {  	v8 =	vadd.f32 v8, v36;
	v19 =	vadd.f32 v19, v35;
	[tilespmem:v21+s25+$0x0] =	vst.idx.msk $0xffff, v25;
	(pc) =	sbr.rel @p2 .LBB2_5-.Ltmp3, $4  }
0x1c3: {  	v55 =	vor.u32 v27, v13;
	v12 =	vld [tilespmem:s18+$0xB0];
	v3 =	vor.u32 v3, v39;
	[tilespmem:v22+s25+$0x0] =	vst.idx.msk $0xffff, v17  }
0x1c4: {  	v15 =	vld [tilespmem:s18+$0xFFFFFFF0];
	v14 =	vadd.f32 v24, v35;
	[tilespmem:v23+s25+$0x0] =	vst.idx.msk $0xffff, v19;
	v17 =	vadd.f32 v20, v33  }
0x1c5: {  	v4 =	vor.u32 v4, v39;
	v0 =	vor.u32 v0, v43;
	v6 =	vadd.f32 v16, v35;
	v41 =	vmovc v18;
	v13 =	vld [tilespmem:s18+$0xFFFFFF30]  }
0x1c6: {  	s12 =	sadd.s32 $0x8, s12;
	v16 =	vor.u32 v31, v42;
	v51 =	vor.u32 v7, v41;
	v52 =	vor.u32 v2, v45;
	v2 =	vld [tilespmem:s18+$0x70];
	s18 =	smov.u32 s5;
	s5 =	sadd.s32 $0x200, s5  }
0x1c7: {  	_ =	sdelay $0x3  }
0x1c8: {  	[tilespmem:v59+s25+$0x0] =	vst.idx.msk $0xffff, v8  }
0x1c9: {  	[tilespmem:v3+s25+$0x0] =	vst.idx.msk $0xffff, v14  }
0x1ca: {  	[tilespmem:v53+s25+$0x0] =	vst.idx.msk $0xffff, v49  }
0x1cb: {  	[tilespmem:v11+s25+$0x0] =	vst.idx.msk $0xffff, v17  }
0x1cc: {  	v14 =	vld [tilespmem:$0x1FFE0];
	_ =	sdelay $0x2  }
0x1cd: {  	v3 =	vadd.f32 v15, v33  }
0x1ce: {  	v7 =	vld [tilespmem:s18+$0xD0];
	[tilespmem:v16+s25+$0x0] =	vst.idx.msk $0xffff, v62  }
0x1cf: {  	[tilespmem:v9+s25+$0x0] =	vst.idx.msk $0xffff, v3;
	v3 =	vld [tilespmem:s18+$0x90];
	v8 =	vor.u32 v14, v37  }
0x1d0: {  	[tilespmem:v55+s25+$0x0] =	vst.idx.msk $0xffff, v48;
	v9 =	vld [tilespmem:s18+$0x50];
	v2 =	vadd.f32 v2, v33  }
0x1d1: {  	v11 =	vadd.f32 v12, v33;
	[tilespmem:v0+s25+$0x0] =	vst.idx.msk $0xffff, v6  }
0x1d2: {  	[tilespmem:v60+s25+$0x0] =	vst.idx.msk $0xffff, v2;
	v2 =	vld [tilespmem:s18+$0xFFFFFF10]  }
0x1d3: {  	[tilespmem:v10+s25+$0x0] =	vst.idx.msk $0xffff, v11;
	v10 =	vld [tilespmem:s18+$0xFFFFFF60];
	v7 =	vadd.f32 v7, v35  }
0x1d4: {  	v3 =	vadd.f32 v3, v35;
	[tilespmem:v8+s25+$0x0] =	vst.idx.msk $0xffff, v61;
	v8 =	vld [tilespmem:s18+$0x20]  }
0x1d5: {  	[tilespmem:v56+s25+$0x0] =	vst.idx.msk $0xffff, v7;
	v0 =	vadd.f32 v9, v35  }
0x1d6: {  	v7 =	vor.u32 v28, v40;
	v9 =	vadd.f32 v13, v33;
	[tilespmem:v58+s25+$0x0] =	vst.idx.msk $0xffff, v3  }
0x1d7: {  	[tilespmem:v47+s25+$0x0] =	vst.idx.msk $0xffff, v0;
	v0 =	vadd.f32 v2, v35  }
0x1d8: {  	v6 =	vld [tilespmem:s18+$0xE0];
	[tilespmem:v5+s25+$0x0] =	vst.idx.msk $0xffff, v9;
	v2 =	vadd.f32 v10, v34  }
0x1d9: {  	v3 =	vld [tilespmem:s18+$0xFFFFFFE0];
	[tilespmem:v54+s25+$0x0] =	vst.idx.msk $0xffff, v0;
	v8 =	vadd.f32 v8, v34  }
0x1da: {  	v11 =	vld [tilespmem:s18+$0xA0];
	[tilespmem:v63+s25+$0x0] =	vst.idx.msk $0xffff, v2  }
0x1db: {  	v5 =	vld [tilespmem:s18+$0x60];
	[tilespmem:v7+s25+$0x0] =	vst.idx.msk $0xffff, v8  }
0x1dc: {  	v47 =	vld [tilespmem:$0x1FF10]  }
0x1dd: {  	v9 =	vld [tilespmem:s18+$0xFFFFFFA0]  }
0x1de: {  	v2 =	vadd.f32 v6, v34  }
0x1df: {  	v0 =	vld [tilespmem:s18+$0xFFFFFF20];
	v3 =	vadd.f32 v3, v34  }
0x1e0: {  	v6 =	vld [tilespmem:s18+$0xFFFFFF70];
	v10 =	vadd.f32 v11, v34;
	[tilespmem:v52+s25+$0x0] =	vst.idx.msk $0xffff, v2  }
0x1e1: {  	v8 =	vld [tilespmem:s18+$0x30];
	v2 =	vadd.f32 v5, v34;
	[tilespmem:v46+s25+$0x0] =	vst.idx.msk $0xffff, v3;
	v7 =	vor.u32 v47, v44  }
0x1e2: {  	v5 =	vadd.f32 v9, v34;
	[tilespmem:v51+s25+$0x0] =	vst.idx.msk $0xffff, v10;
	v3 =	vld [tilespmem:s18+$0xF0]  }
0x1e3: {  	v9 =	vor.u32 v26, v40;
	v10 =	vld [tilespmem:$0x1FF00];
	[tilespmem:v50+s25+$0x0] =	vst.idx.msk $0xffff, v2  }
0x1e4: {  	v0 =	vadd.f32 v0, v34;
	v11 =	vld [tilespmem:s18+$0xFFFFFFF0];
	[tilespmem:v4+s25+$0x0] =	vst.idx.msk $0xffff, v5  }
0x1e5: {  	v4 =	vadd.f32 v6, v33;
	v5 =	vld [tilespmem:$0x1FE60]  }
0x1e6: {  	v13 =	vld [tilespmem:$0x1FEC0];
	v8 =	vadd.f32 v8, v33;
	[tilespmem:v7+s25+$0x0] =	vst.idx.msk $0xffff, v0  }
0x1e7: {  	v0 =	vld [tilespmem:$0x1FE80];
	[tilespmem:v38+s25+$0x0] =	vst.idx.msk $0xffff, v4  }
0x1e8: {  	v2 =	vld [tilespmem:s18+$0xB0];
	[tilespmem:v9+s25+$0x0] =	vst.idx.msk $0xffff, v8  }
0x1e9: {  	v10 =	vor.u32 v10, v45;
	v9 =	vld [tilespmem:$0x1FFF0]  }
0x1ea: {  	v12 =	vld [tilespmem:s18+$0xFFFFFFB0];
	v5 =	vor.u32 v5, v43  }
0x1eb: {  	v6 =	vld [tilespmem:s18+$0x70];
	v13 =	vor.u32 v13, v41  }
0x1ec: {  	v3 =	vadd.f32 v3, v33;
	v4 =	vld [tilespmem:s18+$0xFFFFFF30];
	v8 =	vor.u32 v14, v39  }
0x1ed: {  	v7 =	vadd.f32 v11, v33;
	v0 =	vor.u32 v0, v42  }
0x1ee: {  	v2 =	vadd.f32 v2, v33;
	[tilespmem:v10+s25+$0x0] =	vst.idx.msk $0xffff, v3;
	v9 =	vor.u32 v9, v44  }
0x1ef: {  	[tilespmem:v5+s25+$0x0] =	vst.idx.msk $0xffff, v7;
	v5 =	vadd.f32 v12, v33  }
0x1f0: {  	s0 =	sshll.u32 s17, $0x12;
	v3 =	vadd.f32 v6, v33;
	[tilespmem:v13+s25+$0x0] =	vst.idx.msk $0xffff, v2  }
0x1f1: {  	s0 =	sor.u32 s7, s0;
	v2 =	vadd.f32 v4, v33;
	[tilespmem:v8+s25+$0x0] =	vst.idx.msk $0xffff, v5  }
0x1f2: {  	s0 =	sshrl.u32 s0, $0x3;
	[tilespmem:v0+s25+$0x0] =	vst.idx.msk $0xffff, v3  }
0x1f3: {  	s0 =	sadd.s32 s2, s0;
	[tilespmem:v9+s25+$0x0] =	vst.idx.msk $0xffff, v2  }
0x1f4: {  	[hbm4b:s0+s22] =	stream.strided.scatter [tilespmem:s25], [sflag:$0x6], $0x2000, s23, s22, $0x38;
	[tilespmem:$0x19600] =	vst v63  }
0x1f5: {  	s1 =	simm.s32 @!p1 $0x80;
	s3 =	simm.s32 @!p1 $0xB600;
	s0 =	sadd.s32 @!p1 $0x3480, s16  }
0x1f6: {  	[tilespmem:s3], [sflag:$0x2] =	stream.indirect.gather @!p1 [hbm4b:s4+s1], $0x40, s0, s1, $0xb8;
	[tilespmem:$0x19600] =	vst v63  }
0x1f7: {  	_ =	swait.ge [sflag:s26], $0x2000  }
0x1f8: {  	[sflag:s26] =	ssyncset.done $0x0  }
0x1f9: {  	s0 =	simm.s32 @!p0 $0x7;
	[sflag:s26] =	ssyncadd.s32 $0xFFFFE000  }
0x1fa: {  	_ =	swait.ge @!p0 [sflag:s0], $0x2000  }
0x1fb: {  	s17 =	sor.u32 $0x2, s15;
	v48 =	vld [tilespmem:$0x1FF40]  }
0x1fc: {  	s6 =	sshll.u32 s17, $0x6;
	[sflag:s0] =	ssyncset.done @!p0 $0x0;
	v53 =	vld [tilespmem:$0x1FFA0]  }
0x1fd: {  	s31 =	simm.s32 $0x1;
	v49 =	vld [tilespmem:$0x1FF70];
	[sflag:s0] =	ssyncadd.s32 @!p0 $0xFFFFE000;
	s0 =	sand.u32 $0x3FFFFFC0, s6  }
0x1fe: {  	s18 =	simm.s32 $0x4;
	v5 =	vmov s31;
	v36 =	vld [tilespmem:s0+$0x0]  }
0x1ff: {  	v5 =	vshrl.u32 v5, $0x3;
	v3 =	vmov s18;
	v35 =	vld [tilespmem:s0+$0x10]  }
0x200: {  	v5 =	vshll.u32 v5, v1;
	v3 =	vshrl.u32 v3, $0x3;
	s6 =	simm.s32 $0x2;
	v34 =	vld [tilespmem:s0+$0x20]  }
0x201: {  	v5 =	vbroadcast v5, $0x0;
	v3 =	vshll.u32 v3, v1;
	s3 =	simm.s32 $0xD700;
	v6 =	vmov s6;
	v33 =	vld [tilespmem:s0+$0x30]  }
0x202: {  	v44 =	vbroadcast v3, $0x0;
	s1 =	simm.s32 $0x3;
	v7 =	vld [tilespmem:s3+$0x0];
	v6 =	vshrl.u32 v6, $0x3  }
0x203: {  	v3 =	vmov s1;
	v8 =	vld [tilespmem:s3+$0xFFFFFF40];
	v6 =	vshll.u32 v6, v1;
	v11 =	vor.u32 v53, v5  }
0x204: {  	s5 =	simm.s32 $0x5;
	v3 =	vshrl.u32 v3, $0x3;
	v9 =	vld [tilespmem:s3+$0xFFFFFF80];
	v37 =	vbroadcast v6, $0x0;
	v6 =	vor.u32 v30, v44;
	[tilespmem:$0x1FCF0] =	vst v11  }
0x205: {  	s8 =	simm.s32 $0x0;
	v4 =	vmov s5;
	v3 =	vshll.u32 v3, v1;
	v10 =	vor.u32 v48, v5;
	v11 =	vld [tilespmem:s3+$0xFFFFFFC0]  }
0x206: {  	s5 =	simm.s32 $0x6;
	v0 =	vmov s8;
	v50 =	vbroadcast v3, $0x0;
	v3 =	vld [tilespmem:s3+$0xFFFFFF00];
	v12 =	vor.u32 v49, v37  }
0x207: {  	v14 =	vmov s5;
	v0 =	vshrl.u32 v0, $0x3;
	v13 =	vld [tilespmem:s3+$0xC0];
	v7 =	vadd.f32 v7, v36  }
0x208: {  	v17 =	vshll.u32 v0, v1;
	v15 =	vor.u32 v29, v50;
	v16 =	vld [tilespmem:s3+$0x80];
	v0 =	vadd.f32 v8, v36  }
0x209: {  	s12 =	simm.s32 $0x7;
	v8 =	vshrl.u32 v14, $0x3;
	v14 =	vld [tilespmem:s3+$0x40];
	v9 =	vadd.f32 v9, v36;
	[tilespmem:v6+s28+$0x0] =	vst.idx.msk $0xffff, v7  }
0x20a: {  	v2 =	vmov s12;
	[tilespmem:v10+s28+$0x0] =	vst.idx.msk $0xffff, v0;
	v6 =	vld [tilespmem:s3+$0x10]  }
0x20b: {  	v2 =	vshrl.u32 v2, $0x3;
	v7 =	vld [tilespmem:s3+$0xFFFFFF50];
	v0 =	vadd.f32 v11, v36;
	[tilespmem:v12+s28+$0x0] =	vst.idx.msk $0xffff, v9  }
0x20c: {  	v2 =	vshll.u32 v2, v1;
	v12 =	vld [tilespmem:$0x1FF50]  }
0x20d: {  	v54 =	vbroadcast v2, $0x0;
	v2 =	vld [tilespmem:s3+$0xFFFFFF90];
	[tilespmem:v15+s28+$0x0] =	vst.idx.msk $0xffff, v0  }
0x20e: {  	v59 =	vld [tilespmem:$0x1FE90]  }
0x20f: {  	v25 =	vld [tilespmem:$0x1FF90]  }
0x210: {  	v0 =	vld [tilespmem:$0x1FF30]  }
0x211: {  	v8 =	vshll.u32 v8, v1;
	v22 =	vld [tilespmem:$0x1FF80]  }
0x212: {  	v52 =	vbroadcast v8, $0x0;
	v8 =	vadd.f32 v13, v36;
	v13 =	vld [tilespmem:s3+$0xFFFFFFD0]  }
0x213: {  	v23 =	vld [tilespmem:$0x1FFD0]  }
0x214: {  	v9 =	vor.u32 v12, v5;
	v25 =	vor.u32 v25, v5;
	v5 =	vld [tilespmem:$0x1FF20]  }
0x215: {  	v4 =	vshrl.u32 v4, $0x3;
	v60 =	vld [tilespmem:$0x1FED0]  }
0x216: {  	v4 =	vshll.u32 v4, v1;
	v57 =	vbroadcast v17, $0x0;
	v63 =	vld [tilespmem:$0x1FEA0];
	v17 =	vor.u32 v22, v37  }
0x217: {  	v4 =	vbroadcast v4, $0x0;
	v56 =	vld [tilespmem:$0x1FEE0]  }
0x218: {  	v24 =	vld [tilespmem:$0x1FF60];
	v18 =	vor.u32 v23, v50  }
0x219: {  	v46 =	vld [tilespmem:$0x1FFB0];
	v2 =	vadd.f32 v2, v35;
	[tilespmem:$0x1FD00] =	vst v18;
	v5 =	vor.u32 v5, v4  }
0x21a: {  	v19 =	vadd.f32 v6, v35;
	v6 =	vld [tilespmem:$0x1FFC0];
	[tilespmem:$0x1FD20] =	vst v5  }
0x21b: {  	v5 =	vld [tilespmem:$0x1FEF0];
	[tilespmem:v17+s28+$0x0] =	vst.idx.msk $0xffff, v2  }
0x21c: {  	v2 =	vld [tilespmem:$0x1FEB0];
	_ =	sdelay $0x1  }
0x21d: {  	s12 =	simm.s32 $0x9  }
0x21e: {  	s8 =	simm.s32 $0xF;
	v58 =	vmov s12;
	v10 =	vor.u32 v59, v52  }
0x21f: {  	v51 =	vmov s8;
	v39 =	vshrl.u32 v58, $0x3;
	v3 =	vadd.f32 v3, v36  }
0x220: {  	s18 =	simm.s32 $0xD900;
	v62 =	vor.u32 v24, v57;
	v24 =	vor.u32 v31, v4;
	v2 =	vor.u32 v2, v52  }
0x221: {  	v11 =	vor.u32 v32, v44;
	v16 =	vadd.f32 v16, v36;
	v42 =	vld [tilespmem:s18+$0xFFFFFF40];
	[tilespmem:$0x1FD10] =	vst v2;
	v2 =	vor.u32 v47, v57  }
0x222: {  	s12 =	simm.s32 $0xB;
	v14 =	vadd.f32 v14, v36;
	v7 =	vadd.f32 v7, v35;
	v21 =	vor.u32 v6, v50;
	[tilespmem:$0x1FD30] =	vst v2  }
0x223: {  	v58 =	vmov s12;
	s6 =	simm.s32 $0x8;
	v61 =	vor.u32 v0, v4;
	v15 =	vor.u32 v60, v54;
	[tilespmem:v10+s28+$0x0] =	vst.idx.msk $0xffff, v16  }
0x224: {  	v43 =	vmov s6;
	s6 =	simm.s32 $0xA;
	v20 =	vor.u32 v63, v52;
	v18 =	vor.u32 v27, v57;
	v38 =	vld [tilespmem:s3+$0xFFFFFFA0];
	[tilespmem:v9+s28+$0x0] =	vst.idx.msk $0xffff, v7  }
0x225: {  	s31 =	simm.s32 $0xC;
	v13 =	vadd.f32 v13, v35;
	v41 =	vor.u32 v46, v37;
	v16 =	vmov s6;
	[tilespmem:v24+s28+$0x0] =	vst.idx.msk $0xffff, v14;
	v46 =	vld [tilespmem:s3+$0x90]  }
0x226: {  	v55 =	vor.u32 v56, v54;
	v10 =	vmov s31;
	[tilespmem:v11+s28+$0x0] =	vst.idx.msk $0xffff, v19;
	v9 =	vshrl.u32 v16, $0x3;
	v14 =	vld [tilespmem:s3+$0xFFFFFF60]  }
0x227: {  	v45 =	vld [tilespmem:s18+$0xFFFFFF80];
	[tilespmem:v21+s28+$0x0] =	vst.idx.msk $0xffff, v13;
	v16 =	vshll.u32 v39, v1;
	v10 =	vshrl.u32 v10, $0x3;
	v9 =	vshll.u32 v9, v1  }
0x228: {  	[tilespmem:v15+s28+$0x0] =	vst.idx.msk $0xffff, v8;
	v11 =	vld [tilespmem:s3+$0x50];
	v24 =	vbroadcast v16, $0x0;
	v39 =	vbroadcast v9, $0x0;
	v9 =	vshll.u32 v10, v1  }
0x229: {  	v13 =	vshrl.u32 v43, $0x3;
	[tilespmem:v18+s28+$0x0] =	vst.idx.msk $0xffff, v3;
	v40 =	vbroadcast v9, $0x0;
	v9 =	vld [tilespmem:s18+$0xFFFFFF00];
	v10 =	vadd.f32 v38, v34  }
0x22a: {  	v43 =	vld [tilespmem:s18+$0xC0];
	v19 =	vor.u32 v48, v24;
	v38 =	vor.u32 v53, v24;
	v15 =	vadd.f32 v46, v35  }
0x22b: {  	s31 =	simm.s32 $0xE;
	v16 =	vshrl.u32 v51, $0x3;
	v51 =	vld [tilespmem:s18+$0x0];
	v21 =	vor.u32 v49, v39;
	v14 =	vadd.f32 v14, v34;
	[tilespmem:v41+s28+$0x0] =	vst.idx.msk $0xffff, v10  }
0x22c: {  	v8 =	vor.u32 v30, v40;
	v46 =	vadd.f32 v42, v36;
	[tilespmem:v20+s28+$0x0] =	vst.idx.msk $0xffff, v15;
	v15 =	vmov s31;
	v20 =	vld [tilespmem:s3+$0xD0]  }
0x22d: {  	v18 =	vld [tilespmem:s3+$0xFFFFFF10];
	v11 =	vadd.f32 v11, v35;
	v41 =	vshrl.u32 v58, $0x3;
	[tilespmem:v25+s28+$0x0] =	vst.idx.msk $0xffff, v14;
	v15 =	vshrl.u32 v15, $0x3  }
0x22e: {  	v14 =	vld [tilespmem:s3+$0x20];
	v48 =	vadd.f32 v9, v36;
	v9 =	vshll.u32 v15, v1;
	v15 =	vshll.u32 v41, v1  }
0x22f: {  	v53 =	vld [tilespmem:s18+$0xFFFFFFC0];
	v3 =	vadd.f32 v45, v36;
	v49 =	vadd.f32 v43, v36;
	[tilespmem:v61+s28+$0x0] =	vst.idx.msk $0xffff, v11;
	v43 =	vbroadcast v15, $0x0  }
0x230: {  	v17 =	vor.u32 v28, v44;
	v25 =	vadd.f32 v51, v36;
	[tilespmem:v19+s28+$0x0] =	vst.idx.msk $0xffff, v46  }
0x231: {  	s8 =	simm.s32 $0xD;
	[tilespmem:v21+s28+$0x0] =	vst.idx.msk $0xffff, v3;
	v41 =	vbroadcast v9, $0x0;
	v3 =	vadd.f32 v20, v35;
	v9 =	vor.u32 v29, v43  }
0x232: {  	v7 =	vmov s8;
	[tilespmem:v8+s28+$0x0] =	vst.idx.msk $0xffff, v25;
	v25 =	vor.u32 v12, v24;
	v12 =	vadd.f32 v18, v35  }
0x233: {  	v7 =	vshrl.u32 v7, $0x3;
	[tilespmem:v55+s28+$0x0] =	vst.idx.msk $0xffff, v3;
	v3 =	vadd.f32 v14, v34  }
0x234: {  	v7 =	vshll.u32 v7, v1;
	[tilespmem:v62+s28+$0x0] =	vst.idx.msk $0xffff, v12;
	v14 =	vadd.f32 v53, v36  }
0x235: {  	v42 =	vbroadcast v7, $0x0;
	[tilespmem:v17+s28+$0x0] =	vst.idx.msk $0xffff, v3  }
0x236: {  	[tilespmem:v9+s28+$0x0] =	vst.idx.msk $0xffff, v14  }
0x237: {  	v47 =	vor.u32 v0, v42;
	v0 =	vld [tilespmem:$0x1FE80];
	_ =	sdelay $0x1  }
0x238: {  	v16 =	vshll.u32 v16, v1  }
0x239: {  	v45 =	vbroadcast v16, $0x0  }
0x23a: {  	v11 =	vld [tilespmem:s3+$0xE0]  }
0x23b: {  	v53 =	vor.u32 v60, v45;
	v60 =	vor.u32 v0, v4;
	v0 =	vld [tilespmem:$0x1FCF0]  }
0x23c: {  	v8 =	vld [tilespmem:s3+$0xFFFFFF70]  }
0x23d: {  	v5 =	vor.u32 v5, v54;
	_ =	sdelay $0x2  }
0x23e: {  	v11 =	vadd.f32 v11, v34  }
0x23f: {  	v12 =	vadd.f32 v8, v33  }
0x240: {  	[tilespmem:v5+s28+$0x0] =	vst.idx.msk $0xffff, v11  }
0x241: {  	[tilespmem:v0+s28+$0x0] =	vst.idx.msk $0xffff, v12  }
0x242: {  	v0 =	vld [tilespmem:$0x1FD00]  }
0x243: {  	v16 =	vld [tilespmem:s3+$0xFFFFFFE0];
	_ =	sdelay $0x2  }
0x244: {  	v2 =	vld [tilespmem:s18+$0x80]  }
0x245: {  	v13 =	vshll.u32 v13, v1  }
0x246: {  	v18 =	vor.u32 v26, v44;
	v44 =	vbroadcast v13, $0x0;
	v13 =	vadd.f32 v16, v34;
	_ =	sdelay $0x1  }
0x247: {  	[tilespmem:v0+s28+$0x0] =	vst.idx.msk $0xffff, v13  }
0x248: {  	v8 =	vadd.f32 v2, v36;
	v2 =	vld [tilespmem:$0x1FD10]  }
0x249: {  	v7 =	vld [tilespmem:s3+$0xA0];
	_ =	sdelay $0x4  }
0x24a: {  	v7 =	vadd.f32 v7, v34;
	_ =	sdelay $0x1  }
0x24b: {  	v0 =	vld [tilespmem:$0x1FE60];
	[tilespmem:v2+s28+$0x0] =	vst.idx.msk $0xffff, v7  }
0x24c: {  	v2 =	vld [tilespmem:$0x1FF00];
	_ =	sdelay $0x4  }
0x24d: {  	v11 =	vor.u32 v2, v54;
	v2 =	vld [tilespmem:$0x1FD20]  }
0x24e: {  	v9 =	vld [tilespmem:s3+$0x60];
	_ =	sdelay $0x1  }
0x24f: {  	v10 =	vld [tilespmem:s18+$0x40];
	_ =	sdelay $0x2  }
0x250: {  	v16 =	vadd.f32 v9, v34;
	_ =	sdelay $0x1  }
0x251: {  	v62 =	vadd.f32 v10, v36;
	v10 =	vld [tilespmem:s3+$0x30];
	[tilespmem:v2+s28+$0x0] =	vst.idx.msk $0xffff, v16  }
0x252: {  	v2 =	vld [tilespmem:$0x1FEC0];
	_ =	sdelay $0x4  }
0x253: {  	v13 =	vadd.f32 v10, v33;
	v10 =	vor.u32 v2, v52;
	v2 =	vld [tilespmem:$0x1FFF0];
	_ =	sdelay $0x3  }
0x254: {  	[tilespmem:v18+s28+$0x0] =	vst.idx.msk $0xffff, v13  }
0x255: {  	v5 =	vor.u32 v2, v57;
	v2 =	vld [tilespmem:$0x1FF60];
	_ =	sdelay $0x1  }
0x256: {  	v15 =	vld [tilespmem:s18+$0x10];
	_ =	sdelay $0x1  }
0x257: {  	v58 =	vld [tilespmem:s3+$0xFFFFFFB0];
	v19 =	vor.u32 v32, v40  }
0x258: {  	v54 =	vor.u32 v2, v44;
	v2 =	vld [tilespmem:$0x1FF90];
	_ =	sdelay $0x1  }
0x259: {  	v4 =	vadd.f32 v15, v35;
	_ =	sdelay $0x1  }
0x25a: {  	[tilespmem:v19+s28+$0x0] =	vst.idx.msk $0xffff, v4  }
0x25b: {  	v61 =	vadd.f32 v58, v33;
	v58 =	vor.u32 v63, v41;
	v63 =	vor.u32 v2, v24;
	v2 =	vld [tilespmem:$0x1FF20];
	_ =	sdelay $0x4  }
0x25c: {  	v9 =	vor.u32 v0, v50;
	v50 =	vor.u32 v2, v42;
	v2 =	vld [tilespmem:$0x1FEF0]  }
0x25d: {  	v17 =	vld [tilespmem:s18+$0xFFFFFF50];
	_ =	sdelay $0x3  }
0x25e: {  	v52 =	vor.u32 v2, v45;
	v2 =	vld [tilespmem:$0x1FD30]  }
0x25f: {  	v20 =	vadd.f32 v17, v35;
	v17 =	vld [tilespmem:s3+$0xFFFFFF20];
	_ =	sdelay $0x3  }
0x260: {  	v7 =	vld [tilespmem:s3+$0xF0]  }
0x261: {  	v13 =	vadd.f32 v17, v34  }
0x262: {  	v15 =	vld [tilespmem:s18+$0xFFFFFFD0];
	[tilespmem:v25+s28+$0x0] =	vst.idx.msk $0xffff, v20  }
0x263: {  	v12 =	vld [tilespmem:s18+$0xFFFFFF90];
	[tilespmem:v2+s28+$0x0] =	vst.idx.msk $0xffff, v13  }
0x264: {  	v4 =	vld [tilespmem:$0x1FFB0]  }
0x265: {  	v17 =	vadd.f32 v7, v33;
	v7 =	vld [tilespmem:$0x1FEB0];
	_ =	sdelay $0x1  }
0x266: {  	v0 =	vor.u32 v6, v43;
	v6 =	vadd.f32 v15, v35;
	v15 =	vld [tilespmem:s3+$0xFFFFFFF0]  }
0x267: {  	v56 =	vor.u32 v56, v45;
	v59 =	vor.u32 v59, v41;
	v14 =	vadd.f32 v12, v35;
	v12 =	vld [tilespmem:s3+$0xB0]  }
0x268: {  	v46 =	vor.u32 v23, v43;
	v55 =	vor.u32 v27, v44;
	v3 =	vor.u32 v22, v39;
	v2 =	vld [tilespmem:s3+$0x70]  }
0x269: {  	s5 =	simm.s32 $0xDB00;
	s12 =	simm.s32 $0x10;
	v16 =	vor.u32 v31, v42;
	v13 =	vld [tilespmem:s3+$0xFFFFFF30];
	v4 =	vor.u32 v4, v39;
	v51 =	vor.u32 v7, v41  }
.LBB2_7:
0x26a: {  	_ =	sdelay $0x3  }
0x26b: {  	v18 =	vld [tilespmem:s5+$0xFFFFFF40];
	[tilespmem:v16+s28+$0x0] =	vst.idx.msk $0xffff, v62  }
0x26c: {  	v7 =	vld [tilespmem:$0x1FF10];
	s1 =	smov.u32 s12;
	[tilespmem:v59+s28+$0x0] =	vst.idx.msk $0xffff, v8  }
0x26d: {  	[tilespmem:v3+s28+$0x0] =	vst.idx.msk $0xffff, v14;
	s31 =	sadd.s32 $0x2, s1;
	v59 =	vld [tilespmem:s5+$0x0];
	v3 =	vadd.f32 v15, v33  }
0x26e: {  	s6 =	sadd.s32 $0x4, s1;
	[tilespmem:v11+s28+$0x0] =	vst.idx.msk $0xffff, v17;
	v8 =	vld [tilespmem:s5+$0x80];
	v17 =	vmov s31;
	v12 =	vadd.f32 v12, v33  }
0x26f: {  	v14 =	vmov s6;
	v24 =	vld [tilespmem:s5+$0xC0];
	v16 =	vshrl.u32 v17, $0x3;
	[tilespmem:v9+s28+$0x0] =	vst.idx.msk $0xffff, v3;
	v3 =	vadd.f32 v2, v33  }
0x270: {  	v9 =	vshll.u32 v16, v1;
	v16 =	vld [tilespmem:s18+$0x90];
	[tilespmem:v10+s28+$0x0] =	vst.idx.msk $0xffff, v12;
	v10 =	vshrl.u32 v14, $0x3  }
0x271: {  	v17 =	vld [tilespmem:s18+$0x50];
	[tilespmem:v60+s28+$0x0] =	vst.idx.msk $0xffff, v3;
	v3 =	vshll.u32 v10, v1  }
0x272: {  	s0 =	sadd.s32 $0x7, s12;
	v21 =	vld [tilespmem:s18+$0xFFFFFFA0];
	v3 =	vbroadcast v3, $0x0  }
0x273: {  	v20 =	vmov s0;
	s0 =	sadd.s32 $0x1, s1;
	v12 =	vld [tilespmem:s18+$0xFFFFFF60]  }
0x274: {  	v22 =	vld [tilespmem:$0x1FFE0];
	v19 =	vmov s1;
	s8 =	sadd.s32 $0x5, s1;
	v11 =	vmov s0;
	[tilespmem:v0+s28+$0x0] =	vst.idx.msk $0xffff, v6;
	v0 =	vor.u32 v30, v3  }
0x275: {  	v62 =	vld [tilespmem:$0x1FFA0];
	v11 =	vshrl.u32 v11, $0x3;
	v15 =	vmov s8;
	v13 =	vadd.f32 v13, v33  }
0x276: {  	[tilespmem:v53+s28+$0x0] =	vst.idx.msk $0xffff, v49;
	v15 =	vshrl.u32 v15, $0x3;
	v2 =	vshll.u32 v11, v1;
	v49 =	vadd.f32 v24, v36;
	v24 =	vld [tilespmem:$0x1FF30]  }
0x277: {  	v11 =	vshrl.u32 v20, $0x3;
	v14 =	vld [tilespmem:$0x1FF40];
	v10 =	vadd.f32 v21, v34;
	v21 =	vadd.f32 v59, v36  }
0x278: {  	[tilespmem:v5+s28+$0x0] =	vst.idx.msk $0xffff, v13;
	v13 =	vshrl.u32 v19, $0x3;
	v19 =	vld [tilespmem:$0x1FF70];
	v15 =	vshll.u32 v15, v1;
	v12 =	vadd.f32 v12, v34  }
0x279: {  	v22 =	vor.u32 v22, v37;
	v6 =	vshll.u32 v11, v1;
	v11 =	vld [tilespmem:s18+$0x20];
	[tilespmem:v0+s28+$0x0] =	vst.idx.msk $0xffff, v21;
	v0 =	vbroadcast v15, $0x0  }
0x27a: {  	v37 =	vmovc v39;
	v2 =	vbroadcast v2, $0x0;
	v39 =	vbroadcast v9, $0x0;
	v17 =	vadd.f32 v17, v35;
	v9 =	vld [tilespmem:s5+$0x40];
	[tilespmem:v63+s28+$0x0] =	vst.idx.msk $0xffff, v12  }
0x27b: {  	v25 =	vld [tilespmem:s18+$0xFFFFFF70];
	v24 =	vor.u32 v24, v0  }
0x27c: {  	[tilespmem:v47+s28+$0x0] =	vst.idx.msk $0xffff, v17;
	v14 =	vor.u32 v14, v2;
	v47 =	vmov v24;
	v24 =	vld [tilespmem:$0x1FE80]  }
0x27d: {  	v5 =	vld [tilespmem:s5+$0xFFFFFF00];
	[tilespmem:v55+s28+$0x0] =	vst.idx.msk $0xffff, v48  }
0x27e: {  	s3 =	sadd.s32 $0x6, s1;
	s1 =	sadd.s32 $0x3, s1;
	v23 =	vld [tilespmem:s5+$0xFFFFFF80];
	[tilespmem:v22+s28+$0x0] =	vst.idx.msk $0xffff, v61  }
0x27f: {  	v60 =	vmov s1;
	v55 =	vld [tilespmem:s18+$0xFFFFFF10];
	[tilespmem:v4+s28+$0x0] =	vst.idx.msk $0xffff, v10;
	v4 =	vadd.f32 v18, v36  }
0x280: {  	v20 =	vor.u32 v62, v2;
	v62 =	vld [tilespmem:$0x1FE90];
	v22 =	vshrl.u32 v60, $0x3  }
0x281: {  	v61 =	vld [tilespmem:$0x1FF50];
	[tilespmem:v14+s28+$0x0] =	vst.idx.msk $0xffff, v4;
	v60 =	vor.u32 v24, v42;
	v42 =	vmov v0;
	v0 =	vadd.f32 v25, v33  }
0x282: {  	v19 =	vor.u32 v19, v39;
	v16 =	vadd.f32 v16, v35;
	v14 =	vld [tilespmem:s5+$0xFFFFFF50]  }
0x283: {  	v57 =	vor.u32 v7, v44;
	v18 =	vmov s3;
	[tilespmem:v38+s28+$0x0] =	vst.idx.msk $0xffff, v0;
	v0 =	vld [tilespmem:$0x1FEA0]  }
0x284: {  	v7 =	vor.u32 v28, v40;
	v18 =	vshrl.u32 v18, $0x3;
	v5 =	vadd.f32 v5, v36;
	[tilespmem:v58+s28+$0x0] =	vst.idx.msk $0xffff, v16;
	v16 =	vld [tilespmem:s18+$0xD0]  }
0x285: {  	v23 =	vadd.f32 v23, v36;
	v10 =	vld [tilespmem:s5+$0xFFFFFFC0];
	v22 =	vshll.u32 v22, v1;
	v18 =	vshll.u32 v18, v1  }
0x286: {  	v12 =	vld [tilespmem:s18+$0xFFFFFFB0];
	v18 =	vbroadcast v18, $0x0;
	v48 =	vmov v5;
	v5 =	vbroadcast v22, $0x0  }
0x287: {  	v22 =	vor.u32 v26, v40;
	v40 =	vmov v3;
	[tilespmem:v19+s28+$0x0] =	vst.idx.msk $0xffff, v23;
	v23 =	vor.u32 v32, v3;
	v3 =	vld [tilespmem:$0x1FFD0]  }
0x288: {  	v11 =	vadd.f32 v11, v34;
	v58 =	vor.u32 v0, v18;
	v0 =	vld [tilespmem:$0x1FE60]  }
0x289: {  	v15 =	vld [tilespmem:s18+$0xA0];
	v59 =	vor.u32 v62, v18;
	v16 =	vadd.f32 v16, v35  }
0x28a: {  	v62 =	vadd.f32 v9, v36;
	v9 =	vadd.f32 v55, v35;
	v19 =	vld [tilespmem:s5+$0x10];
	[tilespmem:v7+s28+$0x0] =	vst.idx.msk $0xffff, v11  }
0x28b: {  	v11 =	vld [tilespmem:s18+$0x30];
	[tilespmem:v56+s28+$0x0] =	vst.idx.msk $0xffff, v16  }
0x28c: {  	[tilespmem:v54+s28+$0x0] =	vst.idx.msk $0xffff, v9;
	v17 =	vld [tilespmem:s18+$0xE0]  }
0x28d: {  	v16 =	vor.u32 v29, v5;
	v56 =	vor.u32 v3, v5;
	v9 =	vor.u32 v0, v43;
	v43 =	vmovc v5;
	v5 =	vld [tilespmem:$0x1FF00];
	_ =	sdelay $0x2  }
0x28e: {  	v4 =	vadd.f32 v10, v36;
	v10 =	vld [tilespmem:s18+$0xFFFFFFE0]  }
0x28f: {  	v21 =	vor.u32 v61, v2;
	v61 =	vadd.f32 v12, v33;
	v12 =	vadd.f32 v15, v34  }
0x290: {  	v15 =	vadd.f32 v17, v34;
	v17 =	vadd.f32 v11, v33;
	v11 =	vor.u32 v5, v45;
	v5 =	vld [tilespmem:$0x1FEE0];
	_ =	sdelay $0x1  }
0x291: {  	v6 =	vbroadcast v6, $0x0  }
0x292: {  	v7 =	vld [tilespmem:s18+$0x60];
	v10 =	vadd.f32 v10, v34;
	[tilespmem:v16+s28+$0x0] =	vst.idx.msk $0xffff, v4  }
0x293: {  	v16 =	vld [tilespmem:s5+$0xFFFFFFD0];
	v45 =	vmov v6  }
0x294: {  	[tilespmem:v46+s28+$0x0] =	vst.idx.msk $0xffff, v10;
	v46 =	vmov v56;
	v56 =	vor.u32 v5, v45;
	v5 =	vld [tilespmem:$0x1FEC0];
	_ =	sdelay $0x3  }
0x295: {  	v7 =	vadd.f32 v7, v34  }
0x296: {  	v10 =	vor.u32 v5, v41;
	v5 =	vld [tilespmem:$0x1FFF0]  }
0x297: {  	[tilespmem:v50+s28+$0x0] =	vst.idx.msk $0xffff, v7;
	v7 =	vld [tilespmem:$0x1FF60]  }
0x298: {  	v13 =	vshll.u32 v13, v1  }
0x299: {  	v13 =	vbroadcast v13, $0x0  }
0x29a: {  	v63 =	vld [tilespmem:$0x1FED0]  }
0x29b: {  	v4 =	vld [tilespmem:s18+$0xFFFFFF20];
	v5 =	vor.u32 v5, v44;
	v44 =	vmov v13  }
0x29c: {  	v54 =	vor.u32 v7, v44;
	v7 =	vld [tilespmem:$0x1FF90];
	_ =	sdelay $0x2  }
0x29d: {  	v3 =	vld [tilespmem:$0x1FF80]  }
0x29e: {  	v53 =	vor.u32 v63, v6;
	v24 =	vld [tilespmem:s5+$0xFFFFFF90]  }
0x29f: {  	[tilespmem:v52+s28+$0x0] =	vst.idx.msk $0xffff, v15;
	v4 =	vadd.f32 v4, v34;
	v63 =	vor.u32 v7, v2;
	v2 =	vld [tilespmem:$0x1FF20]  }
0x2a0: {  	v38 =	vmov v20;
	v20 =	vld [tilespmem:s18+$0xF0]  }
0x2a1: {  	[tilespmem:v57+s28+$0x0] =	vst.idx.msk $0xffff, v4;
	v4 =	vld [tilespmem:$0x1FFB0]  }
0x2a2: {  	v0 =	vld [tilespmem:$0x1FFC0]  }
0x2a3: {  	v25 =	vadd.f32 v14, v35;
	v7 =	vld [tilespmem:$0x1FEB0]  }
0x2a4: {  	p2 =	slt.u32 s12, $0x78;
	[tilespmem:v51+s28+$0x0] =	vst.idx.msk $0xffff, v12;
	v50 =	vor.u32 v2, v42;
	v2 =	vld [tilespmem:$0x1FEF0]  }
.Ltmp4:
0x2a5: {  	v8 =	vadd.f32 v8, v36;
	v19 =	vadd.f32 v19, v35;
	[tilespmem:v21+s28+$0x0] =	vst.idx.msk $0xffff, v25;
	(pc) =	sbr.rel @p2 .LBB2_7-.Ltmp4, $4  }
0x2a6: {  	v55 =	vor.u32 v27, v13;
	v12 =	vld [tilespmem:s18+$0xB0];
	v3 =	vor.u32 v3, v39;
	[tilespmem:v22+s28+$0x0] =	vst.idx.msk $0xffff, v17  }
0x2a7: {  	v15 =	vld [tilespmem:s18+$0xFFFFFFF0];
	v14 =	vadd.f32 v24, v35;
	[tilespmem:v23+s28+$0x0] =	vst.idx.msk $0xffff, v19;
	v17 =	vadd.f32 v20, v33  }
0x2a8: {  	v4 =	vor.u32 v4, v39;
	v0 =	vor.u32 v0, v43;
	v6 =	vadd.f32 v16, v35;
	v41 =	vmovc v18;
	v13 =	vld [tilespmem:s18+$0xFFFFFF30]  }
0x2a9: {  	s12 =	sadd.s32 $0x8, s12;
	v16 =	vor.u32 v31, v42;
	v51 =	vor.u32 v7, v41;
	v52 =	vor.u32 v2, v45;
	v2 =	vld [tilespmem:s18+$0x70];
	s18 =	smov.u32 s5;
	s5 =	sadd.s32 $0x200, s5  }
0x2aa: {  	_ =	sdelay $0x3  }
0x2ab: {  	[tilespmem:v59+s28+$0x0] =	vst.idx.msk $0xffff, v8  }
0x2ac: {  	[tilespmem:v3+s28+$0x0] =	vst.idx.msk $0xffff, v14  }
0x2ad: {  	[tilespmem:v53+s28+$0x0] =	vst.idx.msk $0xffff, v49  }
0x2ae: {  	[tilespmem:v11+s28+$0x0] =	vst.idx.msk $0xffff, v17  }
0x2af: {  	v14 =	vld [tilespmem:$0x1FFE0];
	_ =	sdelay $0x2  }
0x2b0: {  	v3 =	vadd.f32 v15, v33  }
0x2b1: {  	v7 =	vld [tilespmem:s18+$0xD0];
	[tilespmem:v16+s28+$0x0] =	vst.idx.msk $0xffff, v62  }
0x2b2: {  	[tilespmem:v9+s28+$0x0] =	vst.idx.msk $0xffff, v3;
	v3 =	vld [tilespmem:s18+$0x90];
	v8 =	vor.u32 v14, v37  }
0x2b3: {  	[tilespmem:v55+s28+$0x0] =	vst.idx.msk $0xffff, v48;
	v9 =	vld [tilespmem:s18+$0x50];
	v2 =	vadd.f32 v2, v33  }
0x2b4: {  	v11 =	vadd.f32 v12, v33;
	[tilespmem:v0+s28+$0x0] =	vst.idx.msk $0xffff, v6  }
0x2b5: {  	[tilespmem:v60+s28+$0x0] =	vst.idx.msk $0xffff, v2;
	v2 =	vld [tilespmem:s18+$0xFFFFFF10]  }
0x2b6: {  	[tilespmem:v10+s28+$0x0] =	vst.idx.msk $0xffff, v11;
	v10 =	vld [tilespmem:s18+$0xFFFFFF60];
	v7 =	vadd.f32 v7, v35  }
0x2b7: {  	v3 =	vadd.f32 v3, v35;
	[tilespmem:v8+s28+$0x0] =	vst.idx.msk $0xffff, v61;
	v8 =	vld [tilespmem:s18+$0x20]  }
0x2b8: {  	[tilespmem:v56+s28+$0x0] =	vst.idx.msk $0xffff, v7;
	v0 =	vadd.f32 v9, v35  }
0x2b9: {  	v7 =	vor.u32 v28, v40;
	v9 =	vadd.f32 v13, v33;
	[tilespmem:v58+s28+$0x0] =	vst.idx.msk $0xffff, v3  }
0x2ba: {  	[tilespmem:v47+s28+$0x0] =	vst.idx.msk $0xffff, v0;
	v0 =	vadd.f32 v2, v35  }
0x2bb: {  	v6 =	vld [tilespmem:s18+$0xE0];
	[tilespmem:v5+s28+$0x0] =	vst.idx.msk $0xffff, v9;
	v2 =	vadd.f32 v10, v34  }
0x2bc: {  	v3 =	vld [tilespmem:s18+$0xFFFFFFE0];
	[tilespmem:v54+s28+$0x0] =	vst.idx.msk $0xffff, v0;
	v8 =	vadd.f32 v8, v34  }
0x2bd: {  	v11 =	vld [tilespmem:s18+$0xA0];
	[tilespmem:v63+s28+$0x0] =	vst.idx.msk $0xffff, v2  }
0x2be: {  	v5 =	vld [tilespmem:s18+$0x60];
	[tilespmem:v7+s28+$0x0] =	vst.idx.msk $0xffff, v8  }
0x2bf: {  	v47 =	vld [tilespmem:$0x1FF10]  }
0x2c0: {  	v9 =	vld [tilespmem:s18+$0xFFFFFFA0]  }
0x2c1: {  	v2 =	vadd.f32 v6, v34  }
0x2c2: {  	v0 =	vld [tilespmem:s18+$0xFFFFFF20];
	v3 =	vadd.f32 v3, v34  }
0x2c3: {  	v6 =	vld [tilespmem:s18+$0xFFFFFF70];
	v10 =	vadd.f32 v11, v34;
	[tilespmem:v52+s28+$0x0] =	vst.idx.msk $0xffff, v2  }
0x2c4: {  	v8 =	vld [tilespmem:s18+$0x30];
	v2 =	vadd.f32 v5, v34;
	[tilespmem:v46+s28+$0x0] =	vst.idx.msk $0xffff, v3;
	v7 =	vor.u32 v47, v44  }
0x2c5: {  	v5 =	vadd.f32 v9, v34;
	[tilespmem:v51+s28+$0x0] =	vst.idx.msk $0xffff, v10;
	v3 =	vld [tilespmem:s18+$0xF0]  }
0x2c6: {  	v9 =	vor.u32 v26, v40;
	v10 =	vld [tilespmem:$0x1FF00];
	[tilespmem:v50+s28+$0x0] =	vst.idx.msk $0xffff, v2  }
0x2c7: {  	v0 =	vadd.f32 v0, v34;
	v11 =	vld [tilespmem:s18+$0xFFFFFFF0];
	[tilespmem:v4+s28+$0x0] =	vst.idx.msk $0xffff, v5  }
0x2c8: {  	v4 =	vadd.f32 v6, v33;
	v5 =	vld [tilespmem:$0x1FE60]  }
0x2c9: {  	v13 =	vld [tilespmem:$0x1FEC0];
	v8 =	vadd.f32 v8, v33;
	[tilespmem:v7+s28+$0x0] =	vst.idx.msk $0xffff, v0  }
0x2ca: {  	v0 =	vld [tilespmem:$0x1FE80];
	[tilespmem:v38+s28+$0x0] =	vst.idx.msk $0xffff, v4  }
0x2cb: {  	v2 =	vld [tilespmem:s18+$0xB0];
	[tilespmem:v9+s28+$0x0] =	vst.idx.msk $0xffff, v8  }
0x2cc: {  	v10 =	vor.u32 v10, v45;
	v9 =	vld [tilespmem:$0x1FFF0]  }
0x2cd: {  	v12 =	vld [tilespmem:s18+$0xFFFFFFB0];
	v5 =	vor.u32 v5, v43  }
0x2ce: {  	v6 =	vld [tilespmem:s18+$0x70];
	v13 =	vor.u32 v13, v41  }
0x2cf: {  	v3 =	vadd.f32 v3, v33;
	v4 =	vld [tilespmem:s18+$0xFFFFFF30];
	v8 =	vor.u32 v14, v39  }
0x2d0: {  	v7 =	vadd.f32 v11, v33;
	v0 =	vor.u32 v0, v42  }
0x2d1: {  	v2 =	vadd.f32 v2, v33;
	[tilespmem:v10+s28+$0x0] =	vst.idx.msk $0xffff, v3;
	v9 =	vor.u32 v9, v44  }
0x2d2: {  	[tilespmem:v5+s28+$0x0] =	vst.idx.msk $0xffff, v7;
	v5 =	vadd.f32 v12, v33  }
0x2d3: {  	s0 =	sshll.u32 s17, $0x12;
	v3 =	vadd.f32 v6, v33;
	[tilespmem:v13+s28+$0x0] =	vst.idx.msk $0xffff, v2  }
0x2d4: {  	s0 =	sor.u32 s7, s0;
	v2 =	vadd.f32 v4, v33;
	[tilespmem:v8+s28+$0x0] =	vst.idx.msk $0xffff, v5  }
0x2d5: {  	s0 =	sshrl.u32 s0, $0x3;
	[tilespmem:v0+s28+$0x0] =	vst.idx.msk $0xffff, v3  }
0x2d6: {  	s0 =	sadd.s32 s2, s0;
	[tilespmem:v9+s28+$0x0] =	vst.idx.msk $0xffff, v2  }
0x2d7: {  	[hbm4b:s0+s22] =	stream.strided.scatter [tilespmem:s28], [sflag:$0x7], $0x2000, s23, s22, $0x38;
	[tilespmem:$0x19600] =	vst v63  }
0x2d8: {  	s1 =	simm.s32 @!p1 $0x80;
	s3 =	simm.s32 @!p1 $0xD600;
	s0 =	sadd.s32 @!p1 $0x3500, s16  }
0x2d9: {  	[tilespmem:s3], [sflag:$0x3] =	stream.indirect.gather @!p1 [hbm4b:s4+s1], $0x40, s0, s1, $0xb8;
	[tilespmem:$0x19600] =	vst v63  }
0x2da: {  	_ =	swait.ge [sflag:s29], $0x2000  }
0x2db: {  	[sflag:s29] =	ssyncset.done $0x0  }
0x2dc: {  	s0 =	simm.s32 @!p0 $0x8;
	[sflag:s29] =	ssyncadd.s32 $0xFFFFE000  }
0x2dd: {  	_ =	swait.ge @!p0 [sflag:s0], $0x2000  }
0x2de: {  	s15 =	sor.u32 $0x3, s15;
	v48 =	vld [tilespmem:$0x1FF40]  }
0x2df: {  	s6 =	sshll.u32 s15, $0x6;
	[sflag:s0] =	ssyncset.done @!p0 $0x0;
	v53 =	vld [tilespmem:$0x1FFA0]  }
0x2e0: {  	s17 =	simm.s32 $0x1;
	v49 =	vld [tilespmem:$0x1FF70];
	[sflag:s0] =	ssyncadd.s32 @!p0 $0xFFFFE000;
	s0 =	sand.u32 $0x3FFFFFC0, s6  }
0x2e1: {  	v5 =	vmov s17;
	s16 =	simm.s32 $0x4;
	v36 =	vld [tilespmem:s0+$0x0]  }
0x2e2: {  	v5 =	vshrl.u32 v5, $0x3;
	v3 =	vmov s16;
	v35 =	vld [tilespmem:s0+$0x10]  }
0x2e3: {  	v5 =	vshll.u32 v5, v1;
	v3 =	vshrl.u32 v3, $0x3;
	s6 =	simm.s32 $0x2;
	v34 =	vld [tilespmem:s0+$0x20]  }
0x2e4: {  	v5 =	vbroadcast v5, $0x0;
	s3 =	simm.s32 $0xF700;
	v3 =	vshll.u32 v3, v1;
	v6 =	vmov s6;
	v33 =	vld [tilespmem:s0+$0x30]  }
0x2e5: {  	s18 =	simm.s32 $0x3;
	v44 =	vbroadcast v3, $0x0;
	v7 =	vld [tilespmem:s3+$0x0];
	v6 =	vshrl.u32 v6, $0x3  }
0x2e6: {  	v3 =	vmov s18;
	v8 =	vld [tilespmem:s3+$0xFFFFFF40];
	v6 =	vshll.u32 v6, v1;
	v11 =	vor.u32 v53, v5  }
0x2e7: {  	v3 =	vshrl.u32 v3, $0x3;
	v9 =	vld [tilespmem:s3+$0xFFFFFF80];
	v37 =	vbroadcast v6, $0x0;
	v6 =	vor.u32 v30, v44;
	[tilespmem:$0x1FCA0] =	vst v11  }
0x2e8: {  	s8 =	simm.s32 $0x0;
	v3 =	vshll.u32 v3, v1;
	v10 =	vor.u32 v48, v5;
	v11 =	vld [tilespmem:s3+$0xFFFFFFC0]  }
0x2e9: {  	s31 =	simm.s32 $0x6;
	v0 =	vmov s8;
	v50 =	vbroadcast v3, $0x0;
	v3 =	vld [tilespmem:s3+$0xFFFFFF00];
	v12 =	vor.u32 v49, v37  }
0x2ea: {  	v14 =	vmov s31;
	v0 =	vshrl.u32 v0, $0x3;
	v13 =	vld [tilespmem:s3+$0xC0];
	v7 =	vadd.f32 v7, v36  }
0x2eb: {  	v17 =	vshll.u32 v0, v1;
	v15 =	vor.u32 v29, v50;
	v16 =	vld [tilespmem:s3+$0x80];
	v0 =	vadd.f32 v8, v36  }
0x2ec: {  	s12 =	simm.s32 $0x7;
	v8 =	vshrl.u32 v14, $0x3;
	v14 =	vld [tilespmem:s3+$0x40];
	v9 =	vadd.f32 v9, v36;
	[tilespmem:v6+s30+$0x0] =	vst.idx.msk $0xffff, v7  }
0x2ed: {  	v2 =	vmov s12;
	[tilespmem:v10+s30+$0x0] =	vst.idx.msk $0xffff, v0;
	v6 =	vld [tilespmem:s3+$0x10]  }
0x2ee: {  	v2 =	vshrl.u32 v2, $0x3;
	v7 =	vld [tilespmem:s3+$0xFFFFFF50];
	v0 =	vadd.f32 v11, v36;
	[tilespmem:v12+s30+$0x0] =	vst.idx.msk $0xffff, v9  }
0x2ef: {  	v2 =	vshll.u32 v2, v1;
	v12 =	vld [tilespmem:$0x1FF50]  }
0x2f0: {  	v54 =	vbroadcast v2, $0x0;
	v2 =	vld [tilespmem:s3+$0xFFFFFF90];
	[tilespmem:v15+s30+$0x0] =	vst.idx.msk $0xffff, v0  }
0x2f1: {  	v59 =	vld [tilespmem:$0x1FE90]  }
0x2f2: {  	v25 =	vld [tilespmem:$0x1FF90]  }
0x2f3: {  	v0 =	vld [tilespmem:$0x1FF30]  }
0x2f4: {  	v8 =	vshll.u32 v8, v1;
	v22 =	vld [tilespmem:$0x1FF80]  }
0x2f5: {  	v52 =	vbroadcast v8, $0x0;
	v8 =	vadd.f32 v13, v36;
	v13 =	vld [tilespmem:s3+$0xFFFFFFD0]  }
0x2f6: {  	s5 =	simm.s32 $0x5;
	v23 =	vld [tilespmem:$0x1FFD0]  }
0x2f7: {  	v4 =	vmov s5;
	v9 =	vor.u32 v12, v5;
	v25 =	vor.u32 v25, v5;
	v5 =	vld [tilespmem:$0x1FF20]  }
0x2f8: {  	v4 =	vshrl.u32 v4, $0x3;
	v60 =	vld [tilespmem:$0x1FED0]  }
0x2f9: {  	v4 =	vshll.u32 v4, v1;
	v57 =	vbroadcast v17, $0x0;
	v63 =	vld [tilespmem:$0x1FEA0];
	v17 =	vor.u32 v22, v37  }
0x2fa: {  	v4 =	vbroadcast v4, $0x0;
	v56 =	vld [tilespmem:$0x1FEE0]  }
0x2fb: {  	v24 =	vld [tilespmem:$0x1FF60];
	v18 =	vor.u32 v23, v50  }
0x2fc: {  	v46 =	vld [tilespmem:$0x1FFB0];
	v2 =	vadd.f32 v2, v35;
	[tilespmem:$0x1FCB0] =	vst v18;
	v5 =	vor.u32 v5, v4  }
0x2fd: {  	v19 =	vadd.f32 v6, v35;
	v6 =	vld [tilespmem:$0x1FFC0];
	[tilespmem:$0x1FCD0] =	vst v5  }
0x2fe: {  	v5 =	vld [tilespmem:$0x1FEF0];
	[tilespmem:v17+s30+$0x0] =	vst.idx.msk $0xffff, v2  }
0x2ff: {  	v2 =	vld [tilespmem:$0x1FEB0];
	_ =	sdelay $0x1  }
0x300: {  	s5 =	simm.s32 $0xF  }
0x301: {  	v51 =	vmov s5;
	s1 =	simm.s32 $0x8;
	s6 =	simm.s32 $0x9;
	v10 =	vor.u32 v59, v52  }
0x302: {  	v43 =	vmov s1;
	v58 =	vmov s6;
	v3 =	vadd.f32 v3, v36  }
0x303: {  	s16 =	simm.s32 $0xF900;
	v62 =	vor.u32 v24, v57;
	v24 =	vor.u32 v31, v4;
	v2 =	vor.u32 v2, v52  }
0x304: {  	v11 =	vor.u32 v32, v44;
	v16 =	vadd.f32 v16, v36;
	v42 =	vld [tilespmem:s16+$0xFFFFFF40];
	[tilespmem:$0x1FCC0] =	vst v2;
	v2 =	vor.u32 v47, v57  }
0x305: {  	v14 =	vadd.f32 v14, v36;
	v7 =	vadd.f32 v7, v35;
	v21 =	vor.u32 v6, v50;
	[tilespmem:$0x1FCE0] =	vst v2  }
0x306: {  	s18 =	simm.s32 $0xB;
	v39 =	vshrl.u32 v58, $0x3;
	v61 =	vor.u32 v0, v4;
	v15 =	vor.u32 v60, v54;
	[tilespmem:v10+s30+$0x0] =	vst.idx.msk $0xffff, v16  }
0x307: {  	s12 =	simm.s32 $0xA;
	v58 =	vmov s18;
	v20 =	vor.u32 v63, v52;
	v18 =	vor.u32 v27, v57;
	v38 =	vld [tilespmem:s3+$0xFFFFFFA0];
	[tilespmem:v9+s30+$0x0] =	vst.idx.msk $0xffff, v7  }
0x308: {  	s8 =	simm.s32 $0xC;
	v13 =	vadd.f32 v13, v35;
	v41 =	vor.u32 v46, v37;
	v16 =	vmov s12;
	[tilespmem:v24+s30+$0x0] =	vst.idx.msk $0xffff, v14;
	v46 =	vld [tilespmem:s3+$0x90]  }
0x309: {  	v55 =	vor.u32 v56, v54;
	v10 =	vmov s8;
	[tilespmem:v11+s30+$0x0] =	vst.idx.msk $0xffff, v19;
	v9 =	vshrl.u32 v16, $0x3;
	v14 =	vld [tilespmem:s3+$0xFFFFFF60]  }
0x30a: {  	v45 =	vld [tilespmem:s16+$0xFFFFFF80];
	[tilespmem:v21+s30+$0x0] =	vst.idx.msk $0xffff, v13;
	v16 =	vshll.u32 v39, v1;
	v10 =	vshrl.u32 v10, $0x3;
	v9 =	vshll.u32 v9, v1  }
0x30b: {  	[tilespmem:v15+s30+$0x0] =	vst.idx.msk $0xffff, v8;
	v11 =	vld [tilespmem:s3+$0x50];
	v24 =	vbroadcast v16, $0x0;
	v39 =	vbroadcast v9, $0x0;
	v9 =	vshll.u32 v10, v1  }
0x30c: {  	v13 =	vshrl.u32 v43, $0x3;
	[tilespmem:v18+s30+$0x0] =	vst.idx.msk $0xffff, v3;
	v40 =	vbroadcast v9, $0x0;
	v9 =	vld [tilespmem:s16+$0xFFFFFF00];
	v10 =	vadd.f32 v38, v34  }
0x30d: {  	v43 =	vld [tilespmem:s16+$0xC0];
	v19 =	vor.u32 v48, v24;
	v38 =	vor.u32 v53, v24;
	v15 =	vadd.f32 v46, v35  }
0x30e: {  	s31 =	simm.s32 $0xE;
	v16 =	vshrl.u32 v51, $0x3;
	v51 =	vld [tilespmem:s16+$0x0];
	v21 =	vor.u32 v49, v39;
	v14 =	vadd.f32 v14, v34;
	[tilespmem:v41+s30+$0x0] =	vst.idx.msk $0xffff, v10  }
0x30f: {  	v8 =	vor.u32 v30, v40;
	v46 =	vadd.f32 v42, v36;
	[tilespmem:v20+s30+$0x0] =	vst.idx.msk $0xffff, v15;
	v15 =	vmov s31;
	v20 =	vld [tilespmem:s3+$0xD0]  }
0x310: {  	v18 =	vld [tilespmem:s3+$0xFFFFFF10];
	v11 =	vadd.f32 v11, v35;
	v41 =	vshrl.u32 v58, $0x3;
	[tilespmem:v25+s30+$0x0] =	vst.idx.msk $0xffff, v14;
	v15 =	vshrl.u32 v15, $0x3  }
0x311: {  	v14 =	vld [tilespmem:s3+$0x20];
	v48 =	vadd.f32 v9, v36;
	v9 =	vshll.u32 v15, v1;
	v15 =	vshll.u32 v41, v1  }
0x312: {  	v53 =	vld [tilespmem:s16+$0xFFFFFFC0];
	v3 =	vadd.f32 v45, v36;
	v49 =	vadd.f32 v43, v36;
	[tilespmem:v61+s30+$0x0] =	vst.idx.msk $0xffff, v11;
	v43 =	vbroadcast v15, $0x0  }
0x313: {  	v17 =	vor.u32 v28, v44;
	v25 =	vadd.f32 v51, v36;
	[tilespmem:v19+s30+$0x0] =	vst.idx.msk $0xffff, v46  }
0x314: {  	s17 =	simm.s32 $0xD;
	[tilespmem:v21+s30+$0x0] =	vst.idx.msk $0xffff, v3;
	v41 =	vbroadcast v9, $0x0;
	v3 =	vadd.f32 v20, v35;
	v9 =	vor.u32 v29, v43  }
0x315: {  	v7 =	vmov s17;
	[tilespmem:v8+s30+$0x0] =	vst.idx.msk $0xffff, v25;
	v25 =	vor.u32 v12, v24;
	v12 =	vadd.f32 v18, v35  }
0x316: {  	v7 =	vshrl.u32 v7, $0x3;
	[tilespmem:v55+s30+$0x0] =	vst.idx.msk $0xffff, v3;
	v3 =	vadd.f32 v14, v34  }
0x317: {  	v7 =	vshll.u32 v7, v1;
	[tilespmem:v62+s30+$0x0] =	vst.idx.msk $0xffff, v12;
	v14 =	vadd.f32 v53, v36  }
0x318: {  	v42 =	vbroadcast v7, $0x0;
	[tilespmem:v17+s30+$0x0] =	vst.idx.msk $0xffff, v3  }
0x319: {  	[tilespmem:v9+s30+$0x0] =	vst.idx.msk $0xffff, v14  }
0x31a: {  	v47 =	vor.u32 v0, v42;
	v0 =	vld [tilespmem:$0x1FE80];
	_ =	sdelay $0x1  }
0x31b: {  	v16 =	vshll.u32 v16, v1  }
0x31c: {  	v45 =	vbroadcast v16, $0x0  }
0x31d: {  	v11 =	vld [tilespmem:s3+$0xE0]  }
0x31e: {  	v53 =	vor.u32 v60, v45;
	v60 =	vor.u32 v0, v4;
	v0 =	vld [tilespmem:$0x1FCA0]  }
0x31f: {  	v8 =	vld [tilespmem:s3+$0xFFFFFF70]  }
0x320: {  	v5 =	vor.u32 v5, v54;
	_ =	sdelay $0x2  }
0x321: {  	v11 =	vadd.f32 v11, v34  }
0x322: {  	v12 =	vadd.f32 v8, v33  }
0x323: {  	[tilespmem:v5+s30+$0x0] =	vst.idx.msk $0xffff, v11  }
0x324: {  	[tilespmem:v0+s30+$0x0] =	vst.idx.msk $0xffff, v12  }
0x325: {  	v0 =	vld [tilespmem:$0x1FCB0]  }
0x326: {  	v16 =	vld [tilespmem:s3+$0xFFFFFFE0];
	_ =	sdelay $0x2  }
0x327: {  	v2 =	vld [tilespmem:s16+$0x80]  }
0x328: {  	v13 =	vshll.u32 v13, v1  }
0x329: {  	v18 =	vor.u32 v26, v44;
	v44 =	vbroadcast v13, $0x0;
	v13 =	vadd.f32 v16, v34;
	_ =	sdelay $0x1  }
0x32a: {  	[tilespmem:v0+s30+$0x0] =	vst.idx.msk $0xffff, v13  }
0x32b: {  	v8 =	vadd.f32 v2, v36;
	v2 =	vld [tilespmem:$0x1FCC0]  }
0x32c: {  	v7 =	vld [tilespmem:s3+$0xA0];
	_ =	sdelay $0x4  }
0x32d: {  	v7 =	vadd.f32 v7, v34;
	_ =	sdelay $0x1  }
0x32e: {  	v0 =	vld [tilespmem:$0x1FE60];
	[tilespmem:v2+s30+$0x0] =	vst.idx.msk $0xffff, v7  }
0x32f: {  	v2 =	vld [tilespmem:$0x1FF00];
	_ =	sdelay $0x4  }
0x330: {  	v11 =	vor.u32 v2, v54;
	v2 =	vld [tilespmem:$0x1FCD0]  }
0x331: {  	v9 =	vld [tilespmem:s3+$0x60];
	_ =	sdelay $0x1  }
0x332: {  	v10 =	vld [tilespmem:s16+$0x40];
	_ =	sdelay $0x2  }
0x333: {  	v16 =	vadd.f32 v9, v34;
	_ =	sdelay $0x1  }
0x334: {  	v62 =	vadd.f32 v10, v36;
	v10 =	vld [tilespmem:s3+$0x30];
	[tilespmem:v2+s30+$0x0] =	vst.idx.msk $0xffff, v16  }
0x335: {  	v2 =	vld [tilespmem:$0x1FEC0];
	_ =	sdelay $0x4  }
0x336: {  	v13 =	vadd.f32 v10, v33;
	v10 =	vor.u32 v2, v52;
	v2 =	vld [tilespmem:$0x1FFF0];
	_ =	sdelay $0x3  }
0x337: {  	[tilespmem:v18+s30+$0x0] =	vst.idx.msk $0xffff, v13  }
0x338: {  	v5 =	vor.u32 v2, v57;
	v2 =	vld [tilespmem:$0x1FF60];
	_ =	sdelay $0x1  }
0x339: {  	v15 =	vld [tilespmem:s16+$0x10];
	_ =	sdelay $0x1  }
0x33a: {  	v58 =	vld [tilespmem:s3+$0xFFFFFFB0];
	v19 =	vor.u32 v32, v40  }
0x33b: {  	v54 =	vor.u32 v2, v44;
	v2 =	vld [tilespmem:$0x1FF90];
	_ =	sdelay $0x1  }
0x33c: {  	v4 =	vadd.f32 v15, v35;
	_ =	sdelay $0x1  }
0x33d: {  	[tilespmem:v19+s30+$0x0] =	vst.idx.msk $0xffff, v4  }
0x33e: {  	v61 =	vadd.f32 v58, v33;
	v58 =	vor.u32 v63, v41;
	v63 =	vor.u32 v2, v24;
	v2 =	vld [tilespmem:$0x1FF20];
	_ =	sdelay $0x4  }
0x33f: {  	v9 =	vor.u32 v0, v50;
	v50 =	vor.u32 v2, v42;
	v2 =	vld [tilespmem:$0x1FEF0]  }
0x340: {  	v17 =	vld [tilespmem:s16+$0xFFFFFF50];
	_ =	sdelay $0x3  }
0x341: {  	v52 =	vor.u32 v2, v45;
	v2 =	vld [tilespmem:$0x1FCE0]  }
0x342: {  	v20 =	vadd.f32 v17, v35;
	v17 =	vld [tilespmem:s3+$0xFFFFFF20];
	_ =	sdelay $0x3  }
0x343: {  	v7 =	vld [tilespmem:s3+$0xF0]  }
0x344: {  	v13 =	vadd.f32 v17, v34  }
0x345: {  	v15 =	vld [tilespmem:s16+$0xFFFFFFD0];
	[tilespmem:v25+s30+$0x0] =	vst.idx.msk $0xffff, v20  }
0x346: {  	v12 =	vld [tilespmem:s16+$0xFFFFFF90];
	[tilespmem:v2+s30+$0x0] =	vst.idx.msk $0xffff, v13  }
0x347: {  	v4 =	vld [tilespmem:$0x1FFB0]  }
0x348: {  	v17 =	vadd.f32 v7, v33;
	v7 =	vld [tilespmem:$0x1FEB0];
	_ =	sdelay $0x1  }
0x349: {  	v0 =	vor.u32 v6, v43;
	v6 =	vadd.f32 v15, v35;
	v15 =	vld [tilespmem:s3+$0xFFFFFFF0]  }
0x34a: {  	v56 =	vor.u32 v56, v45;
	v59 =	vor.u32 v59, v41;
	v14 =	vadd.f32 v12, v35;
	v12 =	vld [tilespmem:s3+$0xB0]  }
0x34b: {  	v46 =	vor.u32 v23, v43;
	v55 =	vor.u32 v27, v44;
	v3 =	vor.u32 v22, v39;
	v2 =	vld [tilespmem:s3+$0x70]  }
0x34c: {  	s5 =	simm.s32 $0xFB00;
	s12 =	simm.s32 $0x10;
	v16 =	vor.u32 v31, v42;
	v13 =	vld [tilespmem:s3+$0xFFFFFF30];
	v4 =	vor.u32 v4, v39;
	v51 =	vor.u32 v7, v41  }
.LBB2_9:
0x34d: {  	_ =	sdelay $0x3  }
0x34e: {  	v18 =	vld [tilespmem:s5+$0xFFFFFF40];
	[tilespmem:v16+s30+$0x0] =	vst.idx.msk $0xffff, v62  }
0x34f: {  	v7 =	vld [tilespmem:$0x1FF10];
	s1 =	smov.u32 s12;
	[tilespmem:v59+s30+$0x0] =	vst.idx.msk $0xffff, v8  }
0x350: {  	[tilespmem:v3+s30+$0x0] =	vst.idx.msk $0xffff, v14;
	s17 =	sadd.s32 $0x2, s1;
	v59 =	vld [tilespmem:s5+$0x0];
	v3 =	vadd.f32 v15, v33  }
0x351: {  	s6 =	sadd.s32 $0x4, s1;
	[tilespmem:v11+s30+$0x0] =	vst.idx.msk $0xffff, v17;
	v8 =	vld [tilespmem:s5+$0x80];
	v17 =	vmov s17;
	v12 =	vadd.f32 v12, v33  }
0x352: {  	v14 =	vmov s6;
	v24 =	vld [tilespmem:s5+$0xC0];
	v16 =	vshrl.u32 v17, $0x3;
	[tilespmem:v9+s30+$0x0] =	vst.idx.msk $0xffff, v3;
	v3 =	vadd.f32 v2, v33  }
0x353: {  	v9 =	vshll.u32 v16, v1;
	v16 =	vld [tilespmem:s16+$0x90];
	[tilespmem:v10+s30+$0x0] =	vst.idx.msk $0xffff, v12;
	v10 =	vshrl.u32 v14, $0x3  }
0x354: {  	v17 =	vld [tilespmem:s16+$0x50];
	[tilespmem:v60+s30+$0x0] =	vst.idx.msk $0xffff, v3;
	v3 =	vshll.u32 v10, v1  }
0x355: {  	v21 =	vld [tilespmem:s16+$0xFFFFFFA0];
	v3 =	vbroadcast v3, $0x0  }
0x356: {  	s0 =	sadd.s32 $0x7, s12;
	v19 =	vmov s1;
	s31 =	sadd.s32 $0x1, s1;
	v12 =	vld [tilespmem:s16+$0xFFFFFF60]  }
0x357: {  	v22 =	vld [tilespmem:$0x1FFE0];
	s8 =	sadd.s32 $0x5, s1;
	v20 =	vmov s0;
	v11 =	vmov s31;
	[tilespmem:v0+s30+$0x0] =	vst.idx.msk $0xffff, v6;
	v0 =	vor.u32 v30, v3  }
0x358: {  	v62 =	vld [tilespmem:$0x1FFA0];
	v11 =	vshrl.u32 v11, $0x3;
	v15 =	vmov s8;
	v13 =	vadd.f32 v13, v33  }
0x359: {  	[tilespmem:v53+s30+$0x0] =	vst.idx.msk $0xffff, v49;
	v15 =	vshrl.u32 v15, $0x3;
	v2 =	vshll.u32 v11, v1;
	v49 =	vadd.f32 v24, v36;
	v24 =	vld [tilespmem:$0x1FF30]  }
0x35a: {  	v11 =	vshrl.u32 v20, $0x3;
	v14 =	vld [tilespmem:$0x1FF40];
	v10 =	vadd.f32 v21, v34;
	v21 =	vadd.f32 v59, v36  }
0x35b: {  	[tilespmem:v5+s30+$0x0] =	vst.idx.msk $0xffff, v13;
	v13 =	vshrl.u32 v19, $0x3;
	v19 =	vld [tilespmem:$0x1FF70];
	v15 =	vshll.u32 v15, v1;
	v12 =	vadd.f32 v12, v34  }
0x35c: {  	v22 =	vor.u32 v22, v37;
	v6 =	vshll.u32 v11, v1;
	v11 =	vld [tilespmem:s16+$0x20];
	[tilespmem:v0+s30+$0x0] =	vst.idx.msk $0xffff, v21;
	v0 =	vbroadcast v15, $0x0  }
0x35d: {  	v37 =	vmovc v39;
	v2 =	vbroadcast v2, $0x0;
	v39 =	vbroadcast v9, $0x0;
	v17 =	vadd.f32 v17, v35;
	v9 =	vld [tilespmem:s5+$0x40];
	[tilespmem:v63+s30+$0x0] =	vst.idx.msk $0xffff, v12  }
0x35e: {  	v25 =	vld [tilespmem:s16+$0xFFFFFF70];
	v24 =	vor.u32 v24, v0  }
0x35f: {  	[tilespmem:v47+s30+$0x0] =	vst.idx.msk $0xffff, v17;
	v14 =	vor.u32 v14, v2;
	v47 =	vmov v24;
	v24 =	vld [tilespmem:$0x1FE80]  }
0x360: {  	v5 =	vld [tilespmem:s5+$0xFFFFFF00];
	[tilespmem:v55+s30+$0x0] =	vst.idx.msk $0xffff, v48  }
0x361: {  	s3 =	sadd.s32 $0x6, s1;
	s1 =	sadd.s32 $0x3, s1;
	v23 =	vld [tilespmem:s5+$0xFFFFFF80];
	[tilespmem:v22+s30+$0x0] =	vst.idx.msk $0xffff, v61  }
0x362: {  	v60 =	vmov s1;
	v55 =	vld [tilespmem:s16+$0xFFFFFF10];
	[tilespmem:v4+s30+$0x0] =	vst.idx.msk $0xffff, v10;
	v4 =	vadd.f32 v18, v36  }
0x363: {  	v20 =	vor.u32 v62, v2;
	v62 =	vld [tilespmem:$0x1FE90];
	v22 =	vshrl.u32 v60, $0x3  }
0x364: {  	v61 =	vld [tilespmem:$0x1FF50];
	[tilespmem:v14+s30+$0x0] =	vst.idx.msk $0xffff, v4;
	v60 =	vor.u32 v24, v42;
	v42 =	vmov v0;
	v0 =	vadd.f32 v25, v33  }
0x365: {  	v19 =	vor.u32 v19, v39;
	v16 =	vadd.f32 v16, v35;
	v14 =	vld [tilespmem:s5+$0xFFFFFF50]  }
0x366: {  	v57 =	vor.u32 v7, v44;
	v18 =	vmov s3;
	[tilespmem:v38+s30+$0x0] =	vst.idx.msk $0xffff, v0;
	v0 =	vld [tilespmem:$0x1FEA0]  }
0x367: {  	v7 =	vor.u32 v28, v40;
	v18 =	vshrl.u32 v18, $0x3;
	v5 =	vadd.f32 v5, v36;
	[tilespmem:v58+s30+$0x0] =	vst.idx.msk $0xffff, v16;
	v16 =	vld [tilespmem:s16+$0xD0]  }
0x368: {  	v23 =	vadd.f32 v23, v36;
	v10 =	vld [tilespmem:s5+$0xFFFFFFC0];
	v22 =	vshll.u32 v22, v1;
	v18 =	vshll.u32 v18, v1  }
0x369: {  	v12 =	vld [tilespmem:s16+$0xFFFFFFB0];
	v18 =	vbroadcast v18, $0x0;
	v48 =	vmov v5;
	v5 =	vbroadcast v22, $0x0  }
0x36a: {  	v22 =	vor.u32 v26, v40;
	v40 =	vmov v3;
	[tilespmem:v19+s30+$0x0] =	vst.idx.msk $0xffff, v23;
	v23 =	vor.u32 v32, v3;
	v3 =	vld [tilespmem:$0x1FFD0]  }
0x36b: {  	v11 =	vadd.f32 v11, v34;
	v58 =	vor.u32 v0, v18;
	v0 =	vld [tilespmem:$0x1FE60]  }
0x36c: {  	v15 =	vld [tilespmem:s16+$0xA0];
	v59 =	vor.u32 v62, v18;
	v16 =	vadd.f32 v16, v35  }
0x36d: {  	v62 =	vadd.f32 v9, v36;
	v9 =	vadd.f32 v55, v35;
	v19 =	vld [tilespmem:s5+$0x10];
	[tilespmem:v7+s30+$0x0] =	vst.idx.msk $0xffff, v11  }
0x36e: {  	v11 =	vld [tilespmem:s16+$0x30];
	[tilespmem:v56+s30+$0x0] =	vst.idx.msk $0xffff, v16  }
0x36f: {  	[tilespmem:v54+s30+$0x0] =	vst.idx.msk $0xffff, v9;
	v17 =	vld [tilespmem:s16+$0xE0]  }
0x370: {  	v16 =	vor.u32 v29, v5;
	v56 =	vor.u32 v3, v5;
	v9 =	vor.u32 v0, v43;
	v43 =	vmovc v5;
	v5 =	vld [tilespmem:$0x1FF00];
	_ =	sdelay $0x2  }
0x371: {  	v4 =	vadd.f32 v10, v36;
	v10 =	vld [tilespmem:s16+$0xFFFFFFE0]  }
0x372: {  	v21 =	vor.u32 v61, v2;
	v61 =	vadd.f32 v12, v33;
	v12 =	vadd.f32 v15, v34  }
0x373: {  	v15 =	vadd.f32 v17, v34;
	v17 =	vadd.f32 v11, v33;
	v11 =	vor.u32 v5, v45;
	v5 =	vld [tilespmem:$0x1FEE0];
	_ =	sdelay $0x1  }
0x374: {  	v6 =	vbroadcast v6, $0x0  }
0x375: {  	v7 =	vld [tilespmem:s16+$0x60];
	v10 =	vadd.f32 v10, v34;
	[tilespmem:v16+s30+$0x0] =	vst.idx.msk $0xffff, v4  }
0x376: {  	v16 =	vld [tilespmem:s5+$0xFFFFFFD0];
	v45 =	vmov v6  }
0x377: {  	[tilespmem:v46+s30+$0x0] =	vst.idx.msk $0xffff, v10;
	v46 =	vmov v56;
	v56 =	vor.u32 v5, v45;
	v5 =	vld [tilespmem:$0x1FEC0];
	_ =	sdelay $0x3  }
0x378: {  	v7 =	vadd.f32 v7, v34  }
0x379: {  	v10 =	vor.u32 v5, v41;
	v5 =	vld [tilespmem:$0x1FFF0]  }
0x37a: {  	[tilespmem:v50+s30+$0x0] =	vst.idx.msk $0xffff, v7;
	v7 =	vld [tilespmem:$0x1FF60]  }
0x37b: {  	v13 =	vshll.u32 v13, v1  }
0x37c: {  	v13 =	vbroadcast v13, $0x0  }
0x37d: {  	v63 =	vld [tilespmem:$0x1FED0]  }
0x37e: {  	v4 =	vld [tilespmem:s16+$0xFFFFFF20];
	v5 =	vor.u32 v5, v44;
	v44 =	vmov v13  }
0x37f: {  	v54 =	vor.u32 v7, v44;
	v7 =	vld [tilespmem:$0x1FF90];
	_ =	sdelay $0x2  }
0x380: {  	v3 =	vld [tilespmem:$0x1FF80]  }
0x381: {  	v53 =	vor.u32 v63, v6;
	v24 =	vld [tilespmem:s5+$0xFFFFFF90]  }
0x382: {  	[tilespmem:v52+s30+$0x0] =	vst.idx.msk $0xffff, v15;
	v4 =	vadd.f32 v4, v34;
	v63 =	vor.u32 v7, v2;
	v2 =	vld [tilespmem:$0x1FF20]  }
0x383: {  	v38 =	vmov v20;
	v20 =	vld [tilespmem:s16+$0xF0]  }
0x384: {  	[tilespmem:v57+s30+$0x0] =	vst.idx.msk $0xffff, v4;
	v4 =	vld [tilespmem:$0x1FFB0]  }
0x385: {  	v0 =	vld [tilespmem:$0x1FFC0]  }
0x386: {  	v25 =	vadd.f32 v14, v35;
	v7 =	vld [tilespmem:$0x1FEB0]  }
0x387: {  	p0 =	slt.u32 s12, $0x78;
	[tilespmem:v51+s30+$0x0] =	vst.idx.msk $0xffff, v12;
	v50 =	vor.u32 v2, v42;
	v2 =	vld [tilespmem:$0x1FEF0]  }
.Ltmp5:
0x388: {  	v8 =	vadd.f32 v8, v36;
	v19 =	vadd.f32 v19, v35;
	[tilespmem:v21+s30+$0x0] =	vst.idx.msk $0xffff, v25;
	(pc) =	sbr.rel @p0 .LBB2_9-.Ltmp5, $4  }
0x389: {  	v55 =	vor.u32 v27, v13;
	v12 =	vld [tilespmem:s16+$0xB0];
	v3 =	vor.u32 v3, v39;
	[tilespmem:v22+s30+$0x0] =	vst.idx.msk $0xffff, v17  }
0x38a: {  	v15 =	vld [tilespmem:s16+$0xFFFFFFF0];
	v14 =	vadd.f32 v24, v35;
	[tilespmem:v23+s30+$0x0] =	vst.idx.msk $0xffff, v19;
	v17 =	vadd.f32 v20, v33  }
0x38b: {  	v4 =	vor.u32 v4, v39;
	v0 =	vor.u32 v0, v43;
	v6 =	vadd.f32 v16, v35;
	v41 =	vmovc v18;
	v13 =	vld [tilespmem:s16+$0xFFFFFF30]  }
0x38c: {  	s12 =	sadd.s32 $0x8, s12;
	v16 =	vor.u32 v31, v42;
	v51 =	vor.u32 v7, v41;
	v52 =	vor.u32 v2, v45;
	v2 =	vld [tilespmem:s16+$0x70];
	s16 =	smov.u32 s5;
	s5 =	sadd.s32 $0x200, s5  }
0x38d: {  	v29 =	vld [tilespmem:$0x1FF20]  }
0x38e: {  	v57 =	vld [tilespmem:$0x1FF30]  }
0x38f: {  	v25 =	vld [tilespmem:$0x1FFD0]  }
0x390: {  	v24 =	vld [tilespmem:$0x1FFC0]  }
0x391: {  	v22 =	vld [tilespmem:$0x1FFB0]  }
0x392: {  	v21 =	vld [tilespmem:$0x1FF80]  }
0x393: {  	v20 =	vld [tilespmem:$0x1FF70]  }
0x394: {  	v19 =	vld [tilespmem:$0x1FFA0]  }
0x395: {  	v18 =	vld [tilespmem:$0x1FF90]  }
0x396: {  	v32 =	vld [tilespmem:$0x1FF50]  }
0x397: {  	v31 =	vld [tilespmem:$0x1FF40]  }
0x398: {  	v36 =	vld [tilespmem:$0x1FF60];
	[tilespmem:v59+s30+$0x0] =	vst.idx.msk $0xffff, v8  }
0x399: {  	[tilespmem:v3+s30+$0x0] =	vst.idx.msk $0xffff, v14  }
0x39a: {  	[tilespmem:v53+s30+$0x0] =	vst.idx.msk $0xffff, v49  }
0x39b: {  	[tilespmem:v11+s30+$0x0] =	vst.idx.msk $0xffff, v17  }
0x39c: {  	v23 =	vld [tilespmem:$0x1FFE0]  }
0x39d: {  	v7 =	vld [tilespmem:s16+$0xD0];
	[tilespmem:v16+s30+$0x0] =	vst.idx.msk $0xffff, v62  }
0x39e: {  	v3 =	vadd.f32 v15, v33;
	v49 =	vld [tilespmem:s16+$0x50]  }
0x39f: {  	[tilespmem:v55+s30+$0x0] =	vst.idx.msk $0xffff, v48  }
0x3a0: {  	[tilespmem:v9+s30+$0x0] =	vst.idx.msk $0xffff, v3;
	v3 =	vld [tilespmem:s16+$0x90];
	v2 =	vadd.f32 v2, v33  }
0x3a1: {  	v55 =	vld [tilespmem:s16+$0x20];
	[tilespmem:v0+s30+$0x0] =	vst.idx.msk $0xffff, v6;
	v15 =	vor.u32 v23, v37;
	v37 =	vadd.f32 v12, v33  }
0x3a2: {  	[tilespmem:v60+s30+$0x0] =	vst.idx.msk $0xffff, v2;
	v7 =	vadd.f32 v7, v35  }
0x3a3: {  	v2 =	vld [tilespmem:s16+$0xFFFFFF10];
	v60 =	vor.u32 v28, v40;
	v0 =	vadd.f32 v49, v35;
	[tilespmem:v10+s30+$0x0] =	vst.idx.msk $0xffff, v37  }
0x3a4: {  	v53 =	vld [tilespmem:s16+$0xFFFFFF60];
	[tilespmem:v56+s30+$0x0] =	vst.idx.msk $0xffff, v7  }
0x3a5: {  	v3 =	vadd.f32 v3, v35;
	[tilespmem:v47+s30+$0x0] =	vst.idx.msk $0xffff, v0  }
0x3a6: {  	v8 =	vadd.f32 v55, v34;
	[tilespmem:v15+s30+$0x0] =	vst.idx.msk $0xffff, v61  }
0x3a7: {  	v59 =	vld [tilespmem:s16+$0xE0];
	v61 =	vadd.f32 v13, v33;
	[tilespmem:v58+s30+$0x0] =	vst.idx.msk $0xffff, v3  }
0x3a8: {  	v12 =	vld [tilespmem:s16+$0x60];
	v0 =	vadd.f32 v2, v35;
	[tilespmem:v60+s30+$0x0] =	vst.idx.msk $0xffff, v8  }
0x3a9: {  	v3 =	vld [tilespmem:s16+$0xFFFFFFE0];
	v2 =	vadd.f32 v53, v34;
	[tilespmem:v5+s30+$0x0] =	vst.idx.msk $0xffff, v61  }
0x3aa: {  	v62 =	vld [tilespmem:s16+$0xA0];
	[tilespmem:v54+s30+$0x0] =	vst.idx.msk $0xffff, v0  }
0x3ab: {  	v13 =	vld [tilespmem:s16+$0xFFFFFFA0];
	[tilespmem:v63+s30+$0x0] =	vst.idx.msk $0xffff, v2  }
0x3ac: {  	v49 =	vld [tilespmem:$0x1FF10]  }
0x3ad: {  	v2 =	vadd.f32 v59, v34  }
0x3ae: {  	v3 =	vadd.f32 v3, v34  }
0x3af: {  	v0 =	vld [tilespmem:s16+$0xFFFFFF20];
	[tilespmem:v52+s30+$0x0] =	vst.idx.msk $0xffff, v2;
	v37 =	vadd.f32 v62, v34  }
0x3b0: {  	v14 =	vld [tilespmem:s16+$0xFFFFFF70];
	v2 =	vadd.f32 v12, v34;
	[tilespmem:v46+s30+$0x0] =	vst.idx.msk $0xffff, v3  }
0x3b1: {  	v8 =	vld [tilespmem:s16+$0x30];
	v46 =	vadd.f32 v13, v34;
	v35 =	vor.u32 v49, v44;
	[tilespmem:v51+s30+$0x0] =	vst.idx.msk $0xffff, v37  }
0x3b2: {  	v17 =	vld [tilespmem:$0x1FF00];
	[tilespmem:v50+s30+$0x0] =	vst.idx.msk $0xffff, v2  }
0x3b3: {  	v47 =	vor.u32 v26, v40;
	v3 =	vld [tilespmem:s16+$0xF0];
	[tilespmem:v4+s30+$0x0] =	vst.idx.msk $0xffff, v46  }
0x3b4: {  	v0 =	vadd.f32 v0, v34;
	v16 =	vld [tilespmem:$0x1FE60]  }
0x3b5: {  	v52 =	vadd.f32 v14, v33;
	v55 =	vld [tilespmem:s16+$0xFFFFFFB0]  }
0x3b6: {  	v8 =	vadd.f32 v8, v33;
	v26 =	vld [tilespmem:$0x1FEC0];
	[tilespmem:v35+s30+$0x0] =	vst.idx.msk $0xffff, v0  }
0x3b7: {  	v58 =	vld [tilespmem:$0x1FE80];
	[tilespmem:v38+s30+$0x0] =	vst.idx.msk $0xffff, v52  }
0x3b8: {  	v48 =	vld [tilespmem:s16+$0xFFFFFFF0];
	[tilespmem:v47+s30+$0x0] =	vst.idx.msk $0xffff, v8  }
0x3b9: {  	v61 =	vor.u32 v23, v39;
	v30 =	vld [tilespmem:$0x1FFF0]  }
0x3ba: {  	v2 =	vld [tilespmem:s16+$0xB0];
	v51 =	vor.u32 v17, v45  }
0x3bb: {  	v54 =	vld [tilespmem:s16+$0x70];
	v53 =	vor.u32 v16, v43  }
0x3bc: {  	v59 =	vld [tilespmem:s16+$0xFFFFFF30];
	v56 =	vor.u32 v26, v41;
	v63 =	vadd.f32 v55, v33  }
0x3bd: {  	v3 =	vadd.f32 v3, v33;
	v0 =	vor.u32 v58, v42  }
0x3be: {  	v60 =	vadd.f32 v48, v33;
	[tilespmem:v61+s30+$0x0] =	vst.idx.msk $0xffff, v63;
	v62 =	vor.u32 v30, v44  }
0x3bf: {  	v2 =	vadd.f32 v2, v33;
	[tilespmem:v51+s30+$0x0] =	vst.idx.msk $0xffff, v3  }
.Ltmp6:
0x3c0: {  	s0 =	sshll.u32 s15, $0x12;
	v3 =	vadd.f32 v54, v33;
	[tilespmem:v53+s30+$0x0] =	vst.idx.msk $0xffff, v60;
	(pc) =	sbr.rel @p1 .LBB2_12-.Ltmp6, $4  }
0x3c1: {  	s0 =	sor.u32 s7, s0;
	[tilespmem:v56+s30+$0x0] =	vst.idx.msk $0xffff, v2;
	v2 =	vadd.f32 v59, v33  }
0x3c2: {  	s0 =	sshrl.u32 s0, $0x3;
	[tilespmem:v0+s30+$0x0] =	vst.idx.msk $0xffff, v3  }
0x3c3: {  	s0 =	sadd.s32 s2, s0;
	[tilespmem:v62+s30+$0x0] =	vst.idx.msk $0xffff, v2  }
0x3c4: {  	[hbm4b:s0+s22] =	stream.strided.scatter [tilespmem:s30], [sflag:$0x8], $0x2000, s23, s22, $0x38;
	[tilespmem:$0x19600] =	vst v63  }
0x3c5: {  	v27 =	vld [tilespmem:$0x1FE70]  }
0x3c6: {  	v47 =	vmov v29;
	v29 =	vld [tilespmem:$0x1FE90]  }
.Ltmp7:
0x3c7: {  	v62 =	vmov v31;
	v31 =	vld [tilespmem:$0x1FEA0];
	(pc) =	sbr.rel .LBB2_2-.Ltmp7, $4  }
0x3c8: {  	s0 =	sshll.u32 s14, $0x9;
	v51 =	vld [tilespmem:$0x1FEB0]  }
0x3c9: {  	v38 =	vld [tilespmem:$0x1FED0];
	s0 =	sand.u32 $0x3FFFFE00, s0  }
0x3ca: {  	s14 =	sadd.s32 $0x1, s14;
	v40 =	vld [tilespmem:$0x1FEE0];
	s0 =	sadd.s32 $0x3580, s0  }
0x3cb: {  	v63 =	vmov v19;
	v61 =	vmov v21;
	v28 =	vmov v57;
	v48 =	vld [tilespmem:$0x1FEF0];
	[tilespmem:s19], [sflag:$0x4] =	stream.indirect.gather [hbm4b:s4+s10], $0x40, s0, s10, $0xb8  }
.LBB2_13:
0x3cc: {  	_ =	sfence.sel $0x180000  }
0x3cd: {  	[bflag:$0x0] =	sbarrier.arrive $0xFFFF  }
0x3ce: {  	_ =	strace $0x90000047  }
0x3cf: {  	s0 =	stileid.u32;
	[bflag:$0x2] =	sbarrier.arrive $0xFFFF  }
0x3d0: {  	p0 =	sne.s32 s0, $0x0;
	s0 =	rddreg [dreg:$0x2]  }
0x3d1: {  	s0 =	sadd.s32 @!p0 $0x100000, s0  }
0x3d2: {  	[sflag:s0] =	ssyncadd.tile.s32 @!p0 $0x1;
	_ =	shalt  }
.Lfunc_end2:
_tile_overlayer_lowered:
.L_overlay_start_2:
0x3d3: {  	(tag) =	ssettag $0x2  }
0x3d4: {  	s0 =	rddreg [dreg:$0x0];
	s2 =	stileid.u32  }
0x3d5: {  	s1 =	rddreg [dreg:$0x1];
	p0 =	sne.s32 s2, $0x0  }
0x3d6: {  	s3 =	rddreg [dreg:$0x2];
	[bflag:$0x3] =	sbarrier.arrive $0xFFFF;
	s2 =	simm.s32 @!p0 $0x1C09  }
0x3d7: {  	[timem:s3], [sflag:s2] =	dma.local @!p0 [hbm:s0], s1  }
0x3d8: {  	s0 =	simm.s32 @!p0 $0x9  }
0x3d9: {  	_ =	swait.ge @!p0 [sflag:s0], s1  }
0x3da: {  	s1 =	ssub.s32 @!p0 $0x0, s1;
	[sflag:s0] =	ssyncset.done @!p0 $0x0  }
0x3db: {  	[sflag:s0] =	ssyncadd.s32 @!p0 s1  }
0x3dc: {  	[bflag:$0x3] =	sbarrier.arrive $0xFFFF  }
0x3dd: {  	_ =	shalt  }

</sc_bundles>
